<compile_context>
chip_gen: v7x
topology: tpu7x:2x2x1
jax: 0.10.2.dev20260603
libtpu: 0.0.44.dev20260713+nightly
codegen_flags: <defaults>
</compile_context>

<pallas_src>
import functools

import numpy as np
import ml_dtypes

import jax
import jax.numpy as jnp
from jax import lax
from jax.experimental import pallas as pl
from jax.experimental.pallas import tpu as pltpu
from jax.experimental.pallas import tpu_sc as plsc


def _build_lut256() -> np.ndarray:
    b = np.arange(256, dtype=np.uint8).view(ml_dtypes.float8_e4m3fn)
    return b.astype(np.float32).view(np.int32)


_LUT256 = _build_lut256()

_NW = 32


def _sc_lookup(bsz: int, seq: int, v: int, h: int):
    b_per_w = bsz // _NW
    n_pair = b_per_w // 2
    mesh = plsc.VectorSubcoreMesh(core_axis_name="c", subcore_axis_name="s")

    @functools.partial(
        pl.kernel,
        out_type=jax.ShapeDtypeStruct((seq, bsz, h), jnp.bfloat16),
        mesh=mesh,
        scratch_types=[
            pltpu.VMEM((256,), jnp.int32),
            pltpu.VMEM((b_per_w, seq), jnp.int32),
            pltpu.VMEM((seq, b_per_w), jnp.int32),
            pltpu.VMEM((seq, b_per_w), jnp.int32),
        ] + [pltpu.VMEM((b_per_w, 128), jnp.int32)] * 2
          + [pltpu.VMEM((b_per_w,), jnp.int32)] * 2
          + [pltpu.VMEM((n_pair, 128), jnp.int32)] * 2
          + [pltpu.SemaphoreType.DMA] * 6,
        compiler_params=pltpu.CompilerParams(needs_layout_passes=False),
    )
    def k(idx_hbm, w_hbm, s_hbm, lut_hbm, out_hbm,
          lut_v, idx2d_v, idxT_v, idxq_v,
          in_0, in_1, sc_0, sc_1, out_0, out_1,
          sem_w0, sem_w1, sem_s0, sem_s1, sem_o0, sem_o1):
        in_b = (in_0, in_1)
        sc_b = (sc_0, sc_1)
        out_b = (out_0, out_1)
        sem_w = (sem_w0, sem_w1)
        sem_s = (sem_s0, sem_s1)
        sem_o = (sem_o0, sem_o1)

        w_line = w_hbm.bitcast(jnp.int32)
        o32 = out_hbm.bitcast(jnp.int32)

        wid = lax.axis_index("s") * 2 + lax.axis_index("c")
        pltpu.sync_copy(lut_hbm, lut_v)
        pltpu.sync_copy(idx_hbm.at[pl.ds(wid * b_per_w, b_per_w), :], idx2d_v)

        iota16 = lax.iota(jnp.int32, 16)

        def tr_body(l, carry):
            l16 = jnp.full((16,), l, jnp.int32)
            for m in range(8):
                col = plsc.load_gather(idx2d_v, [iota16 + 16 * m, l16])
                idxT_v[l, pl.ds(16 * m, 16)] = col
                idxq_v[l, pl.ds(16 * m, 16)] = lax.shift_right_logical(col, 2)
            return carry

        def issue(l, b):
            pltpu.async_copy(w_line.at[idxq_v.at[l]], in_b[b], sem_w[b])
            pltpu.async_copy(s_hbm.at[idxT_v.at[l]], sc_b[b], sem_s[b])

        def wait(l, b):
            pltpu.make_async_copy(w_line.at[idxq_v.at[l]], in_b[b],
                                  sem_w[b]).wait()
            pltpu.make_async_copy(s_hbm.at[idxT_v.at[l]], sc_b[b],
                                  sem_s[b]).wait()

        def owb(l, b):
            return pltpu.make_async_copy(
                out_b[b], o32.at[l, pl.ds(wid * n_pair, n_pair)], sem_o[b])

        def decode_chunk(l, b):
            in_v = in_b[b]
            sc_v = sc_b[b]
            out_v = out_b[b]
            l16 = jnp.full((16,), l, jnp.int32)

            @pl.when(l >= 2)
            def _():
                owb(l - 2, b).wait()

            @plsc.parallel_loop(0, n_pair, unroll=4)
            def pair_body(t):
                r0 = 2 * t
                r1 = 2 * t + 1
                raw0 = plsc.load_gather(idxT_v, [l16, jnp.full((16,), r0,
                                                               jnp.int32)])
                raw1 = plsc.load_gather(idxT_v, [l16, jnp.full((16,), r1,
                                                               jnp.int32)])
                sp0 = plsc.load_gather(sc_v, [jnp.full((16,), r0, jnp.int32)])
                sp1 = plsc.load_gather(sc_v, [jnp.full((16,), r1, jnp.int32)])
                sf0 = plsc.bitcast(sp0 << 16, jnp.float32)
                sf1 = plsc.bitcast(sp1 << 16, jnp.float32)
                sh0 = plsc.bitcast((raw0 & 3) * 8, jnp.uint32)
                sh1 = plsc.bitcast((raw1 & 3) * 8, jnp.uint32)
                for g in range(8):
                    w0 = plsc.bitcast(in_v[r0, pl.ds(16 * g, 16)], jnp.uint32)
                    w1 = plsc.bitcast(in_v[r1, pl.ds(16 * g, 16)], jnp.uint32)
                    b0 = plsc.bitcast((w0 >> sh0) & 0xFF, jnp.int32)
                    b1 = plsc.bitcast((w1 >> sh1) & 0xFF, jnp.int32)
                    f0 = plsc.bitcast(plsc.load_gather(lut_v, [b0]),
                                      jnp.float32) * sf0
                    f1 = plsc.bitcast(plsc.load_gather(lut_v, [b1]),
                                      jnp.float32) * sf1
                    pk = plsc.pack(f0, f1, format=plsc.PackFormat.INTERLEAVED)
                    out_v[t, pl.ds(16 * g, 16)] = plsc.bitcast(pk, jnp.int32)

            pltpu.async_copy(out_v, o32.at[l, pl.ds(wid * n_pair, n_pair)],
                             sem_o[b])

        tr_body(0, 0)
        issue(0, 0)
        lax.fori_loop(1, seq, tr_body, 0)

        def body2(ll, carry):
            for b in range(2):
                l = ll * 2 + b

                @pl.when(l + 1 < seq)
                def _():
                    issue(l + 1, 1 - b)

                wait(l, b)
                decode_chunk(l, b)
            return carry

        lax.fori_loop(0, seq // 2, body2, 0)
        owb(seq - 2, 0).wait()
        owb(seq - 1, 1).wait()

    return k


def kernel(indices, weight, scale):
    b, l = indices.shape
    v, h = weight.shape

    sbits = lax.bitcast_convert_type(scale.reshape(v), jnp.uint16).astype(jnp.uint32)
    s_dup = lax.bitcast_convert_type(sbits | (sbits << 16), jnp.int32)
    lut = jnp.asarray(_LUT256)

    out = _sc_lookup(b, l, v, h)(indices, weight, s_dup, lut)
    return out.transpose(1, 0, 2)

# --- scband reference (transcript-rebuilt; emitter-appended) ---
"""Pipeline reference for scband-fp8-embedding-46359876993189 (READ-ONLY COPY).

The authoritative reference and input builder live on the scoring server;
editing this copy changes nothing except your own understanding.
"""

import jax, jax.numpy as jnp
import numpy as np

VOCAB = 100000
HIDDEN = 128
B = 4096
L = 50


def setup_inputs(seed: int = 0) -> dict:
    key = jax.random.key(seed)
    k1, k2, k3 = jax.random.split(key, 3)
    indices = jax.random.randint(k1, (B, L), 0, VOCAB, dtype=jnp.int32)
    # fp8 weight table (stored as float8_e4m3fn, mirrors torch float8_e4m3fn storage)
    weight = jax.random.normal(k2, (VOCAB, HIDDEN), dtype=jnp.float32).astype(jnp.float8_e4m3fn)
    # per-row dequant scale in model dtype (bfloat16), kept positive like a real quant scale
    scale = (jax.random.uniform(k3, (VOCAB, 1), dtype=jnp.float32) * 0.1 + 0.01).astype(jnp.bfloat16)
    return {"indices": indices, "weight": weight, "scale": scale}


def reference(indices, weight, scale):
    # gather fp8 rows, upcast to model dtype (bfloat16), then dequantize with gathered per-row scales
    gathered = jnp.take(weight, indices, axis=0)           # [B, L, H] fp8
    dequant = gathered.astype(jnp.bfloat16)                # fp8 -> bf16 (matches .to(model_dtype))
    row_scale = jnp.take(scale, indices, axis=0)           # [B, L, 1] bf16
    return dequant * row_scale                             # [B, L, H] bf16

if __name__ == "__main__":
    import jax
    _d = setup_inputs()
    print(jax.jit(kernel)(*tuple(_d.values())))

</pallas_src>

<mosaic_0001>
#map = affine_map<(d0, d1) -> (0, 0)>
#map1 = affine_map<(d0, d1) -> (0)>
#map2 = affine_map<(d0, d1) -> (0, 0, 0)>
module attributes {stable_mosaic.version = 14 : i64} {
  func.func @k(%arg0: i32, %arg1: i32, %arg2: memref<4096x50xi32, #tpu.memory_space<hbm>>, %arg3: memref<100000x128xf8E4M3FN, #tpu.memory_space<hbm>>, %arg4: memref<100000xi32, #tpu.memory_space<hbm>>, %arg5: memref<256xi32, #tpu.memory_space<hbm>>, %arg6: memref<50x4096x128xbf16, #tpu.memory_space<hbm>>, %arg7: memref<256xi32, #tpu.memory_space<vmem>>, %arg8: memref<128x50xi32, #tpu.memory_space<vmem>>, %arg9: memref<50x128xi32, #tpu.memory_space<vmem>>, %arg10: memref<50x128xi32, #tpu.memory_space<vmem>>, %arg11: memref<128x128xi32, #tpu.memory_space<vmem>>, %arg12: memref<128x128xi32, #tpu.memory_space<vmem>>, %arg13: memref<128xi32, #tpu.memory_space<vmem>>, %arg14: memref<128xi32, #tpu.memory_space<vmem>>, %arg15: memref<64x128xi32, #tpu.memory_space<vmem>>, %arg16: memref<64x128xi32, #tpu.memory_space<vmem>>, %arg17: memref<!tpu.dma_semaphore, #tpu.memory_space<semaphore_mem>>, %arg18: memref<!tpu.dma_semaphore, #tpu.memory_space<semaphore_mem>>, %arg19: memref<!tpu.dma_semaphore, #tpu.memory_space<semaphore_mem>>, %arg20: memref<!tpu.dma_semaphore, #tpu.memory_space<semaphore_mem>>, %arg21: memref<!tpu.dma_semaphore, #tpu.memory_space<semaphore_mem>>, %arg22: memref<!tpu.dma_semaphore, #tpu.memory_space<semaphore_mem>>) attributes {dimension_semantics = [#tpu.dimension_semantics<core_parallel>, #tpu.dimension_semantics<subcore_parallel>], iteration_bounds = array<i64: 2, 16>, scalar_prefetch = 0 : i64, scratch_operands = 16 : i64, tpu.core_type = #tpu.core_type<sc_vector_subcore>, window_params = [{transform_indices = #map}, {transform_indices = #map}, {transform_indices = #map1}, {transform_indices = #map1}, {transform_indices = #map2}]} {
    %mul3A = arith.constant 2 : i32
    %mul3A_0 = arith.muli %arg1, %mul3A : i32
    %add3A = arith.addi %mul3A_0, %arg0 : i32
    "tpu.region"() ({
      %run_scoped3A = tpu.sem_alloc : memref<!tpu.dma_semaphore, #tpu.memory_space<semaphore_mem>>
      tpu.enqueue_dma source(%arg5 : memref<256xi32, #tpu.memory_space<hbm>>) target(%arg7 : memref<256xi32, #tpu.memory_space<vmem>>) target_semaphore(%run_scoped3A : memref<!tpu.dma_semaphore, #tpu.memory_space<semaphore_mem>>)
      tpu.wait_dma2 semaphore(%run_scoped3A : memref<!tpu.dma_semaphore, #tpu.memory_space<semaphore_mem>>) src(%arg5 : memref<256xi32, #tpu.memory_space<hbm>>) dst(%arg7 : memref<256xi32, #tpu.memory_space<vmem>>)
      tpu.yield
    }) : () -> ()
    %mul3A_1 = arith.constant 128 : i32
    %mul3A_2 = arith.muli %add3A, %mul3A_1 : i32
    "tpu.region"() ({
      %run_scoped3A = tpu.sem_alloc : memref<!tpu.dma_semaphore, #tpu.memory_space<semaphore_mem>>
      %dma_start3A_166 = arith.constant 0 : i32
      %dma_start3A_167 = tpu.memref_slice %arg2[%mul3A_2, %dma_start3A_166] : memref<4096x50xi32, #tpu.memory_space<hbm>> -> memref<128x50xi32, #tpu.memory_space<hbm>>
      %dma_start3A_168 = arith.constant 0 : i32
      %dma_start3A_169 = tpu.memref_slice %arg2[%mul3A_2, %dma_start3A_168] : memref<4096x50xi32, #tpu.memory_space<hbm>> -> memref<128x50xi32, #tpu.memory_space<hbm>>
      tpu.enqueue_dma source(%dma_start3A_169 : memref<128x50xi32, #tpu.memory_space<hbm>>) target(%arg8 : memref<128x50xi32, #tpu.memory_space<vmem>>) target_semaphore(%run_scoped3A : memref<!tpu.dma_semaphore, #tpu.memory_space<semaphore_mem>>)
      %dma_wait3A_170 = arith.constant 0 : i32
      %dma_wait3A_171 = tpu.memref_slice %arg2[%mul3A_2, %dma_wait3A_170] : memref<4096x50xi32, #tpu.memory_space<hbm>> -> memref<128x50xi32, #tpu.memory_space<hbm>>
      %dma_wait3A_172 = arith.constant 0 : i32
      %dma_wait3A_173 = tpu.memref_slice %arg2[%mul3A_2, %dma_wait3A_172] : memref<4096x50xi32, #tpu.memory_space<hbm>> -> memref<128x50xi32, #tpu.memory_space<hbm>>
      tpu.wait_dma2 semaphore(%run_scoped3A : memref<!tpu.dma_semaphore, #tpu.memory_space<semaphore_mem>>) src(%dma_wait3A_173 : memref<128x50xi32, #tpu.memory_space<hbm>>) dst(%arg8 : memref<128x50xi32, #tpu.memory_space<vmem>>)
      tpu.yield
    }) : () -> ()
    %iota3A = tpu.iota {dimensions = array<i32: 0>} : vector<16xi32>
    %broadcast_in_dim3A = arith.constant 0 : i32
    %broadcast_in_dim3A_3 = vector.broadcast %broadcast_in_dim3A : i32 to vector<16xi32>
    %add3A_4 = arith.constant 0 : i32
    %add3A_5 = vector.broadcast %add3A_4 : i32 to vector<16xi32>
    %add3A_6 = arith.addi %iota3A, %add3A_5 : vector<16xi32>
    %gather3A = tpu.vector_load_idx %arg8[%add3A_6, %broadcast_in_dim3A_3] : memref<128x50xi32, #tpu.memory_space<vmem>>[vector<16xi32>, vector<16xi32>], vector<16xi32>,
    %swap3A = arith.constant 0 : i32
    %swap3A_7 = arith.index_cast %swap3A : i32 to index
    %swap3A_8 = arith.constant 0 : index
    %swap3A_9 = tpu.vector_load %arg9[%swap3A_7, %swap3A_8] {strides = array<i32>} : memref<50x128xi32, #tpu.memory_space<vmem>>, vector<16xi32>,
    tpu.vector_store %arg9[%swap3A_7, %swap3A_8], %gather3A {strides = array<i32>} : memref<50x128xi32, #tpu.memory_space<vmem>>, vector<16xi32>,
    %shift_right_logical3A = arith.constant 2 : i32
    %shift_right_logical3A_10 = vector.broadcast %shift_right_logical3A : i32 to vector<16xi32>
    %shift_right_logical3A_11 = arith.shrui %gather3A, %shift_right_logical3A_10 : vector<16xi32>
    %swap3A_12 = arith.constant 0 : i32
    %swap3A_13 = arith.index_cast %swap3A_12 : i32 to index
    %swap3A_14 = arith.constant 0 : index
    %swap3A_15 = tpu.vector_load %arg10[%swap3A_13, %swap3A_14] {strides = array<i32>} : memref<50x128xi32, #tpu.memory_space<vmem>>, vector<16xi32>,
    tpu.vector_store %arg10[%swap3A_13, %swap3A_14], %shift_right_logical3A_11 {strides = array<i32>} : memref<50x128xi32, #tpu.memory_space<vmem>>, vector<16xi32>,
    %add3A_16 = arith.constant 16 : i32
    %add3A_17 = vector.broadcast %add3A_16 : i32 to vector<16xi32>
    %add3A_18 = arith.addi %iota3A, %add3A_17 : vector<16xi32>
    %gather3A_19 = tpu.vector_load_idx %arg8[%add3A_18, %broadcast_in_dim3A_3] : memref<128x50xi32, #tpu.memory_space<vmem>>[vector<16xi32>, vector<16xi32>], vector<16xi32>,
    %swap3A_20 = arith.constant 0 : i32
    %swap3A_21 = arith.index_cast %swap3A_20 : i32 to index
    %swap3A_22 = arith.constant 16 : index
    %swap3A_23 = tpu.vector_load %arg9[%swap3A_21, %swap3A_22] {strides = array<i32>} : memref<50x128xi32, #tpu.memory_space<vmem>>, vector<16xi32>,
    tpu.vector_store %arg9[%swap3A_21, %swap3A_22], %gather3A_19 {strides = array<i32>} : memref<50x128xi32, #tpu.memory_space<vmem>>, vector<16xi32>,
    %shift_right_logical3A_24 = arith.constant 2 : i32
    %shift_right_logical3A_25 = vector.broadcast %shift_right_logical3A_24 : i32 to vector<16xi32>
    %shift_right_logical3A_26 = arith.shrui %gather3A_19, %shift_right_logical3A_25 : vector<16xi32>
    %swap3A_27 = arith.constant 0 : i32
    %swap3A_28 = arith.index_cast %swap3A_27 : i32 to index
    %swap3A_29 = arith.constant 16 : index
    %swap3A_30 = tpu.vector_load %arg10[%swap3A_28, %swap3A_29] {strides = array<i32>} : memref<50x128xi32, #tpu.memory_space<vmem>>, vector<16xi32>,
    tpu.vector_store %arg10[%swap3A_28, %swap3A_29], %shift_right_logical3A_26 {strides = array<i32>} : memref<50x128xi32, #tpu.memory_space<vmem>>, vector<16xi32>,
    %add3A_31 = arith.constant 32 : i32
    %add3A_32 = vector.broadcast %add3A_31 : i32 to vector<16xi32>
    %add3A_33 = arith.addi %iota3A, %add3A_32 : vector<16xi32>
    %gather3A_34 = tpu.vector_load_idx %arg8[%add3A_33, %broadcast_in_dim3A_3] : memref<128x50xi32, #tpu.memory_space<vmem>>[vector<16xi32>, vector<16xi32>], vector<16xi32>,
    %swap3A_35 = arith.constant 0 : i32
    %swap3A_36 = arith.index_cast %swap3A_35 : i32 to index
    %swap3A_37 = arith.constant 32 : index
    %swap3A_38 = tpu.vector_load %arg9[%swap3A_36, %swap3A_37] {strides = array<i32>} : memref<50x128xi32, #tpu.memory_space<vmem>>, vector<16xi32>,
    tpu.vector_store %arg9[%swap3A_36, %swap3A_37], %gather3A_34 {strides = array<i32>} : memref<50x128xi32, #tpu.memory_space<vmem>>, vector<16xi32>,
    %shift_right_logical3A_39 = arith.constant 2 : i32
    %shift_right_logical3A_40 = vector.broadcast %shift_right_logical3A_39 : i32 to vector<16xi32>
    %shift_right_logical3A_41 = arith.shrui %gather3A_34, %shift_right_logical3A_40 : vector<16xi32>
    %swap3A_42 = arith.constant 0 : i32
    %swap3A_43 = arith.index_cast %swap3A_42 : i32 to index
    %swap3A_44 = arith.constant 32 : index
    %swap3A_45 = tpu.vector_load %arg10[%swap3A_43, %swap3A_44] {strides = array<i32>} : memref<50x128xi32, #tpu.memory_space<vmem>>, vector<16xi32>,
    tpu.vector_store %arg10[%swap3A_43, %swap3A_44], %shift_right_logical3A_41 {strides = array<i32>} : memref<50x128xi32, #tpu.memory_space<vmem>>, vector<16xi32>,
    %add3A_46 = arith.constant 48 : i32
    %add3A_47 = vector.broadcast %add3A_46 : i32 to vector<16xi32>
    %add3A_48 = arith.addi %iota3A, %add3A_47 : vector<16xi32>
    %gather3A_49 = tpu.vector_load_idx %arg8[%add3A_48, %broadcast_in_dim3A_3] : memref<128x50xi32, #tpu.memory_space<vmem>>[vector<16xi32>, vector<16xi32>], vector<16xi32>,
    %swap3A_50 = arith.constant 0 : i32
    %swap3A_51 = arith.index_cast %swap3A_50 : i32 to index
    %swap3A_52 = arith.constant 48 : index
    %swap3A_53 = tpu.vector_load %arg9[%swap3A_51, %swap3A_52] {strides = array<i32>} : memref<50x128xi32, #tpu.memory_space<vmem>>, vector<16xi32>,
    tpu.vector_store %arg9[%swap3A_51, %swap3A_52], %gather3A_49 {strides = array<i32>} : memref<50x128xi32, #tpu.memory_space<vmem>>, vector<16xi32>,
    %shift_right_logical3A_54 = arith.constant 2 : i32
    %shift_right_logical3A_55 = vector.broadcast %shift_right_logical3A_54 : i32 to vector<16xi32>
    %shift_right_logical3A_56 = arith.shrui %gather3A_49, %shift_right_logical3A_55 : vector<16xi32>
    %swap3A_57 = arith.constant 0 : i32
    %swap3A_58 = arith.index_cast %swap3A_57 : i32 to index
    %swap3A_59 = arith.constant 48 : index
    %swap3A_60 = tpu.vector_load %arg10[%swap3A_58, %swap3A_59] {strides = array<i32>} : memref<50x128xi32, #tpu.memory_space<vmem>>, vector<16xi32>,
    tpu.vector_store %arg10[%swap3A_58, %swap3A_59], %shift_right_logical3A_56 {strides = array<i32>} : memref<50x128xi32, #tpu.memory_space<vmem>>, vector<16xi32>,
    %add3A_61 = arith.constant 64 : i32
    %add3A_62 = vector.broadcast %add3A_61 : i32 to vector<16xi32>
    %add3A_63 = arith.addi %iota3A, %add3A_62 : vector<16xi32>
    %gather3A_64 = tpu.vector_load_idx %arg8[%add3A_63, %broadcast_in_dim3A_3] : memref<128x50xi32, #tpu.memory_space<vmem>>[vector<16xi32>, vector<16xi32>], vector<16xi32>,
    %swap3A_65 = arith.constant 0 : i32
    %swap3A_66 = arith.index_cast %swap3A_65 : i32 to index
    %swap3A_67 = arith.constant 64 : index
    %swap3A_68 = tpu.vector_load %arg9[%swap3A_66, %swap3A_67] {strides = array<i32>} : memref<50x128xi32, #tpu.memory_space<vmem>>, vector<16xi32>,
    tpu.vector_store %arg9[%swap3A_66, %swap3A_67], %gather3A_64 {strides = array<i32>} : memref<50x128xi32, #tpu.memory_space<vmem>>, vector<16xi32>,
    %shift_right_logical3A_69 = arith.constant 2 : i32
    %shift_right_logical3A_70 = vector.broadcast %shift_right_logical3A_69 : i32 to vector<16xi32>
    %shift_right_logical3A_71 = arith.shrui %gather3A_64, %shift_right_logical3A_70 : vector<16xi32>
    %swap3A_72 = arith.constant 0 : i32
    %swap3A_73 = arith.index_cast %swap3A_72 : i32 to index
    %swap3A_74 = arith.constant 64 : index
    %swap3A_75 = tpu.vector_load %arg10[%swap3A_73, %swap3A_74] {strides = array<i32>} : memref<50x128xi32, #tpu.memory_space<vmem>>, vector<16xi32>,
    tpu.vector_store %arg10[%swap3A_73, %swap3A_74], %shift_right_logical3A_71 {strides = array<i32>} : memref<50x128xi32, #tpu.memory_space<vmem>>, vector<16xi32>,
    %add3A_76 = arith.constant 80 : i32
    %add3A_77 = vector.broadcast %add3A_76 : i32 to vector<16xi32>
    %add3A_78 = arith.addi %iota3A, %add3A_77 : vector<16xi32>
    %gather3A_79 = tpu.vector_load_idx %arg8[%add3A_78, %broadcast_in_dim3A_3] : memref<128x50xi32, #tpu.memory_space<vmem>>[vector<16xi32>, vector<16xi32>], vector<16xi32>,
    %swap3A_80 = arith.constant 0 : i32
    %swap3A_81 = arith.index_cast %swap3A_80 : i32 to index
    %swap3A_82 = arith.constant 80 : index
    %swap3A_83 = tpu.vector_load %arg9[%swap3A_81, %swap3A_82] {strides = array<i32>} : memref<50x128xi32, #tpu.memory_space<vmem>>, vector<16xi32>,
    tpu.vector_store %arg9[%swap3A_81, %swap3A_82], %gather3A_79 {strides = array<i32>} : memref<50x128xi32, #tpu.memory_space<vmem>>, vector<16xi32>,
    %shift_right_logical3A_84 = arith.constant 2 : i32
    %shift_right_logical3A_85 = vector.broadcast %shift_right_logical3A_84 : i32 to vector<16xi32>
    %shift_right_logical3A_86 = arith.shrui %gather3A_79, %shift_right_logical3A_85 : vector<16xi32>
    %swap3A_87 = arith.constant 0 : i32
    %swap3A_88 = arith.index_cast %swap3A_87 : i32 to index
    %swap3A_89 = arith.constant 80 : index
    %swap3A_90 = tpu.vector_load %arg10[%swap3A_88, %swap3A_89] {strides = array<i32>} : memref<50x128xi32, #tpu.memory_space<vmem>>, vector<16xi32>,
    tpu.vector_store %arg10[%swap3A_88, %swap3A_89], %shift_right_logical3A_86 {strides = array<i32>} : memref<50x128xi32, #tpu.memory_space<vmem>>, vector<16xi32>,
    %add3A_91 = arith.constant 96 : i32
    %add3A_92 = vector.broadcast %add3A_91 : i32 to vector<16xi32>
    %add3A_93 = arith.addi %iota3A, %add3A_92 : vector<16xi32>
    %gather3A_94 = tpu.vector_load_idx %arg8[%add3A_93, %broadcast_in_dim3A_3] : memref<128x50xi32, #tpu.memory_space<vmem>>[vector<16xi32>, vector<16xi32>], vector<16xi32>,
    %swap3A_95 = arith.constant 0 : i32
    %swap3A_96 = arith.index_cast %swap3A_95 : i32 to index
    %swap3A_97 = arith.constant 96 : index
    %swap3A_98 = tpu.vector_load %arg9[%swap3A_96, %swap3A_97] {strides = array<i32>} : memref<50x128xi32, #tpu.memory_space<vmem>>, vector<16xi32>,
    tpu.vector_store %arg9[%swap3A_96, %swap3A_97], %gather3A_94 {strides = array<i32>} : memref<50x128xi32, #tpu.memory_space<vmem>>, vector<16xi32>,
    %shift_right_logical3A_99 = arith.constant 2 : i32
    %shift_right_logical3A_100 = vector.broadcast %shift_right_logical3A_99 : i32 to vector<16xi32>
    %shift_right_logical3A_101 = arith.shrui %gather3A_94, %shift_right_logical3A_100 : vector<16xi32>
    %swap3A_102 = arith.constant 0 : i32
    %swap3A_103 = arith.index_cast %swap3A_102 : i32 to index
    %swap3A_104 = arith.constant 96 : index
    %swap3A_105 = tpu.vector_load %arg10[%swap3A_103, %swap3A_104] {strides = array<i32>} : memref<50x128xi32, #tpu.memory_space<vmem>>, vector<16xi32>,
    tpu.vector_store %arg10[%swap3A_103, %swap3A_104], %shift_right_logical3A_101 {strides = array<i32>} : memref<50x128xi32, #tpu.memory_space<vmem>>, vector<16xi32>,
    %add3A_106 = arith.constant 112 : i32
    %add3A_107 = vector.broadcast %add3A_106 : i32 to vector<16xi32>
    %add3A_108 = arith.addi %iota3A, %add3A_107 : vector<16xi32>
    %gather3A_109 = tpu.vector_load_idx %arg8[%add3A_108, %broadcast_in_dim3A_3] : memref<128x50xi32, #tpu.memory_space<vmem>>[vector<16xi32>, vector<16xi32>], vector<16xi32>,
    %swap3A_110 = arith.constant 0 : i32
    %swap3A_111 = arith.index_cast %swap3A_110 : i32 to index
    %swap3A_112 = arith.constant 112 : index
    %swap3A_113 = tpu.vector_load %arg9[%swap3A_111, %swap3A_112] {strides = array<i32>} : memref<50x128xi32, #tpu.memory_space<vmem>>, vector<16xi32>,
    tpu.vector_store %arg9[%swap3A_111, %swap3A_112], %gather3A_109 {strides = array<i32>} : memref<50x128xi32, #tpu.memory_space<vmem>>, vector<16xi32>,
    %shift_right_logical3A_114 = arith.constant 2 : i32
    %shift_right_logical3A_115 = vector.broadcast %shift_right_logical3A_114 : i32 to vector<16xi32>
    %shift_right_logical3A_116 = arith.shrui %gather3A_109, %shift_right_logical3A_115 : vector<16xi32>
    %swap3A_117 = arith.constant 0 : i32
    %swap3A_118 = arith.index_cast %swap3A_117 : i32 to index
    %swap3A_119 = arith.constant 112 : index
    %swap3A_120 = tpu.vector_load %arg10[%swap3A_118, %swap3A_119] {strides = array<i32>} : memref<50x128xi32, #tpu.memory_space<vmem>>, vector<16xi32>,
    tpu.vector_store %arg10[%swap3A_118, %swap3A_119], %shift_right_logical3A_116 {strides = array<i32>} : memref<50x128xi32, #tpu.memory_space<vmem>>, vector<16xi32>,
    %dma_start3A = arith.constant 0 : i32
    %dma_start3A_121 = arith.constant 0 : i32
    %dma_start3A_122 = tpu.memref_slice %arg10[%dma_start3A, %dma_start3A_121] : memref<50x128xi32, #tpu.memory_space<vmem>> -> memref<1x128xi32, #tpu.memory_space<vmem>>
    %dma_start3A_123 = tpu.memref_squeeze %dma_start3A_122 : memref<1x128xi32, #tpu.memory_space<vmem>> -> memref<128xi32, #tpu.memory_space<vmem>>
    %dma_start3A_124 = tpu.memref_bitcast %arg3 : memref<100000x128xf8E4M3FN, #tpu.memory_space<hbm>> -> memref<25000x128xi32, #tpu.memory_space<hbm>>
    %dma_start3A_125 = arith.constant 0 : i32
    %dma_start3A_126 = arith.constant 0 : i32
    %dma_start3A_127 = tpu.memref_slice %dma_start3A_124[%dma_start3A_125, %dma_start3A_126] : memref<25000x128xi32, #tpu.memory_space<hbm>> -> memref<25000x128xi32, #tpu.memory_space<hbm>>
    tpu.enqueue_indirect_dma source(%dma_start3A_127 : memref<25000x128xi32, #tpu.memory_space<hbm>>) target(%arg11 : memref<128x128xi32, #tpu.memory_space<vmem>>) offsets(%dma_start3A_123 : memref<128xi32, #tpu.memory_space<vmem>>) semaphore(%arg17 : memref<!tpu.dma_semaphore, #tpu.memory_space<semaphore_mem>>)
    %dma_start3A_128 = arith.constant 0 : i32
    %dma_start3A_129 = arith.constant 0 : i32
    %dma_start3A_130 = tpu.memref_slice %arg9[%dma_start3A_128, %dma_start3A_129] : memref<50x128xi32, #tpu.memory_space<vmem>> -> memref<1x128xi32, #tpu.memory_space<vmem>>
    %dma_start3A_131 = tpu.memref_squeeze %dma_start3A_130 : memref<1x128xi32, #tpu.memory_space<vmem>> -> memref<128xi32, #tpu.memory_space<vmem>>
    %dma_start3A_132 = arith.constant 0 : i32
    %dma_start3A_133 = tpu.memref_slice %arg4[%dma_start3A_132] : memref<100000xi32, #tpu.memory_space<hbm>> -> memref<100000xi32, #tpu.memory_space<hbm>>
    tpu.enqueue_indirect_dma source(%dma_start3A_133 : memref<100000xi32, #tpu.memory_space<hbm>>) target(%arg13 : memref<128xi32, #tpu.memory_space<vmem>>) offsets(%dma_start3A_131 : memref<128xi32, #tpu.memory_space<vmem>>) semaphore(%arg19 : memref<!tpu.dma_semaphore, #tpu.memory_space<semaphore_mem>>)
    %scan3A = arith.constant 0 : i32
    %scan3A_134 = arith.constant 1 : i32
    %scan3A_135 = arith.constant 49 : i32
    %scan3A_136 = arith.addi %scan3A_134, %scan3A_135 : i32
    %scan3A_137 = arith.constant 1 : i32
    scf.for %scan3A_166 = %scan3A_134 to %scan3A_136 step %scan3A_137  : i32 {
      %broadcast_in_dim3A_167 = vector.broadcast %scan3A_166 : i32 to vector<16xi32>
      %add3A_168 = arith.constant 0 : i32
      %add3A_169 = vector.broadcast %add3A_168 : i32 to vector<16xi32>
      %add3A_170 = arith.addi %iota3A, %add3A_169 : vector<16xi32>
      %gather3A_171 = tpu.vector_load_idx %arg8[%add3A_170, %broadcast_in_dim3A_167] : memref<128x50xi32, #tpu.memory_space<vmem>>[vector<16xi32>, vector<16xi32>], vector<16xi32>,
      %swap3A_172 = arith.index_cast %scan3A_166 : i32 to index
      %swap3A_173 = arith.constant 0 : index
      %swap3A_174 = tpu.vector_load %arg9[%swap3A_172, %swap3A_173] {strides = array<i32>} : memref<50x128xi32, #tpu.memory_space<vmem>>, vector<16xi32>,
      tpu.vector_store %arg9[%swap3A_172, %swap3A_173], %gather3A_171 {strides = array<i32>} : memref<50x128xi32, #tpu.memory_space<vmem>>, vector<16xi32>,
      %shift_right_logical3A_175 = arith.constant 2 : i32
      %shift_right_logical3A_176 = vector.broadcast %shift_right_logical3A_175 : i32 to vector<16xi32>
      %shift_right_logical3A_177 = arith.shrui %gather3A_171, %shift_right_logical3A_176 : vector<16xi32>
      %swap3A_178 = arith.index_cast %scan3A_166 : i32 to index
      %swap3A_179 = arith.constant 0 : index
      %swap3A_180 = tpu.vector_load %arg10[%swap3A_178, %swap3A_179] {strides = array<i32>} : memref<50x128xi32, #tpu.memory_space<vmem>>, vector<16xi32>,
      tpu.vector_store %arg10[%swap3A_178, %swap3A_179], %shift_right_logical3A_177 {strides = array<i32>} : memref<50x128xi32, #tpu.memory_space<vmem>>, vector<16xi32>,
      %add3A_181 = arith.constant 16 : i32
      %add3A_182 = vector.broadcast %add3A_181 : i32 to vector<16xi32>
      %add3A_183 = arith.addi %iota3A, %add3A_182 : vector<16xi32>
      %gather3A_184 = tpu.vector_load_idx %arg8[%add3A_183, %broadcast_in_dim3A_167] : memref<128x50xi32, #tpu.memory_space<vmem>>[vector<16xi32>, vector<16xi32>], vector<16xi32>,
      %swap3A_185 = arith.index_cast %scan3A_166 : i32 to index
      %swap3A_186 = arith.constant 16 : index
      %swap3A_187 = tpu.vector_load %arg9[%swap3A_185, %swap3A_186] {strides = array<i32>} : memref<50x128xi32, #tpu.memory_space<vmem>>, vector<16xi32>,
      tpu.vector_store %arg9[%swap3A_185, %swap3A_186], %gather3A_184 {strides = array<i32>} : memref<50x128xi32, #tpu.memory_space<vmem>>, vector<16xi32>,
      %shift_right_logical3A_188 = arith.constant 2 : i32
      %shift_right_logical3A_189 = vector.broadcast %shift_right_logical3A_188 : i32 to vector<16xi32>
      %shift_right_logical3A_190 = arith.shrui %gather3A_184, %shift_right_logical3A_189 : vector<16xi32>
      %swap3A_191 = arith.index_cast %scan3A_166 : i32 to index
      %swap3A_192 = arith.constant 16 : index
      %swap3A_193 = tpu.vector_load %arg10[%swap3A_191, %swap3A_192] {strides = array<i32>} : memref<50x128xi32, #tpu.memory_space<vmem>>, vector<16xi32>,
      tpu.vector_store %arg10[%swap3A_191, %swap3A_192], %shift_right_logical3A_190 {strides = array<i32>} : memref<50x128xi32, #tpu.memory_space<vmem>>, vector<16xi32>,
      %add3A_194 = arith.constant 32 : i32
      %add3A_195 = vector.broadcast %add3A_194 : i32 to vector<16xi32>
      %add3A_196 = arith.addi %iota3A, %add3A_195 : vector<16xi32>
      %gather3A_197 = tpu.vector_load_idx %arg8[%add3A_196, %broadcast_in_dim3A_167] : memref<128x50xi32, #tpu.memory_space<vmem>>[vector<16xi32>, vector<16xi32>], vector<16xi32>,
      %swap3A_198 = arith.index_cast %scan3A_166 : i32 to index
      %swap3A_199 = arith.constant 32 : index
      %swap3A_200 = tpu.vector_load %arg9[%swap3A_198, %swap3A_199] {strides = array<i32>} : memref<50x128xi32, #tpu.memory_space<vmem>>, vector<16xi32>,
      tpu.vector_store %arg9[%swap3A_198, %swap3A_199], %gather3A_197 {strides = array<i32>} : memref<50x128xi32, #tpu.memory_space<vmem>>, vector<16xi32>,
      %shift_right_logical3A_201 = arith.constant 2 : i32
      %shift_right_logical3A_202 = vector.broadcast %shift_right_logical3A_201 : i32 to vector<16xi32>
      %shift_right_logical3A_203 = arith.shrui %gather3A_197, %shift_right_logical3A_202 : vector<16xi32>
      %swap3A_204 = arith.index_cast %scan3A_166 : i32 to index
      %swap3A_205 = arith.constant 32 : index
      %swap3A_206 = tpu.vector_load %arg10[%swap3A_204, %swap3A_205] {strides = array<i32>} : memref<50x128xi32, #tpu.memory_space<vmem>>, vector<16xi32>,
      tpu.vector_store %arg10[%swap3A_204, %swap3A_205], %shift_right_logical3A_203 {strides = array<i32>} : memref<50x128xi32, #tpu.memory_space<vmem>>, vector<16xi32>,
      %add3A_207 = arith.constant 48 : i32
      %add3A_208 = vector.broadcast %add3A_207 : i32 to vector<16xi32>
      %add3A_209 = arith.addi %iota3A, %add3A_208 : vector<16xi32>
      %gather3A_210 = tpu.vector_load_idx %arg8[%add3A_209, %broadcast_in_dim3A_167] : memref<128x50xi32, #tpu.memory_space<vmem>>[vector<16xi32>, vector<16xi32>], vector<16xi32>,
      %swap3A_211 = arith.index_cast %scan3A_166 : i32 to index
      %swap3A_212 = arith.constant 48 : index
      %swap3A_213 = tpu.vector_load %arg9[%swap3A_211, %swap3A_212] {strides = array<i32>} : memref<50x128xi32, #tpu.memory_space<vmem>>, vector<16xi32>,
      tpu.vector_store %arg9[%swap3A_211, %swap3A_212], %gather3A_210 {strides = array<i32>} : memref<50x128xi32, #tpu.memory_space<vmem>>, vector<16xi32>,
      %shift_right_logical3A_214 = arith.constant 2 : i32
      %shift_right_logical3A_215 = vector.broadcast %shift_right_logical3A_214 : i32 to vector<16xi32>
      %shift_right_logical3A_216 = arith.shrui %gather3A_210, %shift_right_logical3A_215 : vector<16xi32>
      %swap3A_217 = arith.index_cast %scan3A_166 : i32 to index
      %swap3A_218 = arith.constant 48 : index
      %swap3A_219 = tpu.vector_load %arg10[%swap3A_217, %swap3A_218] {strides = array<i32>} : memref<50x128xi32, #tpu.memory_space<vmem>>, vector<16xi32>,
      tpu.vector_store %arg10[%swap3A_217, %swap3A_218], %shift_right_logical3A_216 {strides = array<i32>} : memref<50x128xi32, #tpu.memory_space<vmem>>, vector<16xi32>,
      %add3A_220 = arith.constant 64 : i32
      %add3A_221 = vector.broadcast %add3A_220 : i32 to vector<16xi32>
      %add3A_222 = arith.addi %iota3A, %add3A_221 : vector<16xi32>
      %gather3A_223 = tpu.vector_load_idx %arg8[%add3A_222, %broadcast_in_dim3A_167] : memref<128x50xi32, #tpu.memory_space<vmem>>[vector<16xi32>, vector<16xi32>], vector<16xi32>,
      %swap3A_224 = arith.index_cast %scan3A_166 : i32 to index
      %swap3A_225 = arith.constant 64 : index
      %swap3A_226 = tpu.vector_load %arg9[%swap3A_224, %swap3A_225] {strides = array<i32>} : memref<50x128xi32, #tpu.memory_space<vmem>>, vector<16xi32>,
      tpu.vector_store %arg9[%swap3A_224, %swap3A_225], %gather3A_223 {strides = array<i32>} : memref<50x128xi32, #tpu.memory_space<vmem>>, vector<16xi32>,
      %shift_right_logical3A_227 = arith.constant 2 : i32
      %shift_right_logical3A_228 = vector.broadcast %shift_right_logical3A_227 : i32 to vector<16xi32>
      %shift_right_logical3A_229 = arith.shrui %gather3A_223, %shift_right_logical3A_228 : vector<16xi32>
      %swap3A_230 = arith.index_cast %scan3A_166 : i32 to index
      %swap3A_231 = arith.constant 64 : index
      %swap3A_232 = tpu.vector_load %arg10[%swap3A_230, %swap3A_231] {strides = array<i32>} : memref<50x128xi32, #tpu.memory_space<vmem>>, vector<16xi32>,
      tpu.vector_store %arg10[%swap3A_230, %swap3A_231], %shift_right_logical3A_229 {strides = array<i32>} : memref<50x128xi32, #tpu.memory_space<vmem>>, vector<16xi32>,
      %add3A_233 = arith.constant 80 : i32
      %add3A_234 = vector.broadcast %add3A_233 : i32 to vector<16xi32>
      %add3A_235 = arith.addi %iota3A, %add3A_234 : vector<16xi32>
      %gather3A_236 = tpu.vector_load_idx %arg8[%add3A_235, %broadcast_in_dim3A_167] : memref<128x50xi32, #tpu.memory_space<vmem>>[vector<16xi32>, vector<16xi32>], vector<16xi32>,
      %swap3A_237 = arith.index_cast %scan3A_166 : i32 to index
      %swap3A_238 = arith.constant 80 : index
      %swap3A_239 = tpu.vector_load %arg9[%swap3A_237, %swap3A_238] {strides = array<i32>} : memref<50x128xi32, #tpu.memory_space<vmem>>, vector<16xi32>,
      tpu.vector_store %arg9[%swap3A_237, %swap3A_238], %gather3A_236 {strides = array<i32>} : memref<50x128xi32, #tpu.memory_space<vmem>>, vector<16xi32>,
      %shift_right_logical3A_240 = arith.constant 2 : i32
      %shift_right_logical3A_241 = vector.broadcast %shift_right_logical3A_240 : i32 to vector<16xi32>
      %shift_right_logical3A_242 = arith.shrui %gather3A_236, %shift_right_logical3A_241 : vector<16xi32>
      %swap3A_243 = arith.index_cast %scan3A_166 : i32 to index
      %swap3A_244 = arith.constant 80 : index
      %swap3A_245 = tpu.vector_load %arg10[%swap3A_243, %swap3A_244] {strides = array<i32>} : memref<50x128xi32, #tpu.memory_space<vmem>>, vector<16xi32>,
      tpu.vector_store %arg10[%swap3A_243, %swap3A_244], %shift_right_logical3A_242 {strides = array<i32>} : memref<50x128xi32, #tpu.memory_space<vmem>>, vector<16xi32>,
      %add3A_246 = arith.constant 96 : i32
      %add3A_247 = vector.broadcast %add3A_246 : i32 to vector<16xi32>
      %add3A_248 = arith.addi %iota3A, %add3A_247 : vector<16xi32>
      %gather3A_249 = tpu.vector_load_idx %arg8[%add3A_248, %broadcast_in_dim3A_167] : memref<128x50xi32, #tpu.memory_space<vmem>>[vector<16xi32>, vector<16xi32>], vector<16xi32>,
      %swap3A_250 = arith.index_cast %scan3A_166 : i32 to index
      %swap3A_251 = arith.constant 96 : index
      %swap3A_252 = tpu.vector_load %arg9[%swap3A_250, %swap3A_251] {strides = array<i32>} : memref<50x128xi32, #tpu.memory_space<vmem>>, vector<16xi32>,
      tpu.vector_store %arg9[%swap3A_250, %swap3A_251], %gather3A_249 {strides = array<i32>} : memref<50x128xi32, #tpu.memory_space<vmem>>, vector<16xi32>,
      %shift_right_logical3A_253 = arith.constant 2 : i32
      %shift_right_logical3A_254 = vector.broadcast %shift_right_logical3A_253 : i32 to vector<16xi32>
      %shift_right_logical3A_255 = arith.shrui %gather3A_249, %shift_right_logical3A_254 : vector<16xi32>
      %swap3A_256 = arith.index_cast %scan3A_166 : i32 to index
      %swap3A_257 = arith.constant 96 : index
      %swap3A_258 = tpu.vector_load %arg10[%swap3A_256, %swap3A_257] {strides = array<i32>} : memref<50x128xi32, #tpu.memory_space<vmem>>, vector<16xi32>,
      tpu.vector_store %arg10[%swap3A_256, %swap3A_257], %shift_right_logical3A_255 {strides = array<i32>} : memref<50x128xi32, #tpu.memory_space<vmem>>, vector<16xi32>,
      %add3A_259 = arith.constant 112 : i32
      %add3A_260 = vector.broadcast %add3A_259 : i32 to vector<16xi32>
      %add3A_261 = arith.addi %iota3A, %add3A_260 : vector<16xi32>
      %gather3A_262 = tpu.vector_load_idx %arg8[%add3A_261, %broadcast_in_dim3A_167] : memref<128x50xi32, #tpu.memory_space<vmem>>[vector<16xi32>, vector<16xi32>], vector<16xi32>,
      %swap3A_263 = arith.index_cast %scan3A_166 : i32 to index
      %swap3A_264 = arith.constant 112 : index
      %swap3A_265 = tpu.vector_load %arg9[%swap3A_263, %swap3A_264] {strides = array<i32>} : memref<50x128xi32, #tpu.memory_space<vmem>>, vector<16xi32>,
      tpu.vector_store %arg9[%swap3A_263, %swap3A_264], %gather3A_262 {strides = array<i32>} : memref<50x128xi32, #tpu.memory_space<vmem>>, vector<16xi32>,
      %shift_right_logical3A_266 = arith.constant 2 : i32
      %shift_right_logical3A_267 = vector.broadcast %shift_right_logical3A_266 : i32 to vector<16xi32>
      %shift_right_logical3A_268 = arith.shrui %gather3A_262, %shift_right_logical3A_267 : vector<16xi32>
      %swap3A_269 = arith.index_cast %scan3A_166 : i32 to index
      %swap3A_270 = arith.constant 112 : index
      %swap3A_271 = tpu.vector_load %arg10[%swap3A_269, %swap3A_270] {strides = array<i32>} : memref<50x128xi32, #tpu.memory_space<vmem>>, vector<16xi32>,
      tpu.vector_store %arg10[%swap3A_269, %swap3A_270], %shift_right_logical3A_268 {strides = array<i32>} : memref<50x128xi32, #tpu.memory_space<vmem>>, vector<16xi32>,
    }
    %scan3A_138 = arith.constant 49 : i32
    %scan3A_139 = arith.constant 0 : i32
    %scan3A_140 = arith.constant 0 : i32
    %scan3A_141 = arith.constant 25 : i32
    %scan3A_142 = arith.addi %scan3A_140, %scan3A_141 : i32
    %scan3A_143 = arith.constant 1 : i32
    scf.for %scan3A_166 = %scan3A_140 to %scan3A_142 step %scan3A_143  : i32 {
      %mul3A_167 = arith.constant 2 : i32
      %mul3A_168 = arith.muli %scan3A_166, %mul3A_167 : i32
      %add3A_169 = arith.constant 0 : i32
      %add3A_170 = arith.addi %mul3A_168, %add3A_169 : i32
      %add3A_171 = arith.constant 1 : i32
      %add3A_172 = arith.addi %add3A_170, %add3A_171 : i32
      %lt3A = arith.constant 50 : i32
      %lt3A_173 = arith.cmpi slt, %add3A_172, %lt3A : i32
      %convert_element_type3A = arith.extui %lt3A_173 : i1 to i32
      %cond3A = arith.constant 0 : i32
      %cond3A_174 = arith.cmpi ne, %convert_element_type3A, %cond3A : i32
      scf.if %cond3A_174 {
        %add3A_246 = arith.constant 1 : i32
        %add3A_247 = arith.addi %add3A_170, %add3A_246 : i32
        %dma_start3A_248 = arith.constant 0 : i32
        %dma_start3A_249 = tpu.memref_slice %arg10[%add3A_247, %dma_start3A_248] : memref<50x128xi32, #tpu.memory_space<vmem>> -> memref<1x128xi32, #tpu.memory_space<vmem>>
        %dma_start3A_250 = tpu.memref_squeeze %dma_start3A_249 : memref<1x128xi32, #tpu.memory_space<vmem>> -> memref<128xi32, #tpu.memory_space<vmem>>
        %dma_start3A_251 = tpu.memref_bitcast %arg3 : memref<100000x128xf8E4M3FN, #tpu.memory_space<hbm>> -> memref<25000x128xi32, #tpu.memory_space<hbm>>
        %dma_start3A_252 = arith.constant 0 : i32
        %dma_start3A_253 = arith.constant 0 : i32
        %dma_start3A_254 = tpu.memref_slice %dma_start3A_251[%dma_start3A_252, %dma_start3A_253] : memref<25000x128xi32, #tpu.memory_space<hbm>> -> memref<25000x128xi32, #tpu.memory_space<hbm>>
        tpu.enqueue_indirect_dma source(%dma_start3A_254 : memref<25000x128xi32, #tpu.memory_space<hbm>>) target(%arg12 : memref<128x128xi32, #tpu.memory_space<vmem>>) offsets(%dma_start3A_250 : memref<128xi32, #tpu.memory_space<vmem>>) semaphore(%arg18 : memref<!tpu.dma_semaphore, #tpu.memory_space<semaphore_mem>>)
        %dma_start3A_255 = arith.constant 0 : i32
        %dma_start3A_256 = tpu.memref_slice %arg9[%add3A_247, %dma_start3A_255] : memref<50x128xi32, #tpu.memory_space<vmem>> -> memref<1x128xi32, #tpu.memory_space<vmem>>
        %dma_start3A_257 = tpu.memref_squeeze %dma_start3A_256 : memref<1x128xi32, #tpu.memory_space<vmem>> -> memref<128xi32, #tpu.memory_space<vmem>>
        %dma_start3A_258 = arith.constant 0 : i32
        %dma_start3A_259 = tpu.memref_slice %arg4[%dma_start3A_258] : memref<100000xi32, #tpu.memory_space<hbm>> -> memref<100000xi32, #tpu.memory_space<hbm>>
        tpu.enqueue_indirect_dma source(%dma_start3A_259 : memref<100000xi32, #tpu.memory_space<hbm>>) target(%arg14 : memref<128xi32, #tpu.memory_space<vmem>>) offsets(%dma_start3A_257 : memref<128xi32, #tpu.memory_space<vmem>>) semaphore(%arg20 : memref<!tpu.dma_semaphore, #tpu.memory_space<semaphore_mem>>)
      } else {
      }
      %dma_wait3A_175 = arith.constant 0 : i32
      %dma_wait3A_176 = tpu.memref_slice %arg10[%add3A_170, %dma_wait3A_175] : memref<50x128xi32, #tpu.memory_space<vmem>> -> memref<1x128xi32, #tpu.memory_space<vmem>>
      %dma_wait3A_177 = tpu.memref_squeeze %dma_wait3A_176 : memref<1x128xi32, #tpu.memory_space<vmem>> -> memref<128xi32, #tpu.memory_space<vmem>>
      %dma_wait3A_178 = tpu.memref_bitcast %arg3 : memref<100000x128xf8E4M3FN, #tpu.memory_space<hbm>> -> memref<25000x128xi32, #tpu.memory_space<hbm>>
      %dma_wait3A_179 = arith.constant 0 : i32
      %dma_wait3A_180 = arith.constant 0 : i32
      %dma_wait3A_181 = tpu.memref_slice %dma_wait3A_178[%dma_wait3A_179, %dma_wait3A_180] : memref<25000x128xi32, #tpu.memory_space<hbm>> -> memref<25000x128xi32, #tpu.memory_space<hbm>>
      tpu.wait_indirect_dma semaphore(%arg17 : memref<!tpu.dma_semaphore, #tpu.memory_space<semaphore_mem>>) src(%dma_wait3A_181 : memref<25000x128xi32, #tpu.memory_space<hbm>>) dst(%arg11 : memref<128x128xi32, #tpu.memory_space<vmem>>)
      %dma_wait3A_182 = arith.constant 0 : i32
      %dma_wait3A_183 = tpu.memref_slice %arg9[%add3A_170, %dma_wait3A_182] : memref<50x128xi32, #tpu.memory_space<vmem>> -> memref<1x128xi32, #tpu.memory_space<vmem>>
      %dma_wait3A_184 = tpu.memref_squeeze %dma_wait3A_183 : memref<1x128xi32, #tpu.memory_space<vmem>> -> memref<128xi32, #tpu.memory_space<vmem>>
      %dma_wait3A_185 = arith.constant 0 : i32
      %dma_wait3A_186 = tpu.memref_slice %arg4[%dma_wait3A_185] : memref<100000xi32, #tpu.memory_space<hbm>> -> memref<100000xi32, #tpu.memory_space<hbm>>
      tpu.wait_indirect_dma semaphore(%arg19 : memref<!tpu.dma_semaphore, #tpu.memory_space<semaphore_mem>>) src(%dma_wait3A_186 : memref<100000xi32, #tpu.memory_space<hbm>>) dst(%arg13 : memref<128xi32, #tpu.memory_space<vmem>>)
      %broadcast_in_dim3A_187 = vector.broadcast %add3A_170 : i32 to vector<16xi32>
      %ge3A = arith.constant 2 : i32
      %ge3A_188 = arith.cmpi sge, %add3A_170, %ge3A : i32
      %convert_element_type3A_189 = arith.extui %ge3A_188 : i1 to i32
      %cond3A_190 = arith.constant 0 : i32
      %cond3A_191 = arith.cmpi ne, %convert_element_type3A_189, %cond3A_190 : i32
      scf.if %cond3A_191 {
        %sub3A = arith.constant 2 : i32
        %sub3A_246 = arith.subi %add3A_170, %sub3A : i32
        %mul3A_247 = arith.constant 64 : i32
        %mul3A_248 = arith.muli %add3A, %mul3A_247 : i32
        %dma_wait3A_249 = tpu.memref_bitcast %arg6 : memref<50x4096x128xbf16, #tpu.memory_space<hbm>> -> memref<50x2048x128xi32, #tpu.memory_space<hbm>>
        %dma_wait3A_250 = arith.constant 0 : i32
        %dma_wait3A_251 = tpu.memref_slice %dma_wait3A_249[%sub3A_246, %mul3A_248, %dma_wait3A_250] : memref<50x2048x128xi32, #tpu.memory_space<hbm>> -> memref<1x64x128xi32, #tpu.memory_space<hbm>>
        %dma_wait3A_252 = tpu.memref_squeeze %dma_wait3A_251 : memref<1x64x128xi32, #tpu.memory_space<hbm>> -> memref<64x128xi32, #tpu.memory_space<hbm>>
        %dma_wait3A_253 = tpu.memref_bitcast %arg6 : memref<50x4096x128xbf16, #tpu.memory_space<hbm>> -> memref<50x2048x128xi32, #tpu.memory_space<hbm>>
        %dma_wait3A_254 = arith.constant 0 : i32
        %dma_wait3A_255 = tpu.memref_slice %dma_wait3A_253[%sub3A_246, %mul3A_248, %dma_wait3A_254] : memref<50x2048x128xi32, #tpu.memory_space<hbm>> -> memref<1x64x128xi32, #tpu.memory_space<hbm>>
        %dma_wait3A_256 = tpu.memref_squeeze %dma_wait3A_255 : memref<1x64x128xi32, #tpu.memory_space<hbm>> -> memref<64x128xi32, #tpu.memory_space<hbm>>
        tpu.wait_dma2 semaphore(%arg21 : memref<!tpu.dma_semaphore, #tpu.memory_space<semaphore_mem>>) src(%arg15 : memref<64x128xi32, #tpu.memory_space<vmem>>) dst(%dma_wait3A_256 : memref<64x128xi32, #tpu.memory_space<hbm>>)
      } else {
      }
      %parallel_loop3A = arith.constant 0 : i32
      %parallel_loop3A_192 = arith.constant 64 : i32
      %parallel_loop3A_193 = arith.constant 1 : i32
      scf.for %parallel_loop3A_246 = %parallel_loop3A to %parallel_loop3A_192 step %parallel_loop3A_193  : i32 {
        %parallel_loop3A_247 = arith.constant 2 : i32
        %parallel_loop3A_248 = arith.muli %parallel_loop3A_247, %parallel_loop3A_246 : i32
        %parallel_loop3A_249 = arith.constant 2 : i32
        %parallel_loop3A_250 = arith.muli %parallel_loop3A_249, %parallel_loop3A_246 : i32
        %parallel_loop3A_251 = arith.constant 1 : i32
        %parallel_loop3A_252 = arith.addi %parallel_loop3A_250, %parallel_loop3A_251 : i32
        %parallel_loop3A_253 = vector.broadcast %parallel_loop3A_248 : i32 to vector<16xi32>
        %parallel_loop3A_254 = tpu.vector_load_idx %arg9[%broadcast_in_dim3A_187, %parallel_loop3A_253] : memref<50x128xi32, #tpu.memory_space<vmem>>[vector<16xi32>, vector<16xi32>], vector<16xi32>,
        %parallel_loop3A_255 = vector.broadcast %parallel_loop3A_252 : i32 to vector<16xi32>
        %parallel_loop3A_256 = tpu.vector_load_idx %arg9[%broadcast_in_dim3A_187, %parallel_loop3A_255] : memref<50x128xi32, #tpu.memory_space<vmem>>[vector<16xi32>, vector<16xi32>], vector<16xi32>,
        %parallel_loop3A_257 = vector.broadcast %parallel_loop3A_248 : i32 to vector<16xi32>
        %parallel_loop3A_258 = tpu.vector_load_idx %arg13[%parallel_loop3A_257] : memref<128xi32, #tpu.memory_space<vmem>>[vector<16xi32>], vector<16xi32>,
        %parallel_loop3A_259 = vector.broadcast %parallel_loop3A_252 : i32 to vector<16xi32>
        %parallel_loop3A_260 = tpu.vector_load_idx %arg13[%parallel_loop3A_259] : memref<128xi32, #tpu.memory_space<vmem>>[vector<16xi32>], vector<16xi32>,
        %parallel_loop3A_261 = arith.constant 16 : i32
        %parallel_loop3A_262 = vector.broadcast %parallel_loop3A_261 : i32 to vector<16xi32>
        %parallel_loop3A_263 = arith.shli %parallel_loop3A_258, %parallel_loop3A_262 : vector<16xi32>
        %parallel_loop3A_264 = vector.bitcast %parallel_loop3A_263 : vector<16xi32> to vector<16xf32>
        %parallel_loop3A_265 = arith.constant 16 : i32
        %parallel_loop3A_266 = vector.broadcast %parallel_loop3A_265 : i32 to vector<16xi32>
        %parallel_loop3A_267 = arith.shli %parallel_loop3A_260, %parallel_loop3A_266 : vector<16xi32>
        %parallel_loop3A_268 = vector.bitcast %parallel_loop3A_267 : vector<16xi32> to vector<16xf32>
        %parallel_loop3A_269 = arith.constant 3 : i32
        %parallel_loop3A_270 = vector.broadcast %parallel_loop3A_269 : i32 to vector<16xi32>
        %parallel_loop3A_271 = arith.andi %parallel_loop3A_254, %parallel_loop3A_270 : vector<16xi32>
        %parallel_loop3A_272 = arith.constant 8 : i32
        %parallel_loop3A_273 = vector.broadcast %parallel_loop3A_272 : i32 to vector<16xi32>
        %parallel_loop3A_274 = arith.muli %parallel_loop3A_271, %parallel_loop3A_273 : vector<16xi32>
        %parallel_loop3A_275 = vector.bitcast %parallel_loop3A_274 : vector<16xi32> to vector<16xi32>
        %parallel_loop3A_276 = arith.constant 3 : i32
        %parallel_loop3A_277 = vector.broadcast %parallel_loop3A_276 : i32 to vector<16xi32>
        %parallel_loop3A_278 = arith.andi %parallel_loop3A_256, %parallel_loop3A_277 : vector<16xi32>
        %parallel_loop3A_279 = arith.constant 8 : i32
        %parallel_loop3A_280 = vector.broadcast %parallel_loop3A_279 : i32 to vector<16xi32>
        %parallel_loop3A_281 = arith.muli %parallel_loop3A_278, %parallel_loop3A_280 : vector<16xi32>
        %parallel_loop3A_282 = vector.bitcast %parallel_loop3A_281 : vector<16xi32> to vector<16xi32>
        %parallel_loop3A_283 = arith.index_cast %parallel_loop3A_248 : i32 to index
        %parallel_loop3A_284 = arith.constant 0 : index
        %parallel_loop3A_285 = tpu.vector_load %arg11[%parallel_loop3A_283, %parallel_loop3A_284] {strides = array<i32>} : memref<128x128xi32, #tpu.memory_space<vmem>>, vector<16xi32>,
        %parallel_loop3A_286 = vector.bitcast %parallel_loop3A_285 : vector<16xi32> to vector<16xi32>
        %parallel_loop3A_287 = arith.index_cast %parallel_loop3A_252 : i32 to index
        %parallel_loop3A_288 = arith.constant 0 : index
        %parallel_loop3A_289 = tpu.vector_load %arg11[%parallel_loop3A_287, %parallel_loop3A_288] {strides = array<i32>} : memref<128x128xi32, #tpu.memory_space<vmem>>, vector<16xi32>,
        %parallel_loop3A_290 = vector.bitcast %parallel_loop3A_289 : vector<16xi32> to vector<16xi32>
        %parallel_loop3A_291 = arith.shrui %parallel_loop3A_286, %parallel_loop3A_275 : vector<16xi32>
        %parallel_loop3A_292 = arith.constant 255 : i32
        %parallel_loop3A_293 = vector.broadcast %parallel_loop3A_292 : i32 to vector<16xi32>
        %parallel_loop3A_294 = arith.andi %parallel_loop3A_291, %parallel_loop3A_293 : vector<16xi32>
        %parallel_loop3A_295 = vector.bitcast %parallel_loop3A_294 : vector<16xi32> to vector<16xi32>
        %parallel_loop3A_296 = arith.shrui %parallel_loop3A_290, %parallel_loop3A_282 : vector<16xi32>
        %parallel_loop3A_297 = arith.constant 255 : i32
        %parallel_loop3A_298 = vector.broadcast %parallel_loop3A_297 : i32 to vector<16xi32>
        %parallel_loop3A_299 = arith.andi %parallel_loop3A_296, %parallel_loop3A_298 : vector<16xi32>
        %parallel_loop3A_300 = vector.bitcast %parallel_loop3A_299 : vector<16xi32> to vector<16xi32>
        %parallel_loop3A_301 = tpu.vector_load_idx %arg7[%parallel_loop3A_295] : memref<256xi32, #tpu.memory_space<vmem>>[vector<16xi32>], vector<16xi32>,
        %parallel_loop3A_302 = vector.bitcast %parallel_loop3A_301 : vector<16xi32> to vector<16xf32>
        %parallel_loop3A_303 = arith.mulf %parallel_loop3A_302, %parallel_loop3A_264 : vector<16xf32>
        %parallel_loop3A_304 = tpu.vector_load_idx %arg7[%parallel_loop3A_300] : memref<256xi32, #tpu.memory_space<vmem>>[vector<16xi32>], vector<16xi32>,
        %parallel_loop3A_305 = vector.bitcast %parallel_loop3A_304 : vector<16xi32> to vector<16xf32>
        %parallel_loop3A_306 = arith.mulf %parallel_loop3A_305, %parallel_loop3A_268 : vector<16xf32>
        %parallel_loop3A_307 = tpu.pack_subelements %parallel_loop3A_303, %parallel_loop3A_306 {pack_format = #tpu.pack_format<interleaved>, positions = array<i32: 0, 1>} : vector<16xf32>, vector<16xf32> -> vector<32xbf16>
        %parallel_loop3A_308 = vector.bitcast %parallel_loop3A_307 : vector<32xbf16> to vector<16xi32>
        %parallel_loop3A_309 = arith.index_cast %parallel_loop3A_246 : i32 to index
        %parallel_loop3A_310 = arith.constant 0 : index
        %parallel_loop3A_311 = tpu.vector_load %arg15[%parallel_loop3A_309, %parallel_loop3A_310] {strides = array<i32>} : memref<64x128xi32, #tpu.memory_space<vmem>>, vector<16xi32>,
        tpu.vector_store %arg15[%parallel_loop3A_309, %parallel_loop3A_310], %parallel_loop3A_308 {strides = array<i32>} : memref<64x128xi32, #tpu.memory_space<vmem>>, vector<16xi32>,
        %parallel_loop3A_312 = arith.index_cast %parallel_loop3A_248 : i32 to index
        %parallel_loop3A_313 = arith.constant 16 : index
        %parallel_loop3A_314 = tpu.vector_load %arg11[%parallel_loop3A_312, %parallel_loop3A_313] {strides = array<i32>} : memref<128x128xi32, #tpu.memory_space<vmem>>, vector<16xi32>,
        %parallel_loop3A_315 = vector.bitcast %parallel_loop3A_314 : vector<16xi32> to vector<16xi32>
        %parallel_loop3A_316 = arith.index_cast %parallel_loop3A_252 : i32 to index
        %parallel_loop3A_317 = arith.constant 16 : index
        %parallel_loop3A_318 = tpu.vector_load %arg11[%parallel_loop3A_316, %parallel_loop3A_317] {strides = array<i32>} : memref<128x128xi32, #tpu.memory_space<vmem>>, vector<16xi32>,
        %parallel_loop3A_319 = vector.bitcast %parallel_loop3A_318 : vector<16xi32> to vector<16xi32>
        %parallel_loop3A_320 = arith.shrui %parallel_loop3A_315, %parallel_loop3A_275 : vector<16xi32>
        %parallel_loop3A_321 = arith.constant 255 : i32
        %parallel_loop3A_322 = vector.broadcast %parallel_loop3A_321 : i32 to vector<16xi32>
        %parallel_loop3A_323 = arith.andi %parallel_loop3A_320, %parallel_loop3A_322 : vector<16xi32>
        %parallel_loop3A_324 = vector.bitcast %parallel_loop3A_323 : vector<16xi32> to vector<16xi32>
        %parallel_loop3A_325 = arith.shrui %parallel_loop3A_319, %parallel_loop3A_282 : vector<16xi32>
        %parallel_loop3A_326 = arith.constant 255 : i32
        %parallel_loop3A_327 = vector.broadcast %parallel_loop3A_326 : i32 to vector<16xi32>
        %parallel_loop3A_328 = arith.andi %parallel_loop3A_325, %parallel_loop3A_327 : vector<16xi32>
        %parallel_loop3A_329 = vector.bitcast %parallel_loop3A_328 : vector<16xi32> to vector<16xi32>
        %parallel_loop3A_330 = tpu.vector_load_idx %arg7[%parallel_loop3A_324] : memref<256xi32, #tpu.memory_space<vmem>>[vector<16xi32>], vector<16xi32>,
        %parallel_loop3A_331 = vector.bitcast %parallel_loop3A_330 : vector<16xi32> to vector<16xf32>
        %parallel_loop3A_332 = arith.mulf %parallel_loop3A_331, %parallel_loop3A_264 : vector<16xf32>
        %parallel_loop3A_333 = tpu.vector_load_idx %arg7[%parallel_loop3A_329] : memref<256xi32, #tpu.memory_space<vmem>>[vector<16xi32>], vector<16xi32>,
        %parallel_loop3A_334 = vector.bitcast %parallel_loop3A_333 : vector<16xi32> to vector<16xf32>
        %parallel_loop3A_335 = arith.mulf %parallel_loop3A_334, %parallel_loop3A_268 : vector<16xf32>
        %parallel_loop3A_336 = tpu.pack_subelements %parallel_loop3A_332, %parallel_loop3A_335 {pack_format = #tpu.pack_format<interleaved>, positions = array<i32: 0, 1>} : vector<16xf32>, vector<16xf32> -> vector<32xbf16>
        %parallel_loop3A_337 = vector.bitcast %parallel_loop3A_336 : vector<32xbf16> to vector<16xi32>
        %parallel_loop3A_338 = arith.index_cast %parallel_loop3A_246 : i32 to index
        %parallel_loop3A_339 = arith.constant 16 : index
        %parallel_loop3A_340 = tpu.vector_load %arg15[%parallel_loop3A_338, %parallel_loop3A_339] {strides = array<i32>} : memref<64x128xi32, #tpu.memory_space<vmem>>, vector<16xi32>,
        tpu.vector_store %arg15[%parallel_loop3A_338, %parallel_loop3A_339], %parallel_loop3A_337 {strides = array<i32>} : memref<64x128xi32, #tpu.memory_space<vmem>>, vector<16xi32>,
        %parallel_loop3A_341 = arith.index_cast %parallel_loop3A_248 : i32 to index
        %parallel_loop3A_342 = arith.constant 32 : index
        %parallel_loop3A_343 = tpu.vector_load %arg11[%parallel_loop3A_341, %parallel_loop3A_342] {strides = array<i32>} : memref<128x128xi32, #tpu.memory_space<vmem>>, vector<16xi32>,
        %parallel_loop3A_344 = vector.bitcast %parallel_loop3A_343 : vector<16xi32> to vector<16xi32>
        %parallel_loop3A_345 = arith.index_cast %parallel_loop3A_252 : i32 to index
        %parallel_loop3A_346 = arith.constant 32 : index
        %parallel_loop3A_347 = tpu.vector_load %arg11[%parallel_loop3A_345, %parallel_loop3A_346] {strides = array<i32>} : memref<128x128xi32, #tpu.memory_space<vmem>>, vector<16xi32>,
        %parallel_loop3A_348 = vector.bitcast %parallel_loop3A_347 : vector<16xi32> to vector<16xi32>
        %parallel_loop3A_349 = arith.shrui %parallel_loop3A_344, %parallel_loop3A_275 : vector<16xi32>
        %parallel_loop3A_350 = arith.constant 255 : i32
        %parallel_loop3A_351 = vector.broadcast %parallel_loop3A_350 : i32 to vector<16xi32>
        %parallel_loop3A_352 = arith.andi %parallel_loop3A_349, %parallel_loop3A_351 : vector<16xi32>
        %parallel_loop3A_353 = vector.bitcast %parallel_loop3A_352 : vector<16xi32> to vector<16xi32>
        %parallel_loop3A_354 = arith.shrui %parallel_loop3A_348, %parallel_loop3A_282 : vector<16xi32>
        %parallel_loop3A_355 = arith.constant 255 : i32
        %parallel_loop3A_356 = vector.broadcast %parallel_loop3A_355 : i32 to vector<16xi32>
        %parallel_loop3A_357 = arith.andi %parallel_loop3A_354, %parallel_loop3A_356 : vector<16xi32>
        %parallel_loop3A_358 = vector.bitcast %parallel_loop3A_357 : vector<16xi32> to vector<16xi32>
        %parallel_loop3A_359 = tpu.vector_load_idx %arg7[%parallel_loop3A_353] : memref<256xi32, #tpu.memory_space<vmem>>[vector<16xi32>], vector<16xi32>,
        %parallel_loop3A_360 = vector.bitcast %parallel_loop3A_359 : vector<16xi32> to vector<16xf32>
        %parallel_loop3A_361 = arith.mulf %parallel_loop3A_360, %parallel_loop3A_264 : vector<16xf32>
        %parallel_loop3A_362 = tpu.vector_load_idx %arg7[%parallel_loop3A_358] : memref<256xi32, #tpu.memory_space<vmem>>[vector<16xi32>], vector<16xi32>,
        %parallel_loop3A_363 = vector.bitcast %parallel_loop3A_362 : vector<16xi32> to vector<16xf32>
        %parallel_loop3A_364 = arith.mulf %parallel_loop3A_363, %parallel_loop3A_268 : vector<16xf32>
        %parallel_loop3A_365 = tpu.pack_subelements %parallel_loop3A_361, %parallel_loop3A_364 {pack_format = #tpu.pack_format<interleaved>, positions = array<i32: 0, 1>} : vector<16xf32>, vector<16xf32> -> vector<32xbf16>
        %parallel_loop3A_366 = vector.bitcast %parallel_loop3A_365 : vector<32xbf16> to vector<16xi32>
        %parallel_loop3A_367 = arith.index_cast %parallel_loop3A_246 : i32 to index
        %parallel_loop3A_368 = arith.constant 32 : index
        %parallel_loop3A_369 = tpu.vector_load %arg15[%parallel_loop3A_367, %parallel_loop3A_368] {strides = array<i32>} : memref<64x128xi32, #tpu.memory_space<vmem>>, vector<16xi32>,
        tpu.vector_store %arg15[%parallel_loop3A_367, %parallel_loop3A_368], %parallel_loop3A_366 {strides = array<i32>} : memref<64x128xi32, #tpu.memory_space<vmem>>, vector<16xi32>,
        %parallel_loop3A_370 = arith.index_cast %parallel_loop3A_248 : i32 to index
        %parallel_loop3A_371 = arith.constant 48 : index
        %parallel_loop3A_372 = tpu.vector_load %arg11[%parallel_loop3A_370, %parallel_loop3A_371] {strides = array<i32>} : memref<128x128xi32, #tpu.memory_space<vmem>>, vector<16xi32>,
        %parallel_loop3A_373 = vector.bitcast %parallel_loop3A_372 : vector<16xi32> to vector<16xi32>
        %parallel_loop3A_374 = arith.index_cast %parallel_loop3A_252 : i32 to index
        %parallel_loop3A_375 = arith.constant 48 : index
        %parallel_loop3A_376 = tpu.vector_load %arg11[%parallel_loop3A_374, %parallel_loop3A_375] {strides = array<i32>} : memref<128x128xi32, #tpu.memory_space<vmem>>, vector<16xi32>,
        %parallel_loop3A_377 = vector.bitcast %parallel_loop3A_376 : vector<16xi32> to vector<16xi32>
        %parallel_loop3A_378 = arith.shrui %parallel_loop3A_373, %parallel_loop3A_275 : vector<16xi32>
        %parallel_loop3A_379 = arith.constant 255 : i32
        %parallel_loop3A_380 = vector.broadcast %parallel_loop3A_379 : i32 to vector<16xi32>
        %parallel_loop3A_381 = arith.andi %parallel_loop3A_378, %parallel_loop3A_380 : vector<16xi32>
        %parallel_loop3A_382 = vector.bitcast %parallel_loop3A_381 : vector<16xi32> to vector<16xi32>
        %parallel_loop3A_383 = arith.shrui %parallel_loop3A_377, %parallel_loop3A_282 : vector<16xi32>
        %parallel_loop3A_384 = arith.constant 255 : i32
        %parallel_loop3A_385 = vector.broadcast %parallel_loop3A_384 : i32 to vector<16xi32>
        %parallel_loop3A_386 = arith.andi %parallel_loop3A_383, %parallel_loop3A_385 : vector<16xi32>
        %parallel_loop3A_387 = vector.bitcast %parallel_loop3A_386 : vector<16xi32> to vector<16xi32>
        %parallel_loop3A_388 = tpu.vector_load_idx %arg7[%parallel_loop3A_382] : memref<256xi32, #tpu.memory_space<vmem>>[vector<16xi32>], vector<16xi32>,
        %parallel_loop3A_389 = vector.bitcast %parallel_loop3A_388 : vector<16xi32> to vector<16xf32>
        %parallel_loop3A_390 = arith.mulf %parallel_loop3A_389, %parallel_loop3A_264 : vector<16xf32>
        %parallel_loop3A_391 = tpu.vector_load_idx %arg7[%parallel_loop3A_387] : memref<256xi32, #tpu.memory_space<vmem>>[vector<16xi32>], vector<16xi32>,
        %parallel_loop3A_392 = vector.bitcast %parallel_loop3A_391 : vector<16xi32> to vector<16xf32>
        %parallel_loop3A_393 = arith.mulf %parallel_loop3A_392, %parallel_loop3A_268 : vector<16xf32>
        %parallel_loop3A_394 = tpu.pack_subelements %parallel_loop3A_390, %parallel_loop3A_393 {pack_format = #tpu.pack_format<interleaved>, positions = array<i32: 0, 1>} : vector<16xf32>, vector<16xf32> -> vector<32xbf16>
        %parallel_loop3A_395 = vector.bitcast %parallel_loop3A_394 : vector<32xbf16> to vector<16xi32>
        %parallel_loop3A_396 = arith.index_cast %parallel_loop3A_246 : i32 to index
        %parallel_loop3A_397 = arith.constant 48 : index
        %parallel_loop3A_398 = tpu.vector_load %arg15[%parallel_loop3A_396, %parallel_loop3A_397] {strides = array<i32>} : memref<64x128xi32, #tpu.memory_space<vmem>>, vector<16xi32>,
        tpu.vector_store %arg15[%parallel_loop3A_396, %parallel_loop3A_397], %parallel_loop3A_395 {strides = array<i32>} : memref<64x128xi32, #tpu.memory_space<vmem>>, vector<16xi32>,
        %parallel_loop3A_399 = arith.index_cast %parallel_loop3A_248 : i32 to index
        %parallel_loop3A_400 = arith.constant 64 : index
        %parallel_loop3A_401 = tpu.vector_load %arg11[%parallel_loop3A_399, %parallel_loop3A_400] {strides = array<i32>} : memref<128x128xi32, #tpu.memory_space<vmem>>, vector<16xi32>,
        %parallel_loop3A_402 = vector.bitcast %parallel_loop3A_401 : vector<16xi32> to vector<16xi32>
        %parallel_loop3A_403 = arith.index_cast %parallel_loop3A_252 : i32 to index
        %parallel_loop3A_404 = arith.constant 64 : index
        %parallel_loop3A_405 = tpu.vector_load %arg11[%parallel_loop3A_403, %parallel_loop3A_404] {strides = array<i32>} : memref<128x128xi32, #tpu.memory_space<vmem>>, vector<16xi32>,
        %parallel_loop3A_406 = vector.bitcast %parallel_loop3A_405 : vector<16xi32> to vector<16xi32>
        %parallel_loop3A_407 = arith.shrui %parallel_loop3A_402, %parallel_loop3A_275 : vector<16xi32>
        %parallel_loop3A_408 = arith.constant 255 : i32
        %parallel_loop3A_409 = vector.broadcast %parallel_loop3A_408 : i32 to vector<16xi32>
        %parallel_loop3A_410 = arith.andi %parallel_loop3A_407, %parallel_loop3A_409 : vector<16xi32>
        %parallel_loop3A_411 = vector.bitcast %parallel_loop3A_410 : vector<16xi32> to vector<16xi32>
        %parallel_loop3A_412 = arith.shrui %parallel_loop3A_406, %parallel_loop3A_282 : vector<16xi32>
        %parallel_loop3A_413 = arith.constant 255 : i32
        %parallel_loop3A_414 = vector.broadcast %parallel_loop3A_413 : i32 to vector<16xi32>
        %parallel_loop3A_415 = arith.andi %parallel_loop3A_412, %parallel_loop3A_414 : vector<16xi32>
        %parallel_loop3A_416 = vector.bitcast %parallel_loop3A_415 : vector<16xi32> to vector<16xi32>
        %parallel_loop3A_417 = tpu.vector_load_idx %arg7[%parallel_loop3A_411] : memref<256xi32, #tpu.memory_space<vmem>>[vector<16xi32>], vector<16xi32>,
        %parallel_loop3A_418 = vector.bitcast %parallel_loop3A_417 : vector<16xi32> to vector<16xf32>
        %parallel_loop3A_419 = arith.mulf %parallel_loop3A_418, %parallel_loop3A_264 : vector<16xf32>
        %parallel_loop3A_420 = tpu.vector_load_idx %arg7[%parallel_loop3A_416] : memref<256xi32, #tpu.memory_space<vmem>>[vector<16xi32>], vector<16xi32>,
        %parallel_loop3A_421 = vector.bitcast %parallel_loop3A_420 : vector<16xi32> to vector<16xf32>
        %parallel_loop3A_422 = arith.mulf %parallel_loop3A_421, %parallel_loop3A_268 : vector<16xf32>
        %parallel_loop3A_423 = tpu.pack_subelements %parallel_loop3A_419, %parallel_loop3A_422 {pack_format = #tpu.pack_format<interleaved>, positions = array<i32: 0, 1>} : vector<16xf32>, vector<16xf32> -> vector<32xbf16>
        %parallel_loop3A_424 = vector.bitcast %parallel_loop3A_423 : vector<32xbf16> to vector<16xi32>
        %parallel_loop3A_425 = arith.index_cast %parallel_loop3A_246 : i32 to index
        %parallel_loop3A_426 = arith.constant 64 : index
        %parallel_loop3A_427 = tpu.vector_load %arg15[%parallel_loop3A_425, %parallel_loop3A_426] {strides = array<i32>} : memref<64x128xi32, #tpu.memory_space<vmem>>, vector<16xi32>,
        tpu.vector_store %arg15[%parallel_loop3A_425, %parallel_loop3A_426], %parallel_loop3A_424 {strides = array<i32>} : memref<64x128xi32, #tpu.memory_space<vmem>>, vector<16xi32>,
        %parallel_loop3A_428 = arith.index_cast %parallel_loop3A_248 : i32 to index
        %parallel_loop3A_429 = arith.constant 80 : index
        %parallel_loop3A_430 = tpu.vector_load %arg11[%parallel_loop3A_428, %parallel_loop3A_429] {strides = array<i32>} : memref<128x128xi32, #tpu.memory_space<vmem>>, vector<16xi32>,
        %parallel_loop3A_431 = vector.bitcast %parallel_loop3A_430 : vector<16xi32> to vector<16xi32>
        %parallel_loop3A_432 = arith.index_cast %parallel_loop3A_252 : i32 to index
        %parallel_loop3A_433 = arith.constant 80 : index
        %parallel_loop3A_434 = tpu.vector_load %arg11[%parallel_loop3A_432, %parallel_loop3A_433] {strides = array<i32>} : memref<128x128xi32, #tpu.memory_space<vmem>>, vector<16xi32>,
        %parallel_loop3A_435 = vector.bitcast %parallel_loop3A_434 : vector<16xi32> to vector<16xi32>
        %parallel_loop3A_436 = arith.shrui %parallel_loop3A_431, %parallel_loop3A_275 : vector<16xi32>
        %parallel_loop3A_437 = arith.constant 255 : i32
        %parallel_loop3A_438 = vector.broadcast %parallel_loop3A_437 : i32 to vector<16xi32>
        %parallel_loop3A_439 = arith.andi %parallel_loop3A_436, %parallel_loop3A_438 : vector<16xi32>
        %parallel_loop3A_440 = vector.bitcast %parallel_loop3A_439 : vector<16xi32> to vector<16xi32>
        %parallel_loop3A_441 = arith.shrui %parallel_loop3A_435, %parallel_loop3A_282 : vector<16xi32>
        %parallel_loop3A_442 = arith.constant 255 : i32
        %parallel_loop3A_443 = vector.broadcast %parallel_loop3A_442 : i32 to vector<16xi32>
        %parallel_loop3A_444 = arith.andi %parallel_loop3A_441, %parallel_loop3A_443 : vector<16xi32>
        %parallel_loop3A_445 = vector.bitcast %parallel_loop3A_444 : vector<16xi32> to vector<16xi32>
        %parallel_loop3A_446 = tpu.vector_load_idx %arg7[%parallel_loop3A_440] : memref<256xi32, #tpu.memory_space<vmem>>[vector<16xi32>], vector<16xi32>,
        %parallel_loop3A_447 = vector.bitcast %parallel_loop3A_446 : vector<16xi32> to vector<16xf32>
        %parallel_loop3A_448 = arith.mulf %parallel_loop3A_447, %parallel_loop3A_264 : vector<16xf32>
        %parallel_loop3A_449 = tpu.vector_load_idx %arg7[%parallel_loop3A_445] : memref<256xi32, #tpu.memory_space<vmem>>[vector<16xi32>], vector<16xi32>,
        %parallel_loop3A_450 = vector.bitcast %parallel_loop3A_449 : vector<16xi32> to vector<16xf32>
        %parallel_loop3A_451 = arith.mulf %parallel_loop3A_450, %parallel_loop3A_268 : vector<16xf32>
        %parallel_loop3A_452 = tpu.pack_subelements %parallel_loop3A_448, %parallel_loop3A_451 {pack_format = #tpu.pack_format<interleaved>, positions = array<i32: 0, 1>} : vector<16xf32>, vector<16xf32> -> vector<32xbf16>
        %parallel_loop3A_453 = vector.bitcast %parallel_loop3A_452 : vector<32xbf16> to vector<16xi32>
        %parallel_loop3A_454 = arith.index_cast %parallel_loop3A_246 : i32 to index
        %parallel_loop3A_455 = arith.constant 80 : index
        %parallel_loop3A_456 = tpu.vector_load %arg15[%parallel_loop3A_454, %parallel_loop3A_455] {strides = array<i32>} : memref<64x128xi32, #tpu.memory_space<vmem>>, vector<16xi32>,
        tpu.vector_store %arg15[%parallel_loop3A_454, %parallel_loop3A_455], %parallel_loop3A_453 {strides = array<i32>} : memref<64x128xi32, #tpu.memory_space<vmem>>, vector<16xi32>,
        %parallel_loop3A_457 = arith.index_cast %parallel_loop3A_248 : i32 to index
        %parallel_loop3A_458 = arith.constant 96 : index
        %parallel_loop3A_459 = tpu.vector_load %arg11[%parallel_loop3A_457, %parallel_loop3A_458] {strides = array<i32>} : memref<128x128xi32, #tpu.memory_space<vmem>>, vector<16xi32>,
        %parallel_loop3A_460 = vector.bitcast %parallel_loop3A_459 : vector<16xi32> to vector<16xi32>
        %parallel_loop3A_461 = arith.index_cast %parallel_loop3A_252 : i32 to index
        %parallel_loop3A_462 = arith.constant 96 : index
        %parallel_loop3A_463 = tpu.vector_load %arg11[%parallel_loop3A_461, %parallel_loop3A_462] {strides = array<i32>} : memref<128x128xi32, #tpu.memory_space<vmem>>, vector<16xi32>,
        %parallel_loop3A_464 = vector.bitcast %parallel_loop3A_463 : vector<16xi32> to vector<16xi32>
        %parallel_loop3A_465 = arith.shrui %parallel_loop3A_460, %parallel_loop3A_275 : vector<16xi32>
        %parallel_loop3A_466 = arith.constant 255 : i32
        %parallel_loop3A_467 = vector.broadcast %parallel_loop3A_466 : i32 to vector<16xi32>
        %parallel_loop3A_468 = arith.andi %parallel_loop3A_465, %parallel_loop3A_467 : vector<16xi32>
        %parallel_loop3A_469 = vector.bitcast %parallel_loop3A_468 : vector<16xi32> to vector<16xi32>
        %parallel_loop3A_470 = arith.shrui %parallel_loop3A_464, %parallel_loop3A_282 : vector<16xi32>
        %parallel_loop3A_471 = arith.constant 255 : i32
        %parallel_loop3A_472 = vector.broadcast %parallel_loop3A_471 : i32 to vector<16xi32>
        %parallel_loop3A_473 = arith.andi %parallel_loop3A_470, %parallel_loop3A_472 : vector<16xi32>
        %parallel_loop3A_474 = vector.bitcast %parallel_loop3A_473 : vector<16xi32> to vector<16xi32>
        %parallel_loop3A_475 = tpu.vector_load_idx %arg7[%parallel_loop3A_469] : memref<256xi32, #tpu.memory_space<vmem>>[vector<16xi32>], vector<16xi32>,
        %parallel_loop3A_476 = vector.bitcast %parallel_loop3A_475 : vector<16xi32> to vector<16xf32>
        %parallel_loop3A_477 = arith.mulf %parallel_loop3A_476, %parallel_loop3A_264 : vector<16xf32>
        %parallel_loop3A_478 = tpu.vector_load_idx %arg7[%parallel_loop3A_474] : memref<256xi32, #tpu.memory_space<vmem>>[vector<16xi32>], vector<16xi32>,
        %parallel_loop3A_479 = vector.bitcast %parallel_loop3A_478 : vector<16xi32> to vector<16xf32>
        %parallel_loop3A_480 = arith.mulf %parallel_loop3A_479, %parallel_loop3A_268 : vector<16xf32>
        %parallel_loop3A_481 = tpu.pack_subelements %parallel_loop3A_477, %parallel_loop3A_480 {pack_format = #tpu.pack_format<interleaved>, positions = array<i32: 0, 1>} : vector<16xf32>, vector<16xf32> -> vector<32xbf16>
        %parallel_loop3A_482 = vector.bitcast %parallel_loop3A_481 : vector<32xbf16> to vector<16xi32>
        %parallel_loop3A_483 = arith.index_cast %parallel_loop3A_246 : i32 to index
        %parallel_loop3A_484 = arith.constant 96 : index
        %parallel_loop3A_485 = tpu.vector_load %arg15[%parallel_loop3A_483, %parallel_loop3A_484] {strides = array<i32>} : memref<64x128xi32, #tpu.memory_space<vmem>>, vector<16xi32>,
        tpu.vector_store %arg15[%parallel_loop3A_483, %parallel_loop3A_484], %parallel_loop3A_482 {strides = array<i32>} : memref<64x128xi32, #tpu.memory_space<vmem>>, vector<16xi32>,
        %parallel_loop3A_486 = arith.index_cast %parallel_loop3A_248 : i32 to index
        %parallel_loop3A_487 = arith.constant 112 : index
        %parallel_loop3A_488 = tpu.vector_load %arg11[%parallel_loop3A_486, %parallel_loop3A_487] {strides = array<i32>} : memref<128x128xi32, #tpu.memory_space<vmem>>, vector<16xi32>,
        %parallel_loop3A_489 = vector.bitcast %parallel_loop3A_488 : vector<16xi32> to vector<16xi32>
        %parallel_loop3A_490 = arith.index_cast %parallel_loop3A_252 : i32 to index
        %parallel_loop3A_491 = arith.constant 112 : index
        %parallel_loop3A_492 = tpu.vector_load %arg11[%parallel_loop3A_490, %parallel_loop3A_491] {strides = array<i32>} : memref<128x128xi32, #tpu.memory_space<vmem>>, vector<16xi32>,
        %parallel_loop3A_493 = vector.bitcast %parallel_loop3A_492 : vector<16xi32> to vector<16xi32>
        %parallel_loop3A_494 = arith.shrui %parallel_loop3A_489, %parallel_loop3A_275 : vector<16xi32>
        %parallel_loop3A_495 = arith.constant 255 : i32
        %parallel_loop3A_496 = vector.broadcast %parallel_loop3A_495 : i32 to vector<16xi32>
        %parallel_loop3A_497 = arith.andi %parallel_loop3A_494, %parallel_loop3A_496 : vector<16xi32>
        %parallel_loop3A_498 = vector.bitcast %parallel_loop3A_497 : vector<16xi32> to vector<16xi32>
        %parallel_loop3A_499 = arith.shrui %parallel_loop3A_493, %parallel_loop3A_282 : vector<16xi32>
        %parallel_loop3A_500 = arith.constant 255 : i32
        %parallel_loop3A_501 = vector.broadcast %parallel_loop3A_500 : i32 to vector<16xi32>
        %parallel_loop3A_502 = arith.andi %parallel_loop3A_499, %parallel_loop3A_501 : vector<16xi32>
        %parallel_loop3A_503 = vector.bitcast %parallel_loop3A_502 : vector<16xi32> to vector<16xi32>
        %parallel_loop3A_504 = tpu.vector_load_idx %arg7[%parallel_loop3A_498] : memref<256xi32, #tpu.memory_space<vmem>>[vector<16xi32>], vector<16xi32>,
        %parallel_loop3A_505 = vector.bitcast %parallel_loop3A_504 : vector<16xi32> to vector<16xf32>
        %parallel_loop3A_506 = arith.mulf %parallel_loop3A_505, %parallel_loop3A_264 : vector<16xf32>
        %parallel_loop3A_507 = tpu.vector_load_idx %arg7[%parallel_loop3A_503] : memref<256xi32, #tpu.memory_space<vmem>>[vector<16xi32>], vector<16xi32>,
        %parallel_loop3A_508 = vector.bitcast %parallel_loop3A_507 : vector<16xi32> to vector<16xf32>
        %parallel_loop3A_509 = arith.mulf %parallel_loop3A_508, %parallel_loop3A_268 : vector<16xf32>
        %parallel_loop3A_510 = tpu.pack_subelements %parallel_loop3A_506, %parallel_loop3A_509 {pack_format = #tpu.pack_format<interleaved>, positions = array<i32: 0, 1>} : vector<16xf32>, vector<16xf32> -> vector<32xbf16>
        %parallel_loop3A_511 = vector.bitcast %parallel_loop3A_510 : vector<32xbf16> to vector<16xi32>
        %parallel_loop3A_512 = arith.index_cast %parallel_loop3A_246 : i32 to index
        %parallel_loop3A_513 = arith.constant 112 : index
        %parallel_loop3A_514 = tpu.vector_load %arg15[%parallel_loop3A_512, %parallel_loop3A_513] {strides = array<i32>} : memref<64x128xi32, #tpu.memory_space<vmem>>, vector<16xi32>,
        tpu.vector_store %arg15[%parallel_loop3A_512, %parallel_loop3A_513], %parallel_loop3A_511 {strides = array<i32>} : memref<64x128xi32, #tpu.memory_space<vmem>>, vector<16xi32>,
      } {sc.loop_unroll_factor = 4 : i64, sc.parallel_access}
      %mul3A_194 = arith.constant 64 : i32
      %mul3A_195 = arith.muli %add3A, %mul3A_194 : i32
      %dma_start3A_196 = tpu.memref_bitcast %arg6 : memref<50x4096x128xbf16, #tpu.memory_space<hbm>> -> memref<50x2048x128xi32, #tpu.memory_space<hbm>>
      %dma_start3A_197 = arith.constant 0 : i32
      %dma_start3A_198 = tpu.memref_slice %dma_start3A_196[%add3A_170, %mul3A_195, %dma_start3A_197] : memref<50x2048x128xi32, #tpu.memory_space<hbm>> -> memref<1x64x128xi32, #tpu.memory_space<hbm>>
      %dma_start3A_199 = tpu.memref_squeeze %dma_start3A_198 : memref<1x64x128xi32, #tpu.memory_space<hbm>> -> memref<64x128xi32, #tpu.memory_space<hbm>>
      %dma_start3A_200 = tpu.memref_bitcast %arg6 : memref<50x4096x128xbf16, #tpu.memory_space<hbm>> -> memref<50x2048x128xi32, #tpu.memory_space<hbm>>
      %dma_start3A_201 = arith.constant 0 : i32
      %dma_start3A_202 = tpu.memref_slice %dma_start3A_200[%add3A_170, %mul3A_195, %dma_start3A_201] : memref<50x2048x128xi32, #tpu.memory_space<hbm>> -> memref<1x64x128xi32, #tpu.memory_space<hbm>>
      %dma_start3A_203 = tpu.memref_squeeze %dma_start3A_202 : memref<1x64x128xi32, #tpu.memory_space<hbm>> -> memref<64x128xi32, #tpu.memory_space<hbm>>
      tpu.enqueue_dma source(%arg15 : memref<64x128xi32, #tpu.memory_space<vmem>>) target(%dma_start3A_203 : memref<64x128xi32, #tpu.memory_space<hbm>>) target_semaphore(%arg21 : memref<!tpu.dma_semaphore, #tpu.memory_space<semaphore_mem>>)
      %mul3A_204 = arith.constant 2 : i32
      %mul3A_205 = arith.muli %scan3A_166, %mul3A_204 : i32
      %add3A_206 = arith.constant 1 : i32
      %add3A_207 = arith.addi %mul3A_205, %add3A_206 : i32
      %add3A_208 = arith.constant 1 : i32
      %add3A_209 = arith.addi %add3A_207, %add3A_208 : i32
      %lt3A_210 = arith.constant 50 : i32
      %lt3A_211 = arith.cmpi slt, %add3A_209, %lt3A_210 : i32
      %convert_element_type3A_212 = arith.extui %lt3A_211 : i1 to i32
      %cond3A_213 = arith.constant 0 : i32
      %cond3A_214 = arith.cmpi ne, %convert_element_type3A_212, %cond3A_213 : i32
      scf.if %cond3A_214 {
        %add3A_246 = arith.constant 1 : i32
        %add3A_247 = arith.addi %add3A_207, %add3A_246 : i32
        %dma_start3A_248 = arith.constant 0 : i32
        %dma_start3A_249 = tpu.memref_slice %arg10[%add3A_247, %dma_start3A_248] : memref<50x128xi32, #tpu.memory_space<vmem>> -> memref<1x128xi32, #tpu.memory_space<vmem>>
        %dma_start3A_250 = tpu.memref_squeeze %dma_start3A_249 : memref<1x128xi32, #tpu.memory_space<vmem>> -> memref<128xi32, #tpu.memory_space<vmem>>
        %dma_start3A_251 = tpu.memref_bitcast %arg3 : memref<100000x128xf8E4M3FN, #tpu.memory_space<hbm>> -> memref<25000x128xi32, #tpu.memory_space<hbm>>
        %dma_start3A_252 = arith.constant 0 : i32
        %dma_start3A_253 = arith.constant 0 : i32
        %dma_start3A_254 = tpu.memref_slice %dma_start3A_251[%dma_start3A_252, %dma_start3A_253] : memref<25000x128xi32, #tpu.memory_space<hbm>> -> memref<25000x128xi32, #tpu.memory_space<hbm>>
        tpu.enqueue_indirect_dma source(%dma_start3A_254 : memref<25000x128xi32, #tpu.memory_space<hbm>>) target(%arg11 : memref<128x128xi32, #tpu.memory_space<vmem>>) offsets(%dma_start3A_250 : memref<128xi32, #tpu.memory_space<vmem>>) semaphore(%arg17 : memref<!tpu.dma_semaphore, #tpu.memory_space<semaphore_mem>>)
        %dma_start3A_255 = arith.constant 0 : i32
        %dma_start3A_256 = tpu.memref_slice %arg9[%add3A_247, %dma_start3A_255] : memref<50x128xi32, #tpu.memory_space<vmem>> -> memref<1x128xi32, #tpu.memory_space<vmem>>
        %dma_start3A_257 = tpu.memref_squeeze %dma_start3A_256 : memref<1x128xi32, #tpu.memory_space<vmem>> -> memref<128xi32, #tpu.memory_space<vmem>>
        %dma_start3A_258 = arith.constant 0 : i32
        %dma_start3A_259 = tpu.memref_slice %arg4[%dma_start3A_258] : memref<100000xi32, #tpu.memory_space<hbm>> -> memref<100000xi32, #tpu.memory_space<hbm>>
        tpu.enqueue_indirect_dma source(%dma_start3A_259 : memref<100000xi32, #tpu.memory_space<hbm>>) target(%arg13 : memref<128xi32, #tpu.memory_space<vmem>>) offsets(%dma_start3A_257 : memref<128xi32, #tpu.memory_space<vmem>>) semaphore(%arg19 : memref<!tpu.dma_semaphore, #tpu.memory_space<semaphore_mem>>)
      } else {
      }
      %dma_wait3A_215 = arith.constant 0 : i32
      %dma_wait3A_216 = tpu.memref_slice %arg10[%add3A_207, %dma_wait3A_215] : memref<50x128xi32, #tpu.memory_space<vmem>> -> memref<1x128xi32, #tpu.memory_space<vmem>>
      %dma_wait3A_217 = tpu.memref_squeeze %dma_wait3A_216 : memref<1x128xi32, #tpu.memory_space<vmem>> -> memref<128xi32, #tpu.memory_space<vmem>>
      %dma_wait3A_218 = tpu.memref_bitcast %arg3 : memref<100000x128xf8E4M3FN, #tpu.memory_space<hbm>> -> memref<25000x128xi32, #tpu.memory_space<hbm>>
      %dma_wait3A_219 = arith.constant 0 : i32
      %dma_wait3A_220 = arith.constant 0 : i32
      %dma_wait3A_221 = tpu.memref_slice %dma_wait3A_218[%dma_wait3A_219, %dma_wait3A_220] : memref<25000x128xi32, #tpu.memory_space<hbm>> -> memref<25000x128xi32, #tpu.memory_space<hbm>>
      tpu.wait_indirect_dma semaphore(%arg18 : memref<!tpu.dma_semaphore, #tpu.memory_space<semaphore_mem>>) src(%dma_wait3A_221 : memref<25000x128xi32, #tpu.memory_space<hbm>>) dst(%arg12 : memref<128x128xi32, #tpu.memory_space<vmem>>)
      %dma_wait3A_222 = arith.constant 0 : i32
      %dma_wait3A_223 = tpu.memref_slice %arg9[%add3A_207, %dma_wait3A_222] : memref<50x128xi32, #tpu.memory_space<vmem>> -> memref<1x128xi32, #tpu.memory_space<vmem>>
      %dma_wait3A_224 = tpu.memref_squeeze %dma_wait3A_223 : memref<1x128xi32, #tpu.memory_space<vmem>> -> memref<128xi32, #tpu.memory_space<vmem>>
      %dma_wait3A_225 = arith.constant 0 : i32
      %dma_wait3A_226 = tpu.memref_slice %arg4[%dma_wait3A_225] : memref<100000xi32, #tpu.memory_space<hbm>> -> memref<100000xi32, #tpu.memory_space<hbm>>
      tpu.wait_indirect_dma semaphore(%arg20 : memref<!tpu.dma_semaphore, #tpu.memory_space<semaphore_mem>>) src(%dma_wait3A_226 : memref<100000xi32, #tpu.memory_space<hbm>>) dst(%arg14 : memref<128xi32, #tpu.memory_space<vmem>>)
      %broadcast_in_dim3A_227 = vector.broadcast %add3A_207 : i32 to vector<16xi32>
      %ge3A_228 = arith.constant 2 : i32
      %ge3A_229 = arith.cmpi sge, %add3A_207, %ge3A_228 : i32
      %convert_element_type3A_230 = arith.extui %ge3A_229 : i1 to i32
      %cond3A_231 = arith.constant 0 : i32
      %cond3A_232 = arith.cmpi ne, %convert_element_type3A_230, %cond3A_231 : i32
      scf.if %cond3A_232 {
        %sub3A = arith.constant 2 : i32
        %sub3A_246 = arith.subi %add3A_207, %sub3A : i32
        %mul3A_247 = arith.constant 64 : i32
        %mul3A_248 = arith.muli %add3A, %mul3A_247 : i32
        %dma_wait3A_249 = tpu.memref_bitcast %arg6 : memref<50x4096x128xbf16, #tpu.memory_space<hbm>> -> memref<50x2048x128xi32, #tpu.memory_space<hbm>>
        %dma_wait3A_250 = arith.constant 0 : i32
        %dma_wait3A_251 = tpu.memref_slice %dma_wait3A_249[%sub3A_246, %mul3A_248, %dma_wait3A_250] : memref<50x2048x128xi32, #tpu.memory_space<hbm>> -> memref<1x64x128xi32, #tpu.memory_space<hbm>>
        %dma_wait3A_252 = tpu.memref_squeeze %dma_wait3A_251 : memref<1x64x128xi32, #tpu.memory_space<hbm>> -> memref<64x128xi32, #tpu.memory_space<hbm>>
        %dma_wait3A_253 = tpu.memref_bitcast %arg6 : memref<50x4096x128xbf16, #tpu.memory_space<hbm>> -> memref<50x2048x128xi32, #tpu.memory_space<hbm>>
        %dma_wait3A_254 = arith.constant 0 : i32
        %dma_wait3A_255 = tpu.memref_slice %dma_wait3A_253[%sub3A_246, %mul3A_248, %dma_wait3A_254] : memref<50x2048x128xi32, #tpu.memory_space<hbm>> -> memref<1x64x128xi32, #tpu.memory_space<hbm>>
        %dma_wait3A_256 = tpu.memref_squeeze %dma_wait3A_255 : memref<1x64x128xi32, #tpu.memory_space<hbm>> -> memref<64x128xi32, #tpu.memory_space<hbm>>
        tpu.wait_dma2 semaphore(%arg22 : memref<!tpu.dma_semaphore, #tpu.memory_space<semaphore_mem>>) src(%arg16 : memref<64x128xi32, #tpu.memory_space<vmem>>) dst(%dma_wait3A_256 : memref<64x128xi32, #tpu.memory_space<hbm>>)
      } else {
      }
      %parallel_loop3A_233 = arith.constant 0 : i32
      %parallel_loop3A_234 = arith.constant 64 : i32
      %parallel_loop3A_235 = arith.constant 1 : i32
      scf.for %parallel_loop3A_246 = %parallel_loop3A_233 to %parallel_loop3A_234 step %parallel_loop3A_235  : i32 {
        %parallel_loop3A_247 = arith.constant 2 : i32
        %parallel_loop3A_248 = arith.muli %parallel_loop3A_247, %parallel_loop3A_246 : i32
        %parallel_loop3A_249 = arith.constant 2 : i32
        %parallel_loop3A_250 = arith.muli %parallel_loop3A_249, %parallel_loop3A_246 : i32
        %parallel_loop3A_251 = arith.constant 1 : i32
        %parallel_loop3A_252 = arith.addi %parallel_loop3A_250, %parallel_loop3A_251 : i32
        %parallel_loop3A_253 = vector.broadcast %parallel_loop3A_248 : i32 to vector<16xi32>
        %parallel_loop3A_254 = tpu.vector_load_idx %arg9[%broadcast_in_dim3A_227, %parallel_loop3A_253] : memref<50x128xi32, #tpu.memory_space<vmem>>[vector<16xi32>, vector<16xi32>], vector<16xi32>,
        %parallel_loop3A_255 = vector.broadcast %parallel_loop3A_252 : i32 to vector<16xi32>
        %parallel_loop3A_256 = tpu.vector_load_idx %arg9[%broadcast_in_dim3A_227, %parallel_loop3A_255] : memref<50x128xi32, #tpu.memory_space<vmem>>[vector<16xi32>, vector<16xi32>], vector<16xi32>,
        %parallel_loop3A_257 = vector.broadcast %parallel_loop3A_248 : i32 to vector<16xi32>
        %parallel_loop3A_258 = tpu.vector_load_idx %arg14[%parallel_loop3A_257] : memref<128xi32, #tpu.memory_space<vmem>>[vector<16xi32>], vector<16xi32>,
        %parallel_loop3A_259 = vector.broadcast %parallel_loop3A_252 : i32 to vector<16xi32>
        %parallel_loop3A_260 = tpu.vector_load_idx %arg14[%parallel_loop3A_259] : memref<128xi32, #tpu.memory_space<vmem>>[vector<16xi32>], vector<16xi32>,
        %parallel_loop3A_261 = arith.constant 16 : i32
        %parallel_loop3A_262 = vector.broadcast %parallel_loop3A_261 : i32 to vector<16xi32>
        %parallel_loop3A_263 = arith.shli %parallel_loop3A_258, %parallel_loop3A_262 : vector<16xi32>
        %parallel_loop3A_264 = vector.bitcast %parallel_loop3A_263 : vector<16xi32> to vector<16xf32>
        %parallel_loop3A_265 = arith.constant 16 : i32
        %parallel_loop3A_266 = vector.broadcast %parallel_loop3A_265 : i32 to vector<16xi32>
        %parallel_loop3A_267 = arith.shli %parallel_loop3A_260, %parallel_loop3A_266 : vector<16xi32>
        %parallel_loop3A_268 = vector.bitcast %parallel_loop3A_267 : vector<16xi32> to vector<16xf32>
        %parallel_loop3A_269 = arith.constant 3 : i32
        %parallel_loop3A_270 = vector.broadcast %parallel_loop3A_269 : i32 to vector<16xi32>
        %parallel_loop3A_271 = arith.andi %parallel_loop3A_254, %parallel_loop3A_270 : vector<16xi32>
        %parallel_loop3A_272 = arith.constant 8 : i32
        %parallel_loop3A_273 = vector.broadcast %parallel_loop3A_272 : i32 to vector<16xi32>
        %parallel_loop3A_274 = arith.muli %parallel_loop3A_271, %parallel_loop3A_273 : vector<16xi32>
        %parallel_loop3A_275 = vector.bitcast %parallel_loop3A_274 : vector<16xi32> to vector<16xi32>
        %parallel_loop3A_276 = arith.constant 3 : i32
        %parallel_loop3A_277 = vector.broadcast %parallel_loop3A_276 : i32 to vector<16xi32>
        %parallel_loop3A_278 = arith.andi %parallel_loop3A_256, %parallel_loop3A_277 : vector<16xi32>
        %parallel_loop3A_279 = arith.constant 8 : i32
        %parallel_loop3A_280 = vector.broadcast %parallel_loop3A_279 : i32 to vector<16xi32>
        %parallel_loop3A_281 = arith.muli %parallel_loop3A_278, %parallel_loop3A_280 : vector<16xi32>
        %parallel_loop3A_282 = vector.bitcast %parallel_loop3A_281 : vector<16xi32> to vector<16xi32>
        %parallel_loop3A_283 = arith.index_cast %parallel_loop3A_248 : i32 to index
        %parallel_loop3A_284 = arith.constant 0 : index
        %parallel_loop3A_285 = tpu.vector_load %arg12[%parallel_loop3A_283, %parallel_loop3A_284] {strides = array<i32>} : memref<128x128xi32, #tpu.memory_space<vmem>>, vector<16xi32>,
        %parallel_loop3A_286 = vector.bitcast %parallel_loop3A_285 : vector<16xi32> to vector<16xi32>
        %parallel_loop3A_287 = arith.index_cast %parallel_loop3A_252 : i32 to index
        %parallel_loop3A_288 = arith.constant 0 : index
        %parallel_loop3A_289 = tpu.vector_load %arg12[%parallel_loop3A_287, %parallel_loop3A_288] {strides = array<i32>} : memref<128x128xi32, #tpu.memory_space<vmem>>, vector<16xi32>,
        %parallel_loop3A_290 = vector.bitcast %parallel_loop3A_289 : vector<16xi32> to vector<16xi32>
        %parallel_loop3A_291 = arith.shrui %parallel_loop3A_286, %parallel_loop3A_275 : vector<16xi32>
        %parallel_loop3A_292 = arith.constant 255 : i32
        %parallel_loop3A_293 = vector.broadcast %parallel_loop3A_292 : i32 to vector<16xi32>
        %parallel_loop3A_294 = arith.andi %parallel_loop3A_291, %parallel_loop3A_293 : vector<16xi32>
        %parallel_loop3A_295 = vector.bitcast %parallel_loop3A_294 : vector<16xi32> to vector<16xi32>
        %parallel_loop3A_296 = arith.shrui %parallel_loop3A_290, %parallel_loop3A_282 : vector<16xi32>
        %parallel_loop3A_297 = arith.constant 255 : i32
        %parallel_loop3A_298 = vector.broadcast %parallel_loop3A_297 : i32 to vector<16xi32>
        %parallel_loop3A_299 = arith.andi %parallel_loop3A_296, %parallel_loop3A_298 : vector<16xi32>
        %parallel_loop3A_300 = vector.bitcast %parallel_loop3A_299 : vector<16xi32> to vector<16xi32>
        %parallel_loop3A_301 = tpu.vector_load_idx %arg7[%parallel_loop3A_295] : memref<256xi32, #tpu.memory_space<vmem>>[vector<16xi32>], vector<16xi32>,
        %parallel_loop3A_302 = vector.bitcast %parallel_loop3A_301 : vector<16xi32> to vector<16xf32>
        %parallel_loop3A_303 = arith.mulf %parallel_loop3A_302, %parallel_loop3A_264 : vector<16xf32>
        %parallel_loop3A_304 = tpu.vector_load_idx %arg7[%parallel_loop3A_300] : memref<256xi32, #tpu.memory_space<vmem>>[vector<16xi32>], vector<16xi32>,
        %parallel_loop3A_305 = vector.bitcast %parallel_loop3A_304 : vector<16xi32> to vector<16xf32>
        %parallel_loop3A_306 = arith.mulf %parallel_loop3A_305, %parallel_loop3A_268 : vector<16xf32>
        %parallel_loop3A_307 = tpu.pack_subelements %parallel_loop3A_303, %parallel_loop3A_306 {pack_format = #tpu.pack_format<interleaved>, positions = array<i32: 0, 1>} : vector<16xf32>, vector<16xf32> -> vector<32xbf16>
        %parallel_loop3A_308 = vector.bitcast %parallel_loop3A_307 : vector<32xbf16> to vector<16xi32>
        %parallel_loop3A_309 = arith.index_cast %parallel_loop3A_246 : i32 to index
        %parallel_loop3A_310 = arith.constant 0 : index
        %parallel_loop3A_311 = tpu.vector_load %arg16[%parallel_loop3A_309, %parallel_loop3A_310] {strides = array<i32>} : memref<64x128xi32, #tpu.memory_space<vmem>>, vector<16xi32>,
        tpu.vector_store %arg16[%parallel_loop3A_309, %parallel_loop3A_310], %parallel_loop3A_308 {strides = array<i32>} : memref<64x128xi32, #tpu.memory_space<vmem>>, vector<16xi32>,
        %parallel_loop3A_312 = arith.index_cast %parallel_loop3A_248 : i32 to index
        %parallel_loop3A_313 = arith.constant 16 : index
        %parallel_loop3A_314 = tpu.vector_load %arg12[%parallel_loop3A_312, %parallel_loop3A_313] {strides = array<i32>} : memref<128x128xi32, #tpu.memory_space<vmem>>, vector<16xi32>,
        %parallel_loop3A_315 = vector.bitcast %parallel_loop3A_314 : vector<16xi32> to vector<16xi32>
        %parallel_loop3A_316 = arith.index_cast %parallel_loop3A_252 : i32 to index
        %parallel_loop3A_317 = arith.constant 16 : index
        %parallel_loop3A_318 = tpu.vector_load %arg12[%parallel_loop3A_316, %parallel_loop3A_317] {strides = array<i32>} : memref<128x128xi32, #tpu.memory_space<vmem>>, vector<16xi32>,
        %parallel_loop3A_319 = vector.bitcast %parallel_loop3A_318 : vector<16xi32> to vector<16xi32>
        %parallel_loop3A_320 = arith.shrui %parallel_loop3A_315, %parallel_loop3A_275 : vector<16xi32>
        %parallel_loop3A_321 = arith.constant 255 : i32
        %parallel_loop3A_322 = vector.broadcast %parallel_loop3A_321 : i32 to vector<16xi32>
        %parallel_loop3A_323 = arith.andi %parallel_loop3A_320, %parallel_loop3A_322 : vector<16xi32>
        %parallel_loop3A_324 = vector.bitcast %parallel_loop3A_323 : vector<16xi32> to vector<16xi32>
        %parallel_loop3A_325 = arith.shrui %parallel_loop3A_319, %parallel_loop3A_282 : vector<16xi32>
        %parallel_loop3A_326 = arith.constant 255 : i32
        %parallel_loop3A_327 = vector.broadcast %parallel_loop3A_326 : i32 to vector<16xi32>
        %parallel_loop3A_328 = arith.andi %parallel_loop3A_325, %parallel_loop3A_327 : vector<16xi32>
        %parallel_loop3A_329 = vector.bitcast %parallel_loop3A_328 : vector<16xi32> to vector<16xi32>
        %parallel_loop3A_330 = tpu.vector_load_idx %arg7[%parallel_loop3A_324] : memref<256xi32, #tpu.memory_space<vmem>>[vector<16xi32>], vector<16xi32>,
        %parallel_loop3A_331 = vector.bitcast %parallel_loop3A_330 : vector<16xi32> to vector<16xf32>
        %parallel_loop3A_332 = arith.mulf %parallel_loop3A_331, %parallel_loop3A_264 : vector<16xf32>
        %parallel_loop3A_333 = tpu.vector_load_idx %arg7[%parallel_loop3A_329] : memref<256xi32, #tpu.memory_space<vmem>>[vector<16xi32>], vector<16xi32>,
        %parallel_loop3A_334 = vector.bitcast %parallel_loop3A_333 : vector<16xi32> to vector<16xf32>
        %parallel_loop3A_335 = arith.mulf %parallel_loop3A_334, %parallel_loop3A_268 : vector<16xf32>
        %parallel_loop3A_336 = tpu.pack_subelements %parallel_loop3A_332, %parallel_loop3A_335 {pack_format = #tpu.pack_format<interleaved>, positions = array<i32: 0, 1>} : vector<16xf32>, vector<16xf32> -> vector<32xbf16>
        %parallel_loop3A_337 = vector.bitcast %parallel_loop3A_336 : vector<32xbf16> to vector<16xi32>
        %parallel_loop3A_338 = arith.index_cast %parallel_loop3A_246 : i32 to index
        %parallel_loop3A_339 = arith.constant 16 : index
        %parallel_loop3A_340 = tpu.vector_load %arg16[%parallel_loop3A_338, %parallel_loop3A_339] {strides = array<i32>} : memref<64x128xi32, #tpu.memory_space<vmem>>, vector<16xi32>,
        tpu.vector_store %arg16[%parallel_loop3A_338, %parallel_loop3A_339], %parallel_loop3A_337 {strides = array<i32>} : memref<64x128xi32, #tpu.memory_space<vmem>>, vector<16xi32>,
        %parallel_loop3A_341 = arith.index_cast %parallel_loop3A_248 : i32 to index
        %parallel_loop3A_342 = arith.constant 32 : index
        %parallel_loop3A_343 = tpu.vector_load %arg12[%parallel_loop3A_341, %parallel_loop3A_342] {strides = array<i32>} : memref<128x128xi32, #tpu.memory_space<vmem>>, vector<16xi32>,
        %parallel_loop3A_344 = vector.bitcast %parallel_loop3A_343 : vector<16xi32> to vector<16xi32>
        %parallel_loop3A_345 = arith.index_cast %parallel_loop3A_252 : i32 to index
        %parallel_loop3A_346 = arith.constant 32 : index
        %parallel_loop3A_347 = tpu.vector_load %arg12[%parallel_loop3A_345, %parallel_loop3A_346] {strides = array<i32>} : memref<128x128xi32, #tpu.memory_space<vmem>>, vector<16xi32>,
        %parallel_loop3A_348 = vector.bitcast %parallel_loop3A_347 : vector<16xi32> to vector<16xi32>
        %parallel_loop3A_349 = arith.shrui %parallel_loop3A_344, %parallel_loop3A_275 : vector<16xi32>
        %parallel_loop3A_350 = arith.constant 255 : i32
        %parallel_loop3A_351 = vector.broadcast %parallel_loop3A_350 : i32 to vector<16xi32>
        %parallel_loop3A_352 = arith.andi %parallel_loop3A_349, %parallel_loop3A_351 : vector<16xi32>
        %parallel_loop3A_353 = vector.bitcast %parallel_loop3A_352 : vector<16xi32> to vector<16xi32>
        %parallel_loop3A_354 = arith.shrui %parallel_loop3A_348, %parallel_loop3A_282 : vector<16xi32>
        %parallel_loop3A_355 = arith.constant 255 : i32
        %parallel_loop3A_356 = vector.broadcast %parallel_loop3A_355 : i32 to vector<16xi32>
        %parallel_loop3A_357 = arith.andi %parallel_loop3A_354, %parallel_loop3A_356 : vector<16xi32>
        %parallel_loop3A_358 = vector.bitcast %parallel_loop3A_357 : vector<16xi32> to vector<16xi32>
        %parallel_loop3A_359 = tpu.vector_load_idx %arg7[%parallel_loop3A_353] : memref<256xi32, #tpu.memory_space<vmem>>[vector<16xi32>], vector<16xi32>,
        %parallel_loop3A_360 = vector.bitcast %parallel_loop3A_359 : vector<16xi32> to vector<16xf32>
        %parallel_loop3A_361 = arith.mulf %parallel_loop3A_360, %parallel_loop3A_264 : vector<16xf32>
        %parallel_loop3A_362 = tpu.vector_load_idx %arg7[%parallel_loop3A_358] : memref<256xi32, #tpu.memory_space<vmem>>[vector<16xi32>], vector<16xi32>,
        %parallel_loop3A_363 = vector.bitcast %parallel_loop3A_362 : vector<16xi32> to vector<16xf32>
        %parallel_loop3A_364 = arith.mulf %parallel_loop3A_363, %parallel_loop3A_268 : vector<16xf32>
        %parallel_loop3A_365 = tpu.pack_subelements %parallel_loop3A_361, %parallel_loop3A_364 {pack_format = #tpu.pack_format<interleaved>, positions = array<i32: 0, 1>} : vector<16xf32>, vector<16xf32> -> vector<32xbf16>
        %parallel_loop3A_366 = vector.bitcast %parallel_loop3A_365 : vector<32xbf16> to vector<16xi32>
        %parallel_loop3A_367 = arith.index_cast %parallel_loop3A_246 : i32 to index
        %parallel_loop3A_368 = arith.constant 32 : index
        %parallel_loop3A_369 = tpu.vector_load %arg16[%parallel_loop3A_367, %parallel_loop3A_368] {strides = array<i32>} : memref<64x128xi32, #tpu.memory_space<vmem>>, vector<16xi32>,
        tpu.vector_store %arg16[%parallel_loop3A_367, %parallel_loop3A_368], %parallel_loop3A_366 {strides = array<i32>} : memref<64x128xi32, #tpu.memory_space<vmem>>, vector<16xi32>,
        %parallel_loop3A_370 = arith.index_cast %parallel_loop3A_248 : i32 to index
        %parallel_loop3A_371 = arith.constant 48 : index
        %parallel_loop3A_372 = tpu.vector_load %arg12[%parallel_loop3A_370, %parallel_loop3A_371] {strides = array<i32>} : memref<128x128xi32, #tpu.memory_space<vmem>>, vector<16xi32>,
        %parallel_loop3A_373 = vector.bitcast %parallel_loop3A_372 : vector<16xi32> to vector<16xi32>
        %parallel_loop3A_374 = arith.index_cast %parallel_loop3A_252 : i32 to index
        %parallel_loop3A_375 = arith.constant 48 : index
        %parallel_loop3A_376 = tpu.vector_load %arg12[%parallel_loop3A_374, %parallel_loop3A_375] {strides = array<i32>} : memref<128x128xi32, #tpu.memory_space<vmem>>, vector<16xi32>,
        %parallel_loop3A_377 = vector.bitcast %parallel_loop3A_376 : vector<16xi32> to vector<16xi32>
        %parallel_loop3A_378 = arith.shrui %parallel_loop3A_373, %parallel_loop3A_275 : vector<16xi32>
        %parallel_loop3A_379 = arith.constant 255 : i32
        %parallel_loop3A_380 = vector.broadcast %parallel_loop3A_379 : i32 to vector<16xi32>
        %parallel_loop3A_381 = arith.andi %parallel_loop3A_378, %parallel_loop3A_380 : vector<16xi32>
        %parallel_loop3A_382 = vector.bitcast %parallel_loop3A_381 : vector<16xi32> to vector<16xi32>
        %parallel_loop3A_383 = arith.shrui %parallel_loop3A_377, %parallel_loop3A_282 : vector<16xi32>
        %parallel_loop3A_384 = arith.constant 255 : i32
        %parallel_loop3A_385 = vector.broadcast %parallel_loop3A_384 : i32 to vector<16xi32>
        %parallel_loop3A_386 = arith.andi %parallel_loop3A_383, %parallel_loop3A_385 : vector<16xi32>
        %parallel_loop3A_387 = vector.bitcast %parallel_loop3A_386 : vector<16xi32> to vector<16xi32>
        %parallel_loop3A_388 = tpu.vector_load_idx %arg7[%parallel_loop3A_382] : memref<256xi32, #tpu.memory_space<vmem>>[vector<16xi32>], vector<16xi32>,
        %parallel_loop3A_389 = vector.bitcast %parallel_loop3A_388 : vector<16xi32> to vector<16xf32>
        %parallel_loop3A_390 = arith.mulf %parallel_loop3A_389, %parallel_loop3A_264 : vector<16xf32>
        %parallel_loop3A_391 = tpu.vector_load_idx %arg7[%parallel_loop3A_387] : memref<256xi32, #tpu.memory_space<vmem>>[vector<16xi32>], vector<16xi32>,
        %parallel_loop3A_392 = vector.bitcast %parallel_loop3A_391 : vector<16xi32> to vector<16xf32>
        %parallel_loop3A_393 = arith.mulf %parallel_loop3A_392, %parallel_loop3A_268 : vector<16xf32>
        %parallel_loop3A_394 = tpu.pack_subelements %parallel_loop3A_390, %parallel_loop3A_393 {pack_format = #tpu.pack_format<interleaved>, positions = array<i32: 0, 1>} : vector<16xf32>, vector<16xf32> -> vector<32xbf16>
        %parallel_loop3A_395 = vector.bitcast %parallel_loop3A_394 : vector<32xbf16> to vector<16xi32>
        %parallel_loop3A_396 = arith.index_cast %parallel_loop3A_246 : i32 to index
        %parallel_loop3A_397 = arith.constant 48 : index
        %parallel_loop3A_398 = tpu.vector_load %arg16[%parallel_loop3A_396, %parallel_loop3A_397] {strides = array<i32>} : memref<64x128xi32, #tpu.memory_space<vmem>>, vector<16xi32>,
        tpu.vector_store %arg16[%parallel_loop3A_396, %parallel_loop3A_397], %parallel_loop3A_395 {strides = array<i32>} : memref<64x128xi32, #tpu.memory_space<vmem>>, vector<16xi32>,
        %parallel_loop3A_399 = arith.index_cast %parallel_loop3A_248 : i32 to index
        %parallel_loop3A_400 = arith.constant 64 : index
        %parallel_loop3A_401 = tpu.vector_load %arg12[%parallel_loop3A_399, %parallel_loop3A_400] {strides = array<i32>} : memref<128x128xi32, #tpu.memory_space<vmem>>, vector<16xi32>,
        %parallel_loop3A_402 = vector.bitcast %parallel_loop3A_401 : vector<16xi32> to vector<16xi32>
        %parallel_loop3A_403 = arith.index_cast %parallel_loop3A_252 : i32 to index
        %parallel_loop3A_404 = arith.constant 64 : index
        %parallel_loop3A_405 = tpu.vector_load %arg12[%parallel_loop3A_403, %parallel_loop3A_404] {strides = array<i32>} : memref<128x128xi32, #tpu.memory_space<vmem>>, vector<16xi32>,
        %parallel_loop3A_406 = vector.bitcast %parallel_loop3A_405 : vector<16xi32> to vector<16xi32>
        %parallel_loop3A_407 = arith.shrui %parallel_loop3A_402, %parallel_loop3A_275 : vector<16xi32>
        %parallel_loop3A_408 = arith.constant 255 : i32
        %parallel_loop3A_409 = vector.broadcast %parallel_loop3A_408 : i32 to vector<16xi32>
        %parallel_loop3A_410 = arith.andi %parallel_loop3A_407, %parallel_loop3A_409 : vector<16xi32>
        %parallel_loop3A_411 = vector.bitcast %parallel_loop3A_410 : vector<16xi32> to vector<16xi32>
        %parallel_loop3A_412 = arith.shrui %parallel_loop3A_406, %parallel_loop3A_282 : vector<16xi32>
        %parallel_loop3A_413 = arith.constant 255 : i32
        %parallel_loop3A_414 = vector.broadcast %parallel_loop3A_413 : i32 to vector<16xi32>
        %parallel_loop3A_415 = arith.andi %parallel_loop3A_412, %parallel_loop3A_414 : vector<16xi32>
        %parallel_loop3A_416 = vector.bitcast %parallel_loop3A_415 : vector<16xi32> to vector<16xi32>
        %parallel_loop3A_417 = tpu.vector_load_idx %arg7[%parallel_loop3A_411] : memref<256xi32, #tpu.memory_space<vmem>>[vector<16xi32>], vector<16xi32>,
        %parallel_loop3A_418 = vector.bitcast %parallel_loop3A_417 : vector<16xi32> to vector<16xf32>
        %parallel_loop3A_419 = arith.mulf %parallel_loop3A_418, %parallel_loop3A_264 : vector<16xf32>
        %parallel_loop3A_420 = tpu.vector_load_idx %arg7[%parallel_loop3A_416] : memref<256xi32, #tpu.memory_space<vmem>>[vector<16xi32>], vector<16xi32>,
        %parallel_loop3A_421 = vector.bitcast %parallel_loop3A_420 : vector<16xi32> to vector<16xf32>
        %parallel_loop3A_422 = arith.mulf %parallel_loop3A_421, %parallel_loop3A_268 : vector<16xf32>
        %parallel_loop3A_423 = tpu.pack_subelements %parallel_loop3A_419, %parallel_loop3A_422 {pack_format = #tpu.pack_format<interleaved>, positions = array<i32: 0, 1>} : vector<16xf32>, vector<16xf32> -> vector<32xbf16>
        %parallel_loop3A_424 = vector.bitcast %parallel_loop3A_423 : vector<32xbf16> to vector<16xi32>
        %parallel_loop3A_425 = arith.index_cast %parallel_loop3A_246 : i32 to index
        %parallel_loop3A_426 = arith.constant 64 : index
        %parallel_loop3A_427 = tpu.vector_load %arg16[%parallel_loop3A_425, %parallel_loop3A_426] {strides = array<i32>} : memref<64x128xi32, #tpu.memory_space<vmem>>, vector<16xi32>,
        tpu.vector_store %arg16[%parallel_loop3A_425, %parallel_loop3A_426], %parallel_loop3A_424 {strides = array<i32>} : memref<64x128xi32, #tpu.memory_space<vmem>>, vector<16xi32>,
        %parallel_loop3A_428 = arith.index_cast %parallel_loop3A_248 : i32 to index
        %parallel_loop3A_429 = arith.constant 80 : index
        %parallel_loop3A_430 = tpu.vector_load %arg12[%parallel_loop3A_428, %parallel_loop3A_429] {strides = array<i32>} : memref<128x128xi32, #tpu.memory_space<vmem>>, vector<16xi32>,
        %parallel_loop3A_431 = vector.bitcast %parallel_loop3A_430 : vector<16xi32> to vector<16xi32>
        %parallel_loop3A_432 = arith.index_cast %parallel_loop3A_252 : i32 to index
        %parallel_loop3A_433 = arith.constant 80 : index
        %parallel_loop3A_434 = tpu.vector_load %arg12[%parallel_loop3A_432, %parallel_loop3A_433] {strides = array<i32>} : memref<128x128xi32, #tpu.memory_space<vmem>>, vector<16xi32>,
        %parallel_loop3A_435 = vector.bitcast %parallel_loop3A_434 : vector<16xi32> to vector<16xi32>
        %parallel_loop3A_436 = arith.shrui %parallel_loop3A_431, %parallel_loop3A_275 : vector<16xi32>
        %parallel_loop3A_437 = arith.constant 255 : i32
        %parallel_loop3A_438 = vector.broadcast %parallel_loop3A_437 : i32 to vector<16xi32>
        %parallel_loop3A_439 = arith.andi %parallel_loop3A_436, %parallel_loop3A_438 : vector<16xi32>
        %parallel_loop3A_440 = vector.bitcast %parallel_loop3A_439 : vector<16xi32> to vector<16xi32>
        %parallel_loop3A_441 = arith.shrui %parallel_loop3A_435, %parallel_loop3A_282 : vector<16xi32>
        %parallel_loop3A_442 = arith.constant 255 : i32
        %parallel_loop3A_443 = vector.broadcast %parallel_loop3A_442 : i32 to vector<16xi32>
        %parallel_loop3A_444 = arith.andi %parallel_loop3A_441, %parallel_loop3A_443 : vector<16xi32>
        %parallel_loop3A_445 = vector.bitcast %parallel_loop3A_444 : vector<16xi32> to vector<16xi32>
        %parallel_loop3A_446 = tpu.vector_load_idx %arg7[%parallel_loop3A_440] : memref<256xi32, #tpu.memory_space<vmem>>[vector<16xi32>], vector<16xi32>,
        %parallel_loop3A_447 = vector.bitcast %parallel_loop3A_446 : vector<16xi32> to vector<16xf32>
        %parallel_loop3A_448 = arith.mulf %parallel_loop3A_447, %parallel_loop3A_264 : vector<16xf32>
        %parallel_loop3A_449 = tpu.vector_load_idx %arg7[%parallel_loop3A_445] : memref<256xi32, #tpu.memory_space<vmem>>[vector<16xi32>], vector<16xi32>,
        %parallel_loop3A_450 = vector.bitcast %parallel_loop3A_449 : vector<16xi32> to vector<16xf32>
        %parallel_loop3A_451 = arith.mulf %parallel_loop3A_450, %parallel_loop3A_268 : vector<16xf32>
        %parallel_loop3A_452 = tpu.pack_subelements %parallel_loop3A_448, %parallel_loop3A_451 {pack_format = #tpu.pack_format<interleaved>, positions = array<i32: 0, 1>} : vector<16xf32>, vector<16xf32> -> vector<32xbf16>
        %parallel_loop3A_453 = vector.bitcast %parallel_loop3A_452 : vector<32xbf16> to vector<16xi32>
        %parallel_loop3A_454 = arith.index_cast %parallel_loop3A_246 : i32 to index
        %parallel_loop3A_455 = arith.constant 80 : index
        %parallel_loop3A_456 = tpu.vector_load %arg16[%parallel_loop3A_454, %parallel_loop3A_455] {strides = array<i32>} : memref<64x128xi32, #tpu.memory_space<vmem>>, vector<16xi32>,
        tpu.vector_store %arg16[%parallel_loop3A_454, %parallel_loop3A_455], %parallel_loop3A_453 {strides = array<i32>} : memref<64x128xi32, #tpu.memory_space<vmem>>, vector<16xi32>,
        %parallel_loop3A_457 = arith.index_cast %parallel_loop3A_248 : i32 to index
        %parallel_loop3A_458 = arith.constant 96 : index
        %parallel_loop3A_459 = tpu.vector_load %arg12[%parallel_loop3A_457, %parallel_loop3A_458] {strides = array<i32>} : memref<128x128xi32, #tpu.memory_space<vmem>>, vector<16xi32>,
        %parallel_loop3A_460 = vector.bitcast %parallel_loop3A_459 : vector<16xi32> to vector<16xi32>
        %parallel_loop3A_461 = arith.index_cast %parallel_loop3A_252 : i32 to index
        %parallel_loop3A_462 = arith.constant 96 : index
        %parallel_loop3A_463 = tpu.vector_load %arg12[%parallel_loop3A_461, %parallel_loop3A_462] {strides = array<i32>} : memref<128x128xi32, #tpu.memory_space<vmem>>, vector<16xi32>,
        %parallel_loop3A_464 = vector.bitcast %parallel_loop3A_463 : vector<16xi32> to vector<16xi32>
        %parallel_loop3A_465 = arith.shrui %parallel_loop3A_460, %parallel_loop3A_275 : vector<16xi32>
        %parallel_loop3A_466 = arith.constant 255 : i32
        %parallel_loop3A_467 = vector.broadcast %parallel_loop3A_466 : i32 to vector<16xi32>
        %parallel_loop3A_468 = arith.andi %parallel_loop3A_465, %parallel_loop3A_467 : vector<16xi32>
        %parallel_loop3A_469 = vector.bitcast %parallel_loop3A_468 : vector<16xi32> to vector<16xi32>
        %parallel_loop3A_470 = arith.shrui %parallel_loop3A_464, %parallel_loop3A_282 : vector<16xi32>
        %parallel_loop3A_471 = arith.constant 255 : i32
        %parallel_loop3A_472 = vector.broadcast %parallel_loop3A_471 : i32 to vector<16xi32>
        %parallel_loop3A_473 = arith.andi %parallel_loop3A_470, %parallel_loop3A_472 : vector<16xi32>
        %parallel_loop3A_474 = vector.bitcast %parallel_loop3A_473 : vector<16xi32> to vector<16xi32>
        %parallel_loop3A_475 = tpu.vector_load_idx %arg7[%parallel_loop3A_469] : memref<256xi32, #tpu.memory_space<vmem>>[vector<16xi32>], vector<16xi32>,
        %parallel_loop3A_476 = vector.bitcast %parallel_loop3A_475 : vector<16xi32> to vector<16xf32>
        %parallel_loop3A_477 = arith.mulf %parallel_loop3A_476, %parallel_loop3A_264 : vector<16xf32>
        %parallel_loop3A_478 = tpu.vector_load_idx %arg7[%parallel_loop3A_474] : memref<256xi32, #tpu.memory_space<vmem>>[vector<16xi32>], vector<16xi32>,
        %parallel_loop3A_479 = vector.bitcast %parallel_loop3A_478 : vector<16xi32> to vector<16xf32>
        %parallel_loop3A_480 = arith.mulf %parallel_loop3A_479, %parallel_loop3A_268 : vector<16xf32>
        %parallel_loop3A_481 = tpu.pack_subelements %parallel_loop3A_477, %parallel_loop3A_480 {pack_format = #tpu.pack_format<interleaved>, positions = array<i32: 0, 1>} : vector<16xf32>, vector<16xf32> -> vector<32xbf16>
        %parallel_loop3A_482 = vector.bitcast %parallel_loop3A_481 : vector<32xbf16> to vector<16xi32>
        %parallel_loop3A_483 = arith.index_cast %parallel_loop3A_246 : i32 to index
        %parallel_loop3A_484 = arith.constant 96 : index
        %parallel_loop3A_485 = tpu.vector_load %arg16[%parallel_loop3A_483, %parallel_loop3A_484] {strides = array<i32>} : memref<64x128xi32, #tpu.memory_space<vmem>>, vector<16xi32>,
        tpu.vector_store %arg16[%parallel_loop3A_483, %parallel_loop3A_484], %parallel_loop3A_482 {strides = array<i32>} : memref<64x128xi32, #tpu.memory_space<vmem>>, vector<16xi32>,
        %parallel_loop3A_486 = arith.index_cast %parallel_loop3A_248 : i32 to index
        %parallel_loop3A_487 = arith.constant 112 : index
        %parallel_loop3A_488 = tpu.vector_load %arg12[%parallel_loop3A_486, %parallel_loop3A_487] {strides = array<i32>} : memref<128x128xi32, #tpu.memory_space<vmem>>, vector<16xi32>,
        %parallel_loop3A_489 = vector.bitcast %parallel_loop3A_488 : vector<16xi32> to vector<16xi32>
        %parallel_loop3A_490 = arith.index_cast %parallel_loop3A_252 : i32 to index
        %parallel_loop3A_491 = arith.constant 112 : index
        %parallel_loop3A_492 = tpu.vector_load %arg12[%parallel_loop3A_490, %parallel_loop3A_491] {strides = array<i32>} : memref<128x128xi32, #tpu.memory_space<vmem>>, vector<16xi32>,
        %parallel_loop3A_493 = vector.bitcast %parallel_loop3A_492 : vector<16xi32> to vector<16xi32>
        %parallel_loop3A_494 = arith.shrui %parallel_loop3A_489, %parallel_loop3A_275 : vector<16xi32>
        %parallel_loop3A_495 = arith.constant 255 : i32
        %parallel_loop3A_496 = vector.broadcast %parallel_loop3A_495 : i32 to vector<16xi32>
        %parallel_loop3A_497 = arith.andi %parallel_loop3A_494, %parallel_loop3A_496 : vector<16xi32>
        %parallel_loop3A_498 = vector.bitcast %parallel_loop3A_497 : vector<16xi32> to vector<16xi32>
        %parallel_loop3A_499 = arith.shrui %parallel_loop3A_493, %parallel_loop3A_282 : vector<16xi32>
        %parallel_loop3A_500 = arith.constant 255 : i32
        %parallel_loop3A_501 = vector.broadcast %parallel_loop3A_500 : i32 to vector<16xi32>
        %parallel_loop3A_502 = arith.andi %parallel_loop3A_499, %parallel_loop3A_501 : vector<16xi32>
        %parallel_loop3A_503 = vector.bitcast %parallel_loop3A_502 : vector<16xi32> to vector<16xi32>
        %parallel_loop3A_504 = tpu.vector_load_idx %arg7[%parallel_loop3A_498] : memref<256xi32, #tpu.memory_space<vmem>>[vector<16xi32>], vector<16xi32>,
        %parallel_loop3A_505 = vector.bitcast %parallel_loop3A_504 : vector<16xi32> to vector<16xf32>
        %parallel_loop3A_506 = arith.mulf %parallel_loop3A_505, %parallel_loop3A_264 : vector<16xf32>
        %parallel_loop3A_507 = tpu.vector_load_idx %arg7[%parallel_loop3A_503] : memref<256xi32, #tpu.memory_space<vmem>>[vector<16xi32>], vector<16xi32>,
        %parallel_loop3A_508 = vector.bitcast %parallel_loop3A_507 : vector<16xi32> to vector<16xf32>
        %parallel_loop3A_509 = arith.mulf %parallel_loop3A_508, %parallel_loop3A_268 : vector<16xf32>
        %parallel_loop3A_510 = tpu.pack_subelements %parallel_loop3A_506, %parallel_loop3A_509 {pack_format = #tpu.pack_format<interleaved>, positions = array<i32: 0, 1>} : vector<16xf32>, vector<16xf32> -> vector<32xbf16>
        %parallel_loop3A_511 = vector.bitcast %parallel_loop3A_510 : vector<32xbf16> to vector<16xi32>
        %parallel_loop3A_512 = arith.index_cast %parallel_loop3A_246 : i32 to index
        %parallel_loop3A_513 = arith.constant 112 : index
        %parallel_loop3A_514 = tpu.vector_load %arg16[%parallel_loop3A_512, %parallel_loop3A_513] {strides = array<i32>} : memref<64x128xi32, #tpu.memory_space<vmem>>, vector<16xi32>,
        tpu.vector_store %arg16[%parallel_loop3A_512, %parallel_loop3A_513], %parallel_loop3A_511 {strides = array<i32>} : memref<64x128xi32, #tpu.memory_space<vmem>>, vector<16xi32>,
      } {sc.loop_unroll_factor = 4 : i64, sc.parallel_access}
      %mul3A_236 = arith.constant 64 : i32
      %mul3A_237 = arith.muli %add3A, %mul3A_236 : i32
      %dma_start3A_238 = tpu.memref_bitcast %arg6 : memref<50x4096x128xbf16, #tpu.memory_space<hbm>> -> memref<50x2048x128xi32, #tpu.memory_space<hbm>>
      %dma_start3A_239 = arith.constant 0 : i32
      %dma_start3A_240 = tpu.memref_slice %dma_start3A_238[%add3A_207, %mul3A_237, %dma_start3A_239] : memref<50x2048x128xi32, #tpu.memory_space<hbm>> -> memref<1x64x128xi32, #tpu.memory_space<hbm>>
      %dma_start3A_241 = tpu.memref_squeeze %dma_start3A_240 : memref<1x64x128xi32, #tpu.memory_space<hbm>> -> memref<64x128xi32, #tpu.memory_space<hbm>>
      %dma_start3A_242 = tpu.memref_bitcast %arg6 : memref<50x4096x128xbf16, #tpu.memory_space<hbm>> -> memref<50x2048x128xi32, #tpu.memory_space<hbm>>
      %dma_start3A_243 = arith.constant 0 : i32
      %dma_start3A_244 = tpu.memref_slice %dma_start3A_242[%add3A_207, %mul3A_237, %dma_start3A_243] : memref<50x2048x128xi32, #tpu.memory_space<hbm>> -> memref<1x64x128xi32, #tpu.memory_space<hbm>>
      %dma_start3A_245 = tpu.memref_squeeze %dma_start3A_244 : memref<1x64x128xi32, #tpu.memory_space<hbm>> -> memref<64x128xi32, #tpu.memory_space<hbm>>
      tpu.enqueue_dma source(%arg16 : memref<64x128xi32, #tpu.memory_space<vmem>>) target(%dma_start3A_245 : memref<64x128xi32, #tpu.memory_space<hbm>>) target_semaphore(%arg22 : memref<!tpu.dma_semaphore, #tpu.memory_space<semaphore_mem>>)
    }
    %scan3A_144 = arith.constant 25 : i32
    %mul3A_145 = arith.constant 64 : i32
    %mul3A_146 = arith.muli %add3A, %mul3A_145 : i32
    %dma_wait3A = arith.constant 48 : i32
    %dma_wait3A_147 = tpu.memref_bitcast %arg6 : memref<50x4096x128xbf16, #tpu.memory_space<hbm>> -> memref<50x2048x128xi32, #tpu.memory_space<hbm>>
    %dma_wait3A_148 = arith.constant 0 : i32
    %dma_wait3A_149 = tpu.memref_slice %dma_wait3A_147[%dma_wait3A, %mul3A_146, %dma_wait3A_148] : memref<50x2048x128xi32, #tpu.memory_space<hbm>> -> memref<1x64x128xi32, #tpu.memory_space<hbm>>
    %dma_wait3A_150 = tpu.memref_squeeze %dma_wait3A_149 : memref<1x64x128xi32, #tpu.memory_space<hbm>> -> memref<64x128xi32, #tpu.memory_space<hbm>>
    %dma_wait3A_151 = tpu.memref_bitcast %arg6 : memref<50x4096x128xbf16, #tpu.memory_space<hbm>> -> memref<50x2048x128xi32, #tpu.memory_space<hbm>>
    %dma_wait3A_152 = arith.constant 0 : i32
    %dma_wait3A_153 = tpu.memref_slice %dma_wait3A_151[%dma_wait3A, %mul3A_146, %dma_wait3A_152] : memref<50x2048x128xi32, #tpu.memory_space<hbm>> -> memref<1x64x128xi32, #tpu.memory_space<hbm>>
    %dma_wait3A_154 = tpu.memref_squeeze %dma_wait3A_153 : memref<1x64x128xi32, #tpu.memory_space<hbm>> -> memref<64x128xi32, #tpu.memory_space<hbm>>
    tpu.wait_dma2 semaphore(%arg21 : memref<!tpu.dma_semaphore, #tpu.memory_space<semaphore_mem>>) src(%arg15 : memref<64x128xi32, #tpu.memory_space<vmem>>) dst(%dma_wait3A_154 : memref<64x128xi32, #tpu.memory_space<hbm>>)
    %mul3A_155 = arith.constant 64 : i32
    %mul3A_156 = arith.muli %add3A, %mul3A_155 : i32
    %dma_wait3A_157 = arith.constant 49 : i32
    %dma_wait3A_158 = tpu.memref_bitcast %arg6 : memref<50x4096x128xbf16, #tpu.memory_space<hbm>> -> memref<50x2048x128xi32, #tpu.memory_space<hbm>>
    %dma_wait3A_159 = arith.constant 0 : i32
    %dma_wait3A_160 = tpu.memref_slice %dma_wait3A_158[%dma_wait3A_157, %mul3A_156, %dma_wait3A_159] : memref<50x2048x128xi32, #tpu.memory_space<hbm>> -> memref<1x64x128xi32, #tpu.memory_space<hbm>>
    %dma_wait3A_161 = tpu.memref_squeeze %dma_wait3A_160 : memref<1x64x128xi32, #tpu.memory_space<hbm>> -> memref<64x128xi32, #tpu.memory_space<hbm>>
    %dma_wait3A_162 = tpu.memref_bitcast %arg6 : memref<50x4096x128xbf16, #tpu.memory_space<hbm>> -> memref<50x2048x128xi32, #tpu.memory_space<hbm>>
    %dma_wait3A_163 = arith.constant 0 : i32
    %dma_wait3A_164 = tpu.memref_slice %dma_wait3A_162[%dma_wait3A_157, %mul3A_156, %dma_wait3A_163] : memref<50x2048x128xi32, #tpu.memory_space<hbm>> -> memref<1x64x128xi32, #tpu.memory_space<hbm>>
    %dma_wait3A_165 = tpu.memref_squeeze %dma_wait3A_164 : memref<1x64x128xi32, #tpu.memory_space<hbm>> -> memref<64x128xi32, #tpu.memory_space<hbm>>
    tpu.wait_dma2 semaphore(%arg22 : memref<!tpu.dma_semaphore, #tpu.memory_space<semaphore_mem>>) src(%arg16 : memref<64x128xi32, #tpu.memory_space<vmem>>) dst(%dma_wait3A_165 : memref<64x128xi32, #tpu.memory_space<hbm>>)
    return
  }
}

</mosaic_0001>

<sc_bundles>
// kernel: kernel.3.cloned.1.call-start
scs
__scs_entry_jumppad:
0x0: {  	(pc) =	sbr.rel $0x88, $3  }
0x1: {  	(tag) =	ssettag $0x0;
	lr =	simm.s32 $0x1  }
0x2: {  	[smem:$0x3F9E] =	sst lr;
	_ =	strace $0xD0000000  }
0x3: {  	_ = 	snop  }
0x4: {  	_ = 	snop  }
0x5: {  	_ = 	snop  }
0x6: {  	_ = 	snop  }
0x7: {  	_ = 	snop  }
__scs_overlays_trampoline_lowered:
0x8: {  	[smem:$0x3FAD] =	sst s0  }
0x9: {  	[smem:$0x3FAE] =	sst s1  }
0xa: {  	[smem:$0x3FAF] =	sst s2  }
0xb: {  	[smem:$0x3FB0] =	sst s3  }
0xc: {  	[smem:$0x3FB1] =	sst s4  }
0xd: {  	[smem:$0x3FB2] =	sst s5  }
0xe: {  	[smem:$0x3FB3] =	sst s6  }
0xf: {  	[smem:$0x3FB4] =	sst s7  }
0x10: {  	[smem:$0x3FB5] =	sst s8  }
0x11: {  	[smem:$0x3FB6] =	sst s9;
	s0 =	simm.s32 @!p0 $0x0  }
0x12: {  	s1 =	sld [smem:$0x3F9C];
	s0 =	simm.s32 @p0 $0x1  }
0x13: {  	[smem:$0x3FB7] =	sst s0;
	s0 =	simm.s32 @!p1 $0x0  }
0x14: {  	s2 =	sld [smem:$0x3F9B];
	s0 =	simm.s32 @p1 $0x1  }
0x15: {  	[smem:$0x3FB8] =	sst s0;
	s0 =	simm.s32 @!p2 $0x0  }
0x16: {  	s3 =	sld [smem:$0x3FDB];
	s0 =	simm.s32 @p2 $0x1  }
0x17: {  	s4 =	simm.s32 $0x1BF5;
	[smem:$0x3FBA] =	sst s0  }
0x18: {  	s0 =	sld [smem:$0x3F9D];
	_ =	swait.ge [sflag:s4], $0x0  }
0x19: {  	s7 =	sld [smem:$0x3F9E]  }
0x1a: {  	s8 =	sadd.s32 $0xFFFFE003, lr  }
0x1b: {  	s9 =	sadd.s32 $0xFFFFFEF7, lr;
	s5 =	simm.s32 $0xFFFFFFFF;
	p2 =	slt.u32 s8, $0xFFFFF086  }
0x1c: {  	p1 =	slt.u32 s9, $0xF7A;
	s5 =	simm.s32 @!p2 $0x0  }
0x1d: {  	s5 =	simm.s32 @p1 $0x1;
	p0 =	seq.s32 s7, s2  }
0x1e: {  	s7 =	smul.u32 @!p0 $0xF7A, s2;
	p2 =	seq.s32 @!p0 s5, $0x0  }
0x1f: {  	s9 =	smul.u32 $0xF7A, s1;
	s8 =	simm.s32 @!p0 $0x1BF5;
	p2 =	por !p2, p0  }
0x20: {  	[sflag:s8] =	ssyncset.s32 @!p0 $0xFFFFF086;
	s6 =	sadd.s32 @!p0 s3, s7;
	s7 =	simm.s32 @!p0 $0x108  }
0x21: {  	s3 =	sadd.s32 s3, s9;
	s6 =	sadd.s32 @!p0 $0x88, s6;
	s7 =	simm.s32 @p2 $0x1082  }
0x22: {  	[simem:s7], [sflag:s8] =	dma.local @!p0 [hbm:s6], $0xF7A  }
0x23: {  	s9 =	sor.u32 $0xD0000000, s2;
	s6 =	simm.s32 $0x108;
	_ =	swait.ge @!p0 [sflag:s8], $0x0  }
0x24: {  	s3 =	sadd.s32 $0x88, s3;
	s6 =	simm.s32 @!p1 $0x1082;
	[sflag:s4] =	ssyncset.s32 $0xFFFFF086  }
0x25: {  	[simem:s6], [sflag:s4] =	dma.local [hbm:s3], $0xF7A  }
0x26: {  	[smem:$0x3F9E] =	sst s1;
	(tag) =	ssettag s2;
	_ =	strace s9  }
0x27: {  	s1 =	sld [smem:$0x3FAE]  }
0x28: {  	s2 =	sld [smem:$0x3FAF]  }
0x29: {  	s4 =	sld [smem:$0x3FB1]  }
0x2a: {  	p0 =	seq.s32 s5, $0x0;
	s5 =	sld [smem:$0x3FB2]  }
0x2b: {  	s6 =	sld [smem:$0x3FB3]  }
0x2c: {  	s7 =	sld [smem:$0x3FB4]  }
0x2d: {  	s3 =	simm.s32 $0x108;
	s8 =	sld [smem:$0x3FB5]  }
0x2e: {  	s3 =	simm.s32 @!p0 $0x1082;
	s9 =	sld [smem:$0x3FB6]  }
0x2f: {  	lr =	sadd.s32 s0, s3;
	s0 =	sld [smem:$0x3FAD]  }
0x30: {  	s3 =	sld [smem:$0x3FB0]  }
0x31: {  	[smem:$0x3FB9] =	sst s10  }
0x32: {  	s10 =	sld [smem:$0x3FB7];
	_ =	sdelay $0x3  }
0x33: {  	p0 =	seq.s32 s10, $0x1;
	s10 =	sld [smem:$0x3FB9];
	_ =	sdelay $0x3  }
0x34: {  	[smem:$0x3FB9] =	sst s10  }
0x35: {  	s10 =	sld [smem:$0x3FB8];
	_ =	sdelay $0x3  }
0x36: {  	p1 =	seq.s32 s10, $0x1;
	s10 =	sld [smem:$0x3FB9];
	_ =	sdelay $0x3  }
0x37: {  	[smem:$0x3FB9] =	sst s10  }
0x38: {  	s10 =	sld [smem:$0x3FBA]  }
0x39: {  	_ = 	snop;
	(pc) =	sbr.ind lr, $3  }
0x3a: {  	_ = 	snop  }
0x3b: {  	_ = 	snop  }
0x3c: {  	p2 =	seq.s32 s10, $0x1;
	s10 =	sld [smem:$0x3FB9]  }
0x3d: {  	_ =	shalt  }
0x3e: {  	_ =	shalt  }
0x3f: {  	_ =	shalt  }
0x40: {  	_ =	shalt  }
0x41: {  	_ =	shalt  }
0x42: {  	_ =	shalt  }
0x43: {  	_ =	shalt  }
0x44: {  	_ =	shalt  }
0x45: {  	_ =	shalt  }
0x46: {  	_ =	shalt  }
0x47: {  	_ =	shalt  }
0x48: {  	_ =	shalt  }
0x49: {  	_ =	shalt  }
0x4a: {  	_ =	shalt  }
0x4b: {  	_ =	shalt  }
0x4c: {  	_ =	shalt  }
0x4d: {  	_ =	shalt  }
0x4e: {  	_ =	shalt  }
0x4f: {  	_ =	shalt  }
0x50: {  	_ =	shalt  }
0x51: {  	_ =	shalt  }
0x52: {  	_ =	shalt  }
0x53: {  	_ =	shalt  }
0x54: {  	_ =	shalt  }
0x55: {  	_ =	shalt  }
0x56: {  	_ =	shalt  }
0x57: {  	_ =	shalt  }
0x58: {  	_ =	shalt  }
0x59: {  	_ =	shalt  }
0x5a: {  	_ =	shalt  }
0x5b: {  	_ =	shalt  }
0x5c: {  	_ =	shalt  }
0x5d: {  	_ =	shalt  }
0x5e: {  	_ =	shalt  }
0x5f: {  	_ =	shalt  }
0x60: {  	_ =	shalt  }
0x61: {  	_ =	shalt  }
0x62: {  	_ =	shalt  }
0x63: {  	_ =	shalt  }
0x64: {  	_ =	shalt  }
0x65: {  	_ =	shalt  }
0x66: {  	_ =	shalt  }
0x67: {  	_ =	shalt  }
0x68: {  	_ =	shalt  }
0x69: {  	_ =	shalt  }
0x6a: {  	_ =	shalt  }
0x6b: {  	_ =	shalt  }
0x6c: {  	_ =	shalt  }
0x6d: {  	_ =	shalt  }
0x6e: {  	_ =	shalt  }
0x6f: {  	_ =	shalt  }
0x70: {  	_ =	shalt  }
0x71: {  	_ =	shalt  }
0x72: {  	_ =	shalt  }
0x73: {  	_ =	shalt  }
0x74: {  	_ =	shalt  }
0x75: {  	_ =	shalt  }
0x76: {  	_ =	shalt  }
0x77: {  	_ =	shalt  }
0x78: {  	_ =	shalt  }
0x79: {  	_ =	shalt  }
0x7a: {  	_ =	shalt  }
0x7b: {  	_ =	shalt  }
0x7c: {  	_ =	shalt  }
0x7d: {  	_ =	shalt  }
0x7e: {  	_ =	shalt  }
0x7f: {  	_ =	shalt  }
0x80: {  	_ =	shalt  }
0x81: {  	_ =	shalt  }
0x82: {  	_ =	shalt  }
0x83: {  	_ =	shalt  }
0x84: {  	_ =	shalt  }
0x85: {  	_ =	shalt  }
0x86: {  	_ =	shalt  }
0x87: {  	_ =	shalt  }
.Lfunc_end0:
.L_simem_size_0:
called_computation_lowered:
.L_overlay_start_0:
0x88: {  	s2 =	sld [smem:$0x3FD9]  }
0x89: {  	s3 =	sld [smem:$0x3FFE];
	_ =	sdelay $0x1  }
0x8a: {  	s1 =	srdreg.scid  }
0x8b: {  	s0 =	sand.u32 $0x1, s1  }
0x8c: {  	s17 =	sshll.u32 s0, $0xA;
	s2 =	sadd.s32 s3, s2  }
0x8d: {  	s2 =	sadd.s32 s2, s17  }
0x8e: {  	[smem:$0x3FC5] =	sst s2  }
0x8f: {  	_ = 	snop  }
0x90: {  	s2 =	sld [smem:$0x3FC8]  }
0x91: {  	s18 =	sld [smem:$0x3FD0];
	(tm) =	ssettm $0x1  }
0x92: {  	s4 =	sld [smem:$0x3FFB];
	_ =	sdelay $0x3  }
0x93: {  	_ =	strace s4  }
0x94: {  	s4 =	sld [smem:$0x3FFC];
	_ =	sdelay $0x3  }
0x95: {  	_ =	strace s4  }
0x96: {  	s4 =	sld [smem:$0x3FFD];
	_ =	sdelay $0x3  }
0x97: {  	_ =	strace s4  }
0x98: {  	_ =	strace $0x8FFFFFFF  }
0x99: {  	s19 =	sld [smem:$0x3FDB];
	_ =	sdelay $0x1  }
0x9a: {  	s5 =	simm.s32 $_scs_section_size  }
0x9b: {  	s6 =	simm.s32 $_size__tile_overlayer_lowered;
	s7 =	simm.s32 $_tile_overlayer_lowered  }
0x9c: {  	s22 =	simm.s32 $0x1BFF;
	s21 =	sshll.u32 s7, $0x1;
	s4 =	sadd.s32 s5, s19  }
0x9d: {  	s8 =	simm.s32 $0x0;
	s20 =	sshll.u32 s6, $0x1;
	s6 =	sadd.s32 s21, s4  }
0x9e: {  	[timem:s8], [sflag:s22] =	dma.local [hbm:s6], s20  }
0x9f: {  	_ =	swait.ge [sflag:s22], s20  }
0xa0: {  	s5 =	ssub.s32 $0x0, s20;
	[sflag:s22] =	ssyncset.done $0x0  }
0xa1: {  	[sflag:s22] =	ssyncadd.s32 s5;
	_ =	sdelay $0x1  }
0xa2: {  	s23 =	simm.s32 $0x1B8B  }
0xa3: {  	_ =	swait.ge [sflag:s23], $0x1  }
0xa4: {  	[sflag:s23] =	ssyncset.done $0x0  }
0xa5: {  	s25 =	simm.s32 $0x1B8E;
	s24 =	sld [smem:$0x3FFE];
	[sflag:s23] =	ssyncadd.s32 $0xFFFFFFFF  }
0xa6: {  	s26 =	simm.s32 $execute0_lowered;
	[smem:$0x3FD2] =	sst s25  }
0xa7: {  	s6 =	sshll.u32 s26, $0x1;
	_ =	strace $0x80000046;
	[dreg:$0x1] =	wrdreg $0xFFFFFFFF  }
0xa8: {  	s28 =	simm.s32 $_size_execute0_lowered;
	s4 =	sadd.s32 s4, s6;
	[dreg:$0x0] =	wrdreg $0x0  }
0xa9: {  	s6 =	sshll.u32 s28, $0x1;
	[dreg:$0x2] =	wrdreg s4  }
0xaa: {  	[dreg:$0x3] =	wrdreg s6  }
0xab: {  	[dreg:$0x4] =	wrdreg $0xC0  }
0xac: {  	_ =	task [dreg:s8], $0x5FFFF  }
0xad: {  	[dreg:$0x1] =	wrdreg $0xFFFFFFFF  }
0xae: {  	[dreg:$0x0] =	wrdreg $0x60  }
0xaf: {  	[dreg:$0x2] =	wrdreg s24  }
0xb0: {  	[dreg:$0x3] =	wrdreg s2  }
0xb1: {  	[dreg:$0x4] =	wrdreg s18  }
0xb2: {  	[dreg:$0x5] =	wrdreg $0x9  }
0xb3: {  	_ =	task.clear_ibuf [dreg:s8], $0x6FFFF;
	_ =	strace $0x90000046  }
0xb4: {  	s29 =	simm.s32 $0x9;
	_ =	strace $0x80000048  }
0xb5: {  	_ =	swait.ge [sflag:s29], $0x1  }
0xb6: {  	[sflag:s29] =	ssyncadd.s32 $0xFFFFFFFF  }
0xb7: {  	_ =	strace $0x90000048  }
0xb8: {  	_ =	sfence  }
0xb9: {  	s30 =	sld [smem:$0x0];
	_ =	sdelay $0x2  }
0xba: {  	s31 =	sshll.u32 s1, $0xD;
	s1 =	sshrl.u32 s1, $0x2  }
0xbb: {  	s3 =	sand.u32 $0x4000, s31;
	s1 =	sadd.s32 s1, s30  }
0xbc: {  	s0 =	sor.u32 s3, s0;
	s1 =	sshll.u32 s1, $0x11  }
0xbd: {  	s0 =	sor.u32 s1, s0  }
0xbe: {  	s0 =	sadd.s32 $0x8F2B, s0  }
0xbf: {  	[sflag:s0] =	ssyncadd.remote.s32 $0x1  }
0xc0: {  	_ =	sfence.sel $0xFFFF  }
0xc1: {  	[dreg:$0x0] =	wrdreg $0xFFFFFFFF;
	(pc) =	sbr.abs _section_cstart, $3  }
0xc2: {  	[dreg:$0x1] =	wrdreg $0xFFFFFFFF  }
0xc3: {  	_ =	task.clear_ibuf [dreg:s8], $0x2FFFF;
	_ =	strace $0x9FFFFFFF  }
0xc4: {  	(tm) =	ssettm $0x7FFFFFFF  }
0xc5: {  	_ =	shalt  }
tec
execute0_lowered:
.L_overlay_start_1:
0x0: {  	(tag) =	ssettag $0x1  }
0x1: {  	s1 =	rddreg [dreg:$0x0]  }
0x2: {  	s3 =	rddreg [dreg:$0x1]  }
0x3: {  	s4 =	rddreg [dreg:$0x2];
	s0 =	srdreg.scid  }
0x4: {  	s2 =	stileid.u32;
	s5 =	simm.s32 $0x0;
	s11 =	simm.s32 $0x100  }
0x5: {  	s12 =	simm.s32 $0x80;
	s15 =	simm.s32 $0x4100;
	s16 =	simm.s32 $0xF900  }
0x6: {  	s18 =	simm.s32 $0xF980;
	s19 =	simm.s32 $0x1;
	s20 =	simm.s32 $0x3  }
0x7: {  	s22 =	simm.s32 $0x2;
	s0 =	sand.u32 $0x1, s0;
	s2 =	sshll.u32 s2, $0x1  }
0x8: {  	v0 =	vlaneseq.u32;
	s23 =	simm.s32 $0x4;
	[smem:$0x7FF] =	sst s5;
	s2 =	sor.u32 s0, s2  }
0x9: {  	s8 =	sadd.s32 $0x13200, s1;
	v0 =	vmul.u32 $0x80, v0;
	s0 =	ssub.s32 $0x2, s0;
	s6 =	sshll.u32 s2, $0xB  }
0xa: {  	_ =	strace $0x80000047;
	s7 =	sshrl.u32 s0, $0x1;
	s6 =	sadd.s32 s6, s1  }
0xb: {  	[dreg:$0x4] =	wrdreg s8;
	v1 =	vor.u32 $0x800, v0;
	s0 =	ssub.s32 s0, s7;
	s6 =	sadd.s32 $0x3200, s6  }
0xc: {  	s29 =	simm.s32 $0x0;
	v2 =	vor.u32 $0x1000, v0;
	v3 =	vor.u32 $0x1800, v0;
	v4 =	vor.u32 $0x2000, v0;
	s0 =	smax.u32 s0, $0x1;
	[dreg:$0x5] =	wrdreg s6  }
0xd: {  	s8 =	sshll.u32 s2, $0xD;
	v5 =	vor.u32 $0x2800, v0;
	v6 =	vor.u32 $0x3000, v0;
	v7 =	vor.u32 $0x3800, v0;
	[dreg:$0x6] =	wrdreg s0;
	s6 =	simm.s32 $0x0  }
.LBB2_1:
0xe: {  	[dreg:$0x7] =	wrdreg s6  }
0xf: {  	s0 =	rddreg [dreg:$0x4];
	s2 =	simm.s32 $0x7  }
0x10: {  	[tilespmem:s5], [sflag:$0x7] =	stream.linear.gather [hbm4b:s0+s5], $0x100, $0x38;
	[tilespmem:$0x13A00] =	vst v63  }
0x11: {  	_ =	swait.ge [sflag:s2], $0x100  }
0x12: {  	[sflag:s2] =	ssyncset.done $0x0  }
0x13: {  	s26 =	rddreg [dreg:$0x5];
	[sflag:s2] =	ssyncadd.s32 $0xFFFFFF00  }
0x14: {  	[tilespmem:s11], [sflag:$0x7] =	stream.linear.gather [hbm4b:s26+s5], $0x4000, $0x38;
	[tilespmem:$0x13A00] =	vst v63  }
0x15: {  	_ =	swait.ge [sflag:s2], $0x4000  }
0x16: {  	[sflag:s2] =	ssyncset.done $0x0  }
0x17: {  	[sflag:s2] =	ssyncadd.s32 $0xFFFFC000  }
0x18: {  	v8 =	vld.idx.msk [tilespmem:v0+s11+$0x0], $0xffff;
	_ =	sdelay $0x4  }
0x19: {  	[tilespmem:$0x4100] =	vst v8;
	v8 =	vshrl.u32 v8, $0x2  }
0x1a: {  	[tilespmem:$0x5D00] =	vst v8  }
0x1b: {  	v8 =	vld.idx.msk [tilespmem:v1+s11+$0x0], $0xffff;
	_ =	sdelay $0x4  }
0x1c: {  	[tilespmem:$0x4110] =	vst v8;
	v8 =	vshrl.u32 v8, $0x2  }
0x1d: {  	[tilespmem:$0x5D10] =	vst v8  }
0x1e: {  	v8 =	vld.idx.msk [tilespmem:v2+s11+$0x0], $0xffff;
	_ =	sdelay $0x4  }
0x1f: {  	[tilespmem:$0x4120] =	vst v8;
	v8 =	vshrl.u32 v8, $0x2  }
0x20: {  	[tilespmem:$0x5D20] =	vst v8  }
0x21: {  	v8 =	vld.idx.msk [tilespmem:v3+s11+$0x0], $0xffff;
	_ =	sdelay $0x4  }
0x22: {  	[tilespmem:$0x4130] =	vst v8;
	v8 =	vshrl.u32 v8, $0x2  }
0x23: {  	[tilespmem:$0x5D30] =	vst v8  }
0x24: {  	v8 =	vld.idx.msk [tilespmem:v4+s11+$0x0], $0xffff;
	_ =	sdelay $0x4  }
0x25: {  	[tilespmem:$0x4140] =	vst v8;
	v8 =	vshrl.u32 v8, $0x2  }
0x26: {  	[tilespmem:$0x5D40] =	vst v8  }
0x27: {  	v8 =	vld.idx.msk [tilespmem:v5+s11+$0x0], $0xffff;
	_ =	sdelay $0x4  }
0x28: {  	[tilespmem:$0x4150] =	vst v8;
	v8 =	vshrl.u32 v8, $0x2  }
0x29: {  	[tilespmem:$0x5D50] =	vst v8  }
0x2a: {  	v8 =	vld.idx.msk [tilespmem:v6+s11+$0x0], $0xffff;
	_ =	sdelay $0x4  }
0x2b: {  	[tilespmem:$0x4160] =	vst v8;
	v8 =	vshrl.u32 v8, $0x2  }
0x2c: {  	[tilespmem:$0x5D60] =	vst v8  }
0x2d: {  	v8 =	vld.idx.msk [tilespmem:v7+s11+$0x0], $0xffff  }
0x2e: {  	v9 =	vmov s19  }
0x2f: {  	v9 =	vand.u32 $0x7F, v9  }
0x30: {  	v9 =	vbroadcast v9, $0x0;
	_ =	sdelay $0x1  }
0x31: {  	v10 =	vor.u32 v0, v9;
	[tilespmem:$0x4170] =	vst v8;
	v8 =	vshrl.u32 v8, $0x2  }
0x32: {  	s28 =	simm.s32 $0x5D00;
	s30 =	simm.s32 $0x7900;
	[tilespmem:$0x5D70] =	vst v8  }
0x33: {  	[tilespmem:s30], [sflag:$0x1] =	stream.indirect.gather [hbm4b:s3+s12], $0x80, s28, s12, $0xb8;
	[tilespmem:$0x13A00] =	vst v63  }
0x34: {  	_ = 	snop  }
0x35: {  	[tilespmem:s16], [sflag:$0x3] =	stream.indirect.gather [hbm4b:s1+s12], $0x1, s15, s12, $0xb8;
	[tilespmem:$0x13A00] =	vst v63  }
0x36: {  	v8 =	vld.idx.msk [tilespmem:v10+s11+$0x0], $0xffff;
	_ =	sdelay $0x1  }
0x37: {  	v10 =	vor.u32 v1, v9;
	_ =	sdelay $0x1  }
0x38: {  	s2 =	simm.s32 $0x41F0  }
0x39: {  	s0 =	simm.s32 $0x5DF0;
	[tilespmem:s2+$0xFFFFFF90] =	vst v8;
	v8 =	vshrl.u32 v8, $0x2  }
0x3a: {  	[tilespmem:s0+$0xFFFFFF90] =	vst v8  }
0x3b: {  	v8 =	vld.idx.msk [tilespmem:v10+s11+$0x0], $0xffff;
	_ =	sdelay $0x1  }
0x3c: {  	v10 =	vor.u32 v2, v9;
	_ =	sdelay $0x2  }
0x3d: {  	[tilespmem:s2+$0xFFFFFFA0] =	vst v8;
	v8 =	vshrl.u32 v8, $0x2  }
0x3e: {  	[tilespmem:s0+$0xFFFFFFA0] =	vst v8  }
0x3f: {  	v8 =	vld.idx.msk [tilespmem:v10+s11+$0x0], $0xffff;
	_ =	sdelay $0x1  }
0x40: {  	v10 =	vor.u32 v3, v9;
	_ =	sdelay $0x2  }
0x41: {  	[tilespmem:s2+$0xFFFFFFB0] =	vst v8;
	v8 =	vshrl.u32 v8, $0x2  }
0x42: {  	[tilespmem:s0+$0xFFFFFFB0] =	vst v8  }
0x43: {  	v8 =	vld.idx.msk [tilespmem:v10+s11+$0x0], $0xffff;
	_ =	sdelay $0x1  }
0x44: {  	v10 =	vor.u32 v4, v9;
	_ =	sdelay $0x2  }
0x45: {  	[tilespmem:s2+$0xFFFFFFC0] =	vst v8;
	v8 =	vshrl.u32 v8, $0x2  }
0x46: {  	[tilespmem:s0+$0xFFFFFFC0] =	vst v8  }
0x47: {  	v8 =	vld.idx.msk [tilespmem:v10+s11+$0x0], $0xffff;
	_ =	sdelay $0x1  }
0x48: {  	v10 =	vor.u32 v5, v9;
	_ =	sdelay $0x2  }
0x49: {  	[tilespmem:s2+$0xFFFFFFD0] =	vst v8;
	v8 =	vshrl.u32 v8, $0x2  }
0x4a: {  	[tilespmem:s0+$0xFFFFFFD0] =	vst v8  }
0x4b: {  	v8 =	vld.idx.msk [tilespmem:v10+s11+$0x0], $0xffff;
	_ =	sdelay $0x1  }
0x4c: {  	v10 =	vor.u32 v6, v9;
	_ =	sdelay $0x2  }
0x4d: {  	[tilespmem:s2+$0xFFFFFFE0] =	vst v8;
	v8 =	vshrl.u32 v8, $0x2  }
0x4e: {  	[tilespmem:s0+$0xFFFFFFE0] =	vst v8  }
0x4f: {  	v8 =	vld.idx.msk [tilespmem:v10+s11+$0x0], $0xffff;
	_ =	sdelay $0x4  }
0x50: {  	[tilespmem:s2+$0xFFFFFFF0] =	vst v8;
	v10 =	vshrl.u32 v8, $0x2;
	v8 =	vor.u32 v7, v9;
	_ =	sdelay $0x2  }
0x51: {  	s31 =	simm.s32 $0x2  }
0x52: {  	s6 =	simm.s32 $0x3;
	v9 =	vmov s31;
	[tilespmem:s0+$0xFFFFFFF0] =	vst v10  }
.LBB2_2:
0x53: {  	p0 =	sne.s32 s6, $0x31;
	v9 =	vand.u32 $0x7F, v9;
	v8 =	vld.idx.msk [tilespmem:v8+s11+$0x0], $0xffff  }
0x54: {  	v9 =	vbroadcast v9, $0x0;
	_ =	sdelay $0x1  }
0x55: {  	v10 =	vor.u32 v0, v9;
	_ =	sdelay $0x2  }
0x56: {  	[tilespmem:s2+$0x0] =	vst v8;
	v8 =	vshrl.u32 v8, $0x2  }
0x57: {  	[tilespmem:s0+$0x0] =	vst v8  }
0x58: {  	v8 =	vld.idx.msk [tilespmem:v10+s11+$0x0], $0xffff;
	_ =	sdelay $0x2  }
0x59: {  	v10 =	vor.u32 v1, v9;
	_ =	sdelay $0x1  }
0x5a: {  	s2 =	sadd.s32 $0x80, s2  }
0x5b: {  	s0 =	sadd.s32 $0x80, s0;
	[tilespmem:s2+$0xFFFFFF90] =	vst v8;
	v8 =	vshrl.u32 v8, $0x2  }
0x5c: {  	[tilespmem:s0+$0xFFFFFF90] =	vst v8  }
0x5d: {  	v8 =	vld.idx.msk [tilespmem:v10+s11+$0x0], $0xffff;
	_ =	sdelay $0x2  }
0x5e: {  	v10 =	vor.u32 v2, v9;
	_ =	sdelay $0x2  }
0x5f: {  	[tilespmem:s2+$0xFFFFFFA0] =	vst v8;
	v8 =	vshrl.u32 v8, $0x2  }
0x60: {  	[tilespmem:s0+$0xFFFFFFA0] =	vst v8  }
0x61: {  	v8 =	vld.idx.msk [tilespmem:v10+s11+$0x0], $0xffff;
	_ =	sdelay $0x2  }
0x62: {  	v10 =	vor.u32 v3, v9;
	_ =	sdelay $0x2  }
0x63: {  	[tilespmem:s2+$0xFFFFFFB0] =	vst v8;
	v8 =	vshrl.u32 v8, $0x2  }
0x64: {  	[tilespmem:s0+$0xFFFFFFB0] =	vst v8  }
0x65: {  	v8 =	vld.idx.msk [tilespmem:v10+s11+$0x0], $0xffff;
	_ =	sdelay $0x2  }
0x66: {  	v10 =	vor.u32 v4, v9;
	_ =	sdelay $0x2  }
0x67: {  	[tilespmem:s2+$0xFFFFFFC0] =	vst v8;
	v8 =	vshrl.u32 v8, $0x2  }
0x68: {  	[tilespmem:s0+$0xFFFFFFC0] =	vst v8  }
0x69: {  	v8 =	vld.idx.msk [tilespmem:v10+s11+$0x0], $0xffff;
	_ =	sdelay $0x2  }
0x6a: {  	v10 =	vor.u32 v5, v9;
	_ =	sdelay $0x2  }
0x6b: {  	[tilespmem:s2+$0xFFFFFFD0] =	vst v8;
	v8 =	vshrl.u32 v8, $0x2  }
0x6c: {  	[tilespmem:s0+$0xFFFFFFD0] =	vst v8  }
0x6d: {  	v8 =	vld.idx.msk [tilespmem:v10+s11+$0x0], $0xffff;
	_ =	sdelay $0x2  }
0x6e: {  	v10 =	vor.u32 v6, v9;
	_ =	sdelay $0x2  }
0x6f: {  	[tilespmem:s2+$0xFFFFFFE0] =	vst v8;
	v8 =	vshrl.u32 v8, $0x2  }
0x70: {  	[tilespmem:s0+$0xFFFFFFE0] =	vst v8  }
0x71: {  	v10 =	vld.idx.msk [tilespmem:v10+s11+$0x0], $0xffff;
	_ =	sdelay $0x2  }
.Ltmp0:
0x72: {  	v8 =	vor.u32 v7, v9;
	(pc) =	sbr.rel @p0 .LBB2_2-.Ltmp0, $3  }
0x73: {  	_ =	sdelay $0x1  }
0x74: {  	[tilespmem:s2+$0xFFFFFFF0] =	vst v10;
	v10 =	vshrl.u32 v10, $0x2  }
0x75: {  	v9 =	vmov s6;
	s6 =	sadd.s32 $0x1, s6;
	[tilespmem:s0+$0xFFFFFFF0] =	vst v10  }
0x76: {  	_ =	sdelay $0x2  }
0x77: {  	v9 =	vand.u32 $0x7F, v9  }
0x78: {  	v8 =	vld.idx.msk [tilespmem:v8+s11+$0x0], $0xffff;
	v9 =	vbroadcast v9, $0x0;
	_ =	sdelay $0x1  }
0x79: {  	v10 =	vor.u32 v0, v9;
	_ =	sdelay $0x2  }
0x7a: {  	[tilespmem:s2+$0x0] =	vst v8;
	v8 =	vshrl.u32 v8, $0x2  }
0x7b: {  	[tilespmem:s0+$0x0] =	vst v8  }
0x7c: {  	v8 =	vld.idx.msk [tilespmem:v10+s11+$0x0], $0xffff;
	_ =	sdelay $0x1  }
0x7d: {  	v58 =	vor.u32 v1, v9;
	_ =	sdelay $0x1  }
0x7e: {  	s28 =	sadd.s32 $0x80, s2  }
0x7f: {  	s31 =	sadd.s32 $0x80, s0;
	[tilespmem:s28+$0xFFFFFF90] =	vst v8;
	v8 =	vshrl.u32 v8, $0x2  }
0x80: {  	[tilespmem:s31+$0xFFFFFF90] =	vst v8  }
0x81: {  	v8 =	vld.idx.msk [tilespmem:v58+s11+$0x0], $0xffff;
	_ =	sdelay $0x1  }
0x82: {  	v59 =	vor.u32 v2, v9;
	_ =	sdelay $0x2  }
0x83: {  	[tilespmem:s28+$0xFFFFFFA0] =	vst v8;
	v8 =	vshrl.u32 v8, $0x2  }
0x84: {  	[tilespmem:s31+$0xFFFFFFA0] =	vst v8  }
0x85: {  	v8 =	vld.idx.msk [tilespmem:v59+s11+$0x0], $0xffff;
	_ =	sdelay $0x1  }
0x86: {  	v60 =	vor.u32 v3, v9;
	_ =	sdelay $0x2  }
0x87: {  	[tilespmem:s28+$0xFFFFFFB0] =	vst v8;
	v8 =	vshrl.u32 v8, $0x2  }
0x88: {  	[tilespmem:s31+$0xFFFFFFB0] =	vst v8  }
0x89: {  	v8 =	vld.idx.msk [tilespmem:v60+s11+$0x0], $0xffff;
	_ =	sdelay $0x1  }
0x8a: {  	v61 =	vor.u32 v4, v9;
	_ =	sdelay $0x2  }
0x8b: {  	[tilespmem:s28+$0xFFFFFFC0] =	vst v8;
	v8 =	vshrl.u32 v8, $0x2  }
0x8c: {  	[tilespmem:s31+$0xFFFFFFC0] =	vst v8  }
0x8d: {  	v8 =	vld.idx.msk [tilespmem:v61+s11+$0x0], $0xffff;
	_ =	sdelay $0x1  }
0x8e: {  	v62 =	vor.u32 v5, v9;
	_ =	sdelay $0x2  }
0x8f: {  	[tilespmem:s28+$0xFFFFFFD0] =	vst v8;
	v8 =	vshrl.u32 v8, $0x2  }
0x90: {  	[tilespmem:s31+$0xFFFFFFD0] =	vst v8  }
0x91: {  	v8 =	vld.idx.msk [tilespmem:v62+s11+$0x0], $0xffff;
	_ =	sdelay $0x1  }
0x92: {  	v63 =	vor.u32 v6, v9;
	_ =	sdelay $0x2  }
0x93: {  	[tilespmem:s28+$0xFFFFFFE0] =	vst v8;
	v8 =	vshrl.u32 v8, $0x2  }
0x94: {  	[tilespmem:s31+$0xFFFFFFE0] =	vst v8  }
0x95: {  	v8 =	vld.idx.msk [tilespmem:v63+s11+$0x0], $0xffff;
	_ =	sdelay $0x1  }
0x96: {  	v9 =	vor.u32 v7, v9;
	_ =	sdelay $0x2  }
0x97: {  	[tilespmem:s28+$0xFFFFFFF0] =	vst v8;
	v8 =	vshrl.u32 v8, $0x2  }
0x98: {  	[tilespmem:s31+$0xFFFFFFF0] =	vst v8  }
0x99: {  	v8 =	vld.idx.msk [tilespmem:v9+s11+$0x0], $0xffff;
	_ =	sdelay $0x4  }
0x9a: {  	[tilespmem:s28+$0x0] =	vst v8;
	v8 =	vshrl.u32 v8, $0x2  }
0x9b: {  	s30 =	simm.s32 $0x0;
	[tilespmem:s31+$0x0] =	vst v8  }
.LBB2_4:
0x9c: {  	s31 =	sshllo.u32 s30, $0x1  }
0x9d: {  	s0 =	sshll.u32 s31, $0x7  }
0x9e: {  	s6 =	simm.s32 $0xB900;
	s2 =	sadd.s32 $0x5D00, s0  }
0x9f: {  	[tilespmem:s6], [sflag:$0x2] =	stream.indirect.gather [hbm4b:s3+s12], $0x80, s2, s12, $0xb8;
	[tilespmem:$0x13A00] =	vst v63  }
0xa0: {  	s6 =	sadd.s32 $0x4100, s0  }
0xa1: {  	[tilespmem:s18], [sflag:$0x4] =	stream.indirect.gather [hbm4b:s1+s12], $0x1, s6, s12, $0xb8;
	[tilespmem:$0x13A00] =	vst v63  }
0xa2: {  	_ =	swait.ge [sflag:s19], $0x4000  }
0xa3: {  	s7 =	sshll.u32 s30, $0x1;
	[sflag:s19] =	ssyncset.done $0x0  }
0xa4: {  	s2 =	sshll.u32 s7, $0x7;
	[sflag:s19] =	ssyncadd.s32 $0xFFFFC000  }
0xa5: {  	s9 =	simm.s32 $0x6;
	v8 =	vmov s2;
	_ =	swait.ge [sflag:s20], $0x80  }
0xa6: {  	p0 =	seq.s32 s30, $0x0;
	s7 =	simm.s32 $0x7;
	v9 =	vor.u32 s9, v8;
	[sflag:s20] =	ssyncset.done $0x0  }
0xa7: {  	s6 =	simm.s32 @!p0 $0x5;
	v10 =	vor.u32 s7, v8;
	[sflag:s20] =	ssyncadd.s32 $0xFFFFFF80  }
0xa8: {  	_ =	swait.ge @!p0 [sflag:s6], $0x2000  }
0xa9: {  	[sflag:s6] =	ssyncset.done @!p0 $0x0  }
0xaa: {  	[sflag:s6] =	ssyncadd.s32 @!p0 $0xFFFFE000  }
0xab: {  	v9 =	vld.idx.msk [tilespmem:v9+s15+$0x0], $0xffff  }
0xac: {  	s6 =	simm.s32 $0x7B00;
	v10 =	vld.idx.msk [tilespmem:v10+s15+$0x0], $0xffff  }
0xad: {  	v11 =	vld [tilespmem:s6+$0x100]  }
0xae: {  	v12 =	vld [tilespmem:s6+$0x180];
	_ =	sdelay $0x1  }
0xaf: {  	v15 =	vor.u32 s29, v8;
	v9 =	vshll.u32 v9, $0x3  }
0xb0: {  	v16 =	vmov s9;
	v10 =	vshll.u32 v10, $0x3;
	v13 =	vand.u32 $0x18, v9  }
0xb1: {  	v9 =	vmov s7;
	v14 =	vand.u32 $0x18, v10;
	v10 =	vshrl.u32 v11, v13  }
0xb2: {  	v11 =	vshrl.u32 v12, v14;
	v10 =	vand.u32 $0xFF, v10  }
0xb3: {  	s9 =	simm.s32 $0x2;
	v11 =	vand.u32 $0xFF, v11  }
0xb4: {  	s13 =	simm.s32 $0x3;
	v17 =	vor.u32 s9, v8;
	v15 =	vld.idx.msk [tilespmem:v15+s15+$0x0], $0xffff  }
0xb5: {  	s14 =	simm.s32 $0x4;
	v18 =	vor.u32 s13, v8;
	v16 =	vld.idx.msk [tilespmem:v16+s16+$0x0], $0xffff  }
0xb6: {  	v19 =	vor.u32 s14, v8;
	v9 =	vld.idx.msk [tilespmem:v9+s16+$0x0], $0xffff  }
0xb7: {  	v10 =	vld.idx.msk [tilespmem:v10+s5+$0x0], $0xffff  }
0xb8: {  	s10 =	simm.s32 $0x1;
	v11 =	vld.idx.msk [tilespmem:v11+s5+$0x0], $0xffff  }
0xb9: {  	s25 =	simm.s32 $0x5;
	v17 =	vld.idx.msk [tilespmem:v17+s15+$0x0], $0xffff;
	v12 =	vor.u32 s10, v8  }
0xba: {  	v20 =	vor.u32 s25, v8;
	v18 =	vld.idx.msk [tilespmem:v18+s15+$0x0], $0xffff  }
0xbb: {  	v19 =	vld.idx.msk [tilespmem:v19+s15+$0x0], $0xffff  }
0xbc: {  	v26 =	vld [tilespmem:s6+$0xFFFFFF80];
	v27 =	vshll.u32 v16, $0x10;
	v28 =	vshll.u32 v9, $0x10  }
0xbd: {  	v35 =	vld [tilespmem:s6+$0x0];
	v10 =	vmul.f32 v10, v27;
	v11 =	vmul.f32 v11, v28  }
0xbe: {  	v24 =	vmov s29;
	v12 =	vld.idx.msk [tilespmem:v12+s15+$0x0], $0xffff  }
0xbf: {  	s2 =	simm.s32 $0xFB00;
	v9 =	vld.idx.msk [tilespmem:v20+s15+$0x0], $0xffff;
	v10 =	vpack.i.f32.bf16 v11, v10  }
0xc0: {  	v22 =	vmov s9;
	v20 =	vld [tilespmem:s6+$0xFFFFFE80];
	[tilespmem:s2+$0x80] =	vst v10  }
0xc1: {  	v25 =	vmov s13;
	v15 =	vshll.u32 v15, $0x3;
	v21 =	vld [tilespmem:s6+$0x110]  }
0xc2: {  	v30 =	vmov s25;
	v38 =	vand.u32 $0x18, v15;
	v15 =	vshll.u32 v17, $0x3;
	v23 =	vld [tilespmem:s6+$0x190]  }
0xc3: {  	v24 =	vld.idx.msk [tilespmem:v24+s16+$0x0], $0xffff;
	v19 =	vshll.u32 v19, $0x3;
	v32 =	vand.u32 $0x18, v15;
	v15 =	vshll.u32 v18, $0x3  }
0xc4: {  	v34 =	vand.u32 $0x18, v19;
	v33 =	vand.u32 $0x18, v15;
	v12 =	vshll.u32 v12, $0x3;
	v11 =	vld [tilespmem:s6+$0xFFFFFF00]  }
0xc5: {  	v18 =	vld.idx.msk [tilespmem:v22+s16+$0x0], $0xffff;
	v22 =	vshrl.u32 v26, v33;
	v37 =	vand.u32 $0x18, v12;
	v10 =	vmov s10  }
0xc6: {  	v16 =	vld [tilespmem:s6+$0xFFFFFE00];
	v19 =	vshrl.u32 v20, v37;
	v20 =	vand.u32 $0xFF, v22;
	v12 =	vshrl.u32 v21, v13  }
0xc7: {  	v17 =	vld [tilespmem:s6+$0x80];
	v21 =	vshrl.u32 v23, v14;
	v12 =	vand.u32 $0xFF, v12  }
0xc8: {  	v15 =	vld.idx.msk [tilespmem:v25+s16+$0x0], $0xffff;
	v21 =	vand.u32 $0xFF, v21  }
0xc9: {  	v29 =	vmov s14;
	v22 =	vld.idx.msk [tilespmem:v30+s16+$0x0], $0xffff;
	v11 =	vshrl.u32 v11, v32  }
0xca: {  	v10 =	vld.idx.msk [tilespmem:v10+s16+$0x0], $0xffff;
	v11 =	vand.u32 $0xFF, v11  }
0xcb: {  	v16 =	vshrl.u32 v16, v38;
	v9 =	vshll.u32 v9, $0x3;
	v19 =	vand.u32 $0xFF, v19;
	v20 =	vld.idx.msk [tilespmem:v20+s5+$0x0], $0xffff  }
0xcc: {  	v31 =	vand.u32 $0x18, v9;
	v9 =	vand.u32 $0xFF, v16;
	v16 =	vshrl.u32 v35, v34;
	v12 =	vld.idx.msk [tilespmem:v12+s5+$0x0], $0xffff  }
0xcd: {  	v17 =	vshrl.u32 v17, v31;
	v16 =	vand.u32 $0xFF, v16;
	v21 =	vld.idx.msk [tilespmem:v21+s5+$0x0], $0xffff  }
0xce: {  	v17 =	vand.u32 $0xFF, v17;
	v23 =	vld.idx.msk [tilespmem:v29+s16+$0x0], $0xffff  }
0xcf: {  	v11 =	vld.idx.msk [tilespmem:v11+s5+$0x0], $0xffff  }
0xd0: {  	v19 =	vld.idx.msk [tilespmem:v19+s5+$0x0], $0xffff  }
0xd1: {  	v9 =	vld.idx.msk [tilespmem:v9+s5+$0x0], $0xffff  }
0xd2: {  	v16 =	vld.idx.msk [tilespmem:v16+s5+$0x0], $0xffff;
	v12 =	vmul.f32 v12, v27;
	v21 =	vmul.f32 v21, v28  }
0xd3: {  	v30 =	vshll.u32 v18, $0x10;
	v29 =	vshll.u32 v15, $0x10;
	v15 =	vld.idx.msk [tilespmem:v17+s5+$0x0], $0xffff  }
0xd4: {  	v17 =	vmul.f32 v20, v29;
	v11 =	vmul.f32 v11, v30;
	v12 =	vpack.i.f32.bf16 v21, v12  }
0xd5: {  	v36 =	vshll.u32 v24, $0x10;
	v35 =	vshll.u32 v10, $0x10;
	[tilespmem:s2+$0x90] =	vst v12  }
0xd6: {  	v11 =	vpack.i.f32.bf16 v17, v11;
	v17 =	vmul.f32 v9, v36;
	v12 =	vmul.f32 v19, v35;
	v18 =	vld [tilespmem:s6+$0x120]  }
0xd7: {  	v10 =	vshll.u32 v22, $0x10;
	v9 =	vshll.u32 v23, $0x10;
	[tilespmem:s2+$0xFFFFFF80] =	vst v11;
	v11 =	vld [tilespmem:s6+$0x1A0]  }
0xd8: {  	v15 =	vmul.f32 v15, v10;
	v16 =	vmul.f32 v16, v9;
	v19 =	vld [tilespmem:s6+$0xFFFFFF10];
	v12 =	vpack.i.f32.bf16 v12, v17  }
0xd9: {  	v17 =	vld [tilespmem:s6+$0xFFFFFF90];
	[tilespmem:s2+$0xFFFFFF00] =	vst v12  }
0xda: {  	v12 =	vpack.i.f32.bf16 v15, v16;
	v15 =	vld [tilespmem:s6+$0xFFFFFE10]  }
0xdb: {  	[tilespmem:s2+$0x0] =	vst v12;
	v12 =	vld [tilespmem:s6+$0xFFFFFE90];
	v16 =	vshrl.u32 v18, v13  }
0xdc: {  	v20 =	vld [tilespmem:s6+$0x90];
	v11 =	vshrl.u32 v11, v14;
	v16 =	vand.u32 $0xFF, v16  }
0xdd: {  	v19 =	vshrl.u32 v19, v32;
	v18 =	vld [tilespmem:s6+$0x10];
	v11 =	vand.u32 $0xFF, v11  }
0xde: {  	v19 =	vand.u32 $0xFF, v19;
	v17 =	vshrl.u32 v17, v33  }
0xdf: {  	v17 =	vand.u32 $0xFF, v17;
	v15 =	vshrl.u32 v15, v38  }
0xe0: {  	v12 =	vshrl.u32 v12, v37;
	v15 =	vand.u32 $0xFF, v15  }
0xe1: {  	v12 =	vand.u32 $0xFF, v12;
	v20 =	vshrl.u32 v20, v31;
	v16 =	vld.idx.msk [tilespmem:v16+s5+$0x0], $0xffff  }
0xe2: {  	v18 =	vshrl.u32 v18, v34;
	v20 =	vand.u32 $0xFF, v20;
	v11 =	vld.idx.msk [tilespmem:v11+s5+$0x0], $0xffff  }
0xe3: {  	v19 =	vld.idx.msk [tilespmem:v19+s5+$0x0], $0xffff;
	v18 =	vand.u32 $0xFF, v18  }
0xe4: {  	v17 =	vld.idx.msk [tilespmem:v17+s5+$0x0], $0xffff  }
0xe5: {  	v15 =	vld.idx.msk [tilespmem:v15+s5+$0x0], $0xffff  }
0xe6: {  	v12 =	vld.idx.msk [tilespmem:v12+s5+$0x0], $0xffff  }
0xe7: {  	v20 =	vld.idx.msk [tilespmem:v20+s5+$0x0], $0xffff;
	v16 =	vmul.f32 v16, v27;
	v11 =	vmul.f32 v11, v28  }
0xe8: {  	v18 =	vld.idx.msk [tilespmem:v18+s5+$0x0], $0xffff  }
0xe9: {  	v19 =	vmul.f32 v19, v30;
	v17 =	vmul.f32 v17, v29;
	v11 =	vpack.i.f32.bf16 v11, v16  }
0xea: {  	[tilespmem:s2+$0xA0] =	vst v11  }
0xeb: {  	v11 =	vpack.i.f32.bf16 v17, v19;
	v15 =	vmul.f32 v15, v36;
	v12 =	vmul.f32 v12, v35;
	v16 =	vld [tilespmem:s6+$0x130]  }
0xec: {  	[tilespmem:s2+$0xFFFFFF90] =	vst v11;
	v11 =	vld [tilespmem:s6+$0x1B0]  }
0xed: {  	v17 =	vld [tilespmem:s6+$0xFFFFFF20];
	v18 =	vmul.f32 v18, v9;
	v12 =	vpack.i.f32.bf16 v12, v15;
	v15 =	vmul.f32 v20, v10  }
0xee: {  	v19 =	vld [tilespmem:s6+$0xFFFFFFA0];
	[tilespmem:s2+$0xFFFFFF10] =	vst v12  }
0xef: {  	v12 =	vld [tilespmem:s6+$0xFFFFFE20];
	v15 =	vpack.i.f32.bf16 v15, v18  }
0xf0: {  	v18 =	vld [tilespmem:s6+$0xFFFFFEA0];
	[tilespmem:s2+$0x10] =	vst v15;
	v15 =	vshrl.u32 v16, v13  }
0xf1: {  	v16 =	vld [tilespmem:s6+$0x20];
	v11 =	vshrl.u32 v11, v14;
	v15 =	vand.u32 $0xFF, v15  }
0xf2: {  	v20 =	vld [tilespmem:s6+$0xA0];
	v17 =	vshrl.u32 v17, v32;
	v11 =	vand.u32 $0xFF, v11  }
0xf3: {  	v19 =	vshrl.u32 v19, v33;
	v17 =	vand.u32 $0xFF, v17  }
0xf4: {  	v19 =	vand.u32 $0xFF, v19;
	v12 =	vshrl.u32 v12, v38  }
0xf5: {  	v18 =	vshrl.u32 v18, v37;
	v12 =	vand.u32 $0xFF, v12  }
0xf6: {  	v18 =	vand.u32 $0xFF, v18;
	v16 =	vshrl.u32 v16, v34;
	v15 =	vld.idx.msk [tilespmem:v15+s5+$0x0], $0xffff  }
0xf7: {  	v20 =	vshrl.u32 v20, v31;
	v16 =	vand.u32 $0xFF, v16;
	v11 =	vld.idx.msk [tilespmem:v11+s5+$0x0], $0xffff  }
0xf8: {  	v20 =	vand.u32 $0xFF, v20;
	v17 =	vld.idx.msk [tilespmem:v17+s5+$0x0], $0xffff  }
0xf9: {  	v19 =	vld.idx.msk [tilespmem:v19+s5+$0x0], $0xffff  }
0xfa: {  	v12 =	vld.idx.msk [tilespmem:v12+s5+$0x0], $0xffff  }
0xfb: {  	v18 =	vld.idx.msk [tilespmem:v18+s5+$0x0], $0xffff  }
0xfc: {  	v16 =	vld.idx.msk [tilespmem:v16+s5+$0x0], $0xffff;
	v15 =	vmul.f32 v15, v27;
	v11 =	vmul.f32 v11, v28  }
0xfd: {  	v20 =	vld.idx.msk [tilespmem:v20+s5+$0x0], $0xffff  }
0xfe: {  	v17 =	vmul.f32 v17, v30;
	v19 =	vmul.f32 v19, v29;
	v11 =	vpack.i.f32.bf16 v11, v15  }
0xff: {  	[tilespmem:s2+$0xB0] =	vst v11  }
0x100: {  	v11 =	vpack.i.f32.bf16 v19, v17;
	v12 =	vmul.f32 v12, v36;
	v15 =	vmul.f32 v18, v35;
	v17 =	vld [tilespmem:s6+$0x140]  }
0x101: {  	[tilespmem:s2+$0xFFFFFFA0] =	vst v11;
	v11 =	vld [tilespmem:s6+$0x1C0]  }
0x102: {  	v18 =	vld [tilespmem:s6+$0xFFFFFF30];
	v16 =	vmul.f32 v16, v9;
	v12 =	vpack.i.f32.bf16 v15, v12;
	v15 =	vmul.f32 v20, v10  }
0x103: {  	v19 =	vld [tilespmem:s6+$0xFFFFFFB0];
	[tilespmem:s2+$0xFFFFFF20] =	vst v12  }
0x104: {  	v12 =	vld [tilespmem:s6+$0xFFFFFE30];
	v15 =	vpack.i.f32.bf16 v15, v16  }
0x105: {  	v16 =	vld [tilespmem:s6+$0xFFFFFEB0];
	[tilespmem:s2+$0x20] =	vst v15;
	v15 =	vshrl.u32 v17, v13  }
0x106: {  	v17 =	vld [tilespmem:s6+$0x30];
	v11 =	vshrl.u32 v11, v14;
	v15 =	vand.u32 $0xFF, v15  }
0x107: {  	v20 =	vld [tilespmem:s6+$0xB0];
	v18 =	vshrl.u32 v18, v32;
	v11 =	vand.u32 $0xFF, v11  }
0x108: {  	v19 =	vshrl.u32 v19, v33;
	v18 =	vand.u32 $0xFF, v18  }
0x109: {  	v19 =	vand.u32 $0xFF, v19;
	v12 =	vshrl.u32 v12, v38  }
0x10a: {  	v16 =	vshrl.u32 v16, v37;
	v12 =	vand.u32 $0xFF, v12  }
0x10b: {  	v16 =	vand.u32 $0xFF, v16;
	v17 =	vshrl.u32 v17, v34;
	v15 =	vld.idx.msk [tilespmem:v15+s5+$0x0], $0xffff  }
0x10c: {  	v20 =	vshrl.u32 v20, v31;
	v17 =	vand.u32 $0xFF, v17;
	v11 =	vld.idx.msk [tilespmem:v11+s5+$0x0], $0xffff  }
0x10d: {  	v20 =	vand.u32 $0xFF, v20;
	v18 =	vld.idx.msk [tilespmem:v18+s5+$0x0], $0xffff  }
0x10e: {  	v19 =	vld.idx.msk [tilespmem:v19+s5+$0x0], $0xffff  }
0x10f: {  	v12 =	vld.idx.msk [tilespmem:v12+s5+$0x0], $0xffff  }
0x110: {  	v16 =	vld.idx.msk [tilespmem:v16+s5+$0x0], $0xffff  }
0x111: {  	v17 =	vld.idx.msk [tilespmem:v17+s5+$0x0], $0xffff;
	v15 =	vmul.f32 v15, v27;
	v11 =	vmul.f32 v11, v28  }
0x112: {  	v20 =	vld.idx.msk [tilespmem:v20+s5+$0x0], $0xffff  }
0x113: {  	v18 =	vmul.f32 v18, v30;
	v19 =	vmul.f32 v19, v29;
	v11 =	vpack.i.f32.bf16 v11, v15  }
0x114: {  	[tilespmem:s2+$0xC0] =	vst v11  }
0x115: {  	v11 =	vpack.i.f32.bf16 v19, v18;
	v12 =	vmul.f32 v12, v36;
	v15 =	vmul.f32 v16, v35;
	v16 =	vld [tilespmem:s6+$0x150]  }
0x116: {  	[tilespmem:s2+$0xFFFFFFB0] =	vst v11;
	v11 =	vld [tilespmem:s6+$0x1D0]  }
0x117: {  	v18 =	vld [tilespmem:s6+$0xFFFFFF40];
	v17 =	vmul.f32 v17, v9;
	v12 =	vpack.i.f32.bf16 v15, v12;
	v15 =	vmul.f32 v20, v10  }
0x118: {  	v19 =	vld [tilespmem:s6+$0xFFFFFFC0];
	[tilespmem:s2+$0xFFFFFF30] =	vst v12  }
0x119: {  	v12 =	vld [tilespmem:s6+$0xFFFFFE40];
	v15 =	vpack.i.f32.bf16 v15, v17  }
0x11a: {  	v17 =	vld [tilespmem:s6+$0xFFFFFEC0];
	[tilespmem:s2+$0x30] =	vst v15;
	v15 =	vshrl.u32 v16, v13  }
0x11b: {  	v16 =	vld [tilespmem:s6+$0x40];
	v11 =	vshrl.u32 v11, v14;
	v15 =	vand.u32 $0xFF, v15  }
0x11c: {  	v20 =	vld [tilespmem:s6+$0xC0];
	v18 =	vshrl.u32 v18, v32;
	v11 =	vand.u32 $0xFF, v11  }
0x11d: {  	v19 =	vshrl.u32 v19, v33;
	v18 =	vand.u32 $0xFF, v18  }
0x11e: {  	s14 =	simm.s32 $0x7F00;
	v19 =	vand.u32 $0xFF, v19;
	v12 =	vshrl.u32 v12, v38  }
0x11f: {  	v41 =	vld [tilespmem:s14+$0x100];
	v17 =	vshrl.u32 v17, v37;
	v12 =	vand.u32 $0xFF, v12  }
0x120: {  	v17 =	vand.u32 $0xFF, v17;
	v16 =	vshrl.u32 v16, v34;
	v15 =	vld.idx.msk [tilespmem:v15+s5+$0x0], $0xffff  }
0x121: {  	v20 =	vshrl.u32 v20, v31;
	v16 =	vand.u32 $0xFF, v16;
	v11 =	vld.idx.msk [tilespmem:v11+s5+$0x0], $0xffff  }
0x122: {  	v20 =	vand.u32 $0xFF, v20;
	v18 =	vld.idx.msk [tilespmem:v18+s5+$0x0], $0xffff  }
0x123: {  	s28 =	simm.s32 $0xC;
	v19 =	vld.idx.msk [tilespmem:v19+s5+$0x0], $0xffff  }
0x124: {  	v40 =	vor.u32 s28, v8;
	v12 =	vld.idx.msk [tilespmem:v12+s5+$0x0], $0xffff  }
0x125: {  	v17 =	vld.idx.msk [tilespmem:v17+s5+$0x0], $0xffff  }
0x126: {  	s21 =	simm.s32 $0xF;
	s13 =	simm.s32 $0xE;
	v16 =	vld.idx.msk [tilespmem:v16+s5+$0x0], $0xffff;
	v15 =	vmul.f32 v15, v27;
	v11 =	vmul.f32 v11, v28  }
0x127: {  	v45 =	vmov s21;
	v44 =	vmov s13;
	v21 =	vld.idx.msk [tilespmem:v20+s5+$0x0], $0xffff  }
0x128: {  	v43 =	vld [tilespmem:s14+$0x180];
	v18 =	vmul.f32 v18, v30;
	v19 =	vmul.f32 v19, v29;
	v11 =	vpack.i.f32.bf16 v11, v15  }
0x129: {  	v46 =	vld.idx.msk [tilespmem:v40+s15+$0x0], $0xffff;
	[tilespmem:s2+$0xD0] =	vst v11  }
0x12a: {  	v11 =	vpack.i.f32.bf16 v19, v18;
	v12 =	vmul.f32 v12, v36;
	v15 =	vmul.f32 v17, v35;
	v17 =	vld [tilespmem:s6+$0x160]  }
0x12b: {  	[tilespmem:s2+$0xFFFFFFC0] =	vst v11;
	v11 =	vld [tilespmem:s6+$0x1E0]  }
0x12c: {  	v58 =	vld.idx.msk [tilespmem:v44+s16+$0x0], $0xffff;
	s7 =	simm.s32 $0x8;
	v16 =	vmul.f32 v16, v9;
	v12 =	vpack.i.f32.bf16 v15, v12;
	v15 =	vmul.f32 v21, v10  }
0x12d: {  	v59 =	vld.idx.msk [tilespmem:v45+s16+$0x0], $0xffff;
	[tilespmem:s2+$0xFFFFFF40] =	vst v12;
	v12 =	vor.u32 s7, v8  }
0x12e: {  	v44 =	vld [tilespmem:s14+$0xFFFFFE00];
	v15 =	vpack.i.f32.bf16 v15, v16;
	v16 =	vor.u32 s13, v8  }
0x12f: {  	v47 =	vld [tilespmem:s14+$0xFFFFFE80];
	[tilespmem:s2+$0x40] =	vst v15;
	v15 =	vor.u32 s21, v8;
	v17 =	vshrl.u32 v17, v13  }
0x130: {  	v48 =	vld [tilespmem:s14+$0xFFFFFF00];
	v11 =	vshrl.u32 v11, v14;
	v17 =	vand.u32 $0xFF, v17  }
0x131: {  	v62 =	vld [tilespmem:s14+$0xFFFFFF80];
	v11 =	vand.u32 $0xFF, v11  }
0x132: {  	s24 =	simm.s32 $0x9;
	v19 =	vld.idx.msk [tilespmem:v12+s15+$0x0], $0xffff  }
0x133: {  	s26 =	simm.s32 $0xA;
	v61 =	vmov s24;
	v12 =	vld.idx.msk [tilespmem:v16+s15+$0x0], $0xffff  }
0x134: {  	s17 =	simm.s32 $0xD;
	v51 =	vmov s26;
	v15 =	vld.idx.msk [tilespmem:v15+s15+$0x0], $0xffff  }
0x135: {  	v55 =	vmov s17;
	v17 =	vld.idx.msk [tilespmem:v17+s5+$0x0], $0xffff  }
0x136: {  	v52 =	vmov s7;
	s10 =	simm.s32 $0xB;
	v39 =	vld.idx.msk [tilespmem:v11+s5+$0x0], $0xffff  }
0x137: {  	v50 =	vld [tilespmem:s14+$0x0];
	v22 =	vor.u32 s10, v8  }
0x138: {  	v45 =	vld.idx.msk [tilespmem:v61+s16+$0x0], $0xffff  }
0x139: {  	v51 =	vld.idx.msk [tilespmem:v51+s16+$0x0], $0xffff;
	v11 =	vshll.u32 v12, $0x3;
	v15 =	vshll.u32 v15, $0x3  }
0x13a: {  	v55 =	vld.idx.msk [tilespmem:v55+s16+$0x0], $0xffff;
	v12 =	vand.u32 $0x18, v11;
	v11 =	vand.u32 $0x18, v15  }
0x13b: {  	v61 =	vld.idx.msk [tilespmem:v52+s16+$0x0], $0xffff;
	v15 =	vshrl.u32 v41, v12;
	v17 =	vmul.f32 v17, v27;
	v39 =	vmul.f32 v39, v28  }
0x13c: {  	v22 =	vld.idx.msk [tilespmem:v22+s15+$0x0], $0xffff;
	v57 =	vshrl.u32 v43, v11;
	v15 =	vand.u32 $0xFF, v15  }
0x13d: {  	v20 =	vld [tilespmem:s6+$0xFFFFFF50];
	v40 =	vand.u32 $0xFF, v57;
	v17 =	vpack.i.f32.bf16 v39, v17  }
0x13e: {  	v21 =	vld [tilespmem:s6+$0xFFFFFFD0];
	[tilespmem:s2+$0xE0] =	vst v17  }
0x13f: {  	v16 =	vor.u32 s24, v8;
	v17 =	vld [tilespmem:s6+$0x170]  }
0x140: {  	v18 =	vor.u32 s26, v8;
	v60 =	vld [tilespmem:s6+$0x1F0]  }
0x141: {  	v15 =	vld.idx.msk [tilespmem:v15+s5+$0x0], $0xffff  }
0x142: {  	v40 =	vld.idx.msk [tilespmem:v40+s5+$0x0], $0xffff  }
0x143: {  	v23 =	vld [tilespmem:s6+$0xFFFFFE50]  }
0x144: {  	v42 =	vor.u32 s17, v8;
	v16 =	vld.idx.msk [tilespmem:v16+s15+$0x0], $0xffff;
	v13 =	vshrl.u32 v17, v13  }
0x145: {  	v18 =	vld.idx.msk [tilespmem:v18+s15+$0x0], $0xffff;
	v14 =	vshrl.u32 v60, v14;
	v17 =	vand.u32 $0xFF, v13  }
0x146: {  	v24 =	vld [tilespmem:s6+$0xFFFFFED0];
	v49 =	vand.u32 $0xFF, v14;
	v13 =	vshll.u32 v58, $0x10;
	v14 =	vshll.u32 v59, $0x10  }
0x147: {  	v26 =	vld [tilespmem:s6+$0x50];
	v15 =	vmul.f32 v15, v13;
	v39 =	vmul.f32 v40, v14  }
0x148: {  	v54 =	vmov s28;
	v25 =	vld [tilespmem:s6+$0xD0]  }
0x149: {  	v53 =	vmov s10;
	s13 =	simm.s32 $0xFD00;
	v41 =	vld.idx.msk [tilespmem:v42+s15+$0x0], $0xffff;
	v16 =	vshll.u32 v16, $0x3;
	v15 =	vpack.i.f32.bf16 v39, v15  }
0x14a: {  	[tilespmem:s13+$0x80] =	vst v15;
	v15 =	vand.u32 $0x18, v16;
	v16 =	vshll.u32 v18, $0x3;
	v18 =	vshll.u32 v22, $0x3;
	v39 =	vld.idx.msk [tilespmem:v17+s5+$0x0], $0xffff  }
0x14b: {  	v22 =	vld [tilespmem:s14+$0x110];
	v17 =	vand.u32 $0x18, v16;
	v16 =	vand.u32 $0x18, v18;
	v18 =	vshrl.u32 v47, v15  }
0x14c: {  	v24 =	vshrl.u32 v24, v37;
	v63 =	vld [tilespmem:s14+$0x190];
	v57 =	vand.u32 $0xFF, v18  }
0x14d: {  	v46 =	vshll.u32 v46, $0x3;
	v24 =	vand.u32 $0xFF, v24;
	v42 =	vld [tilespmem:s14+$0x80];
	v48 =	vshrl.u32 v48, v17  }
0x14e: {  	v23 =	vshrl.u32 v23, v38;
	v40 =	vld.idx.msk [tilespmem:v49+s5+$0x0], $0xffff;
	v43 =	vshrl.u32 v62, v16;
	v58 =	vand.u32 $0xFF, v48  }
0x14f: {  	v23 =	vand.u32 $0xFF, v23;
	v18 =	vand.u32 $0x18, v46;
	v48 =	vld.idx.msk [tilespmem:v53+s16+$0x0], $0xffff;
	v43 =	vand.u32 $0xFF, v43  }
0x150: {  	v59 =	vshll.u32 v19, $0x3;
	v19 =	vshrl.u32 v50, v18;
	v50 =	vld.idx.msk [tilespmem:v54+s16+$0x0], $0xffff;
	v22 =	vshrl.u32 v22, v12  }
0x151: {  	v20 =	vshrl.u32 v20, v32;
	v47 =	vshrl.u32 v63, v11;
	v62 =	vand.u32 $0xFF, v22;
	v49 =	vld.idx.msk [tilespmem:v57+s5+$0x0], $0xffff  }
0x152: {  	v41 =	vshll.u32 v41, $0x3;
	v22 =	vand.u32 $0x18, v59;
	v47 =	vand.u32 $0xFF, v47;
	v57 =	vld.idx.msk [tilespmem:v24+s5+$0x0], $0xffff  }
0x153: {  	v60 =	vand.u32 $0xFF, v19;
	v19 =	vand.u32 $0x18, v41;
	v44 =	vshrl.u32 v44, v22;
	v46 =	vld.idx.msk [tilespmem:v58+s5+$0x0], $0xffff  }
0x154: {  	v21 =	vshrl.u32 v21, v33;
	v42 =	vshrl.u32 v42, v19;
	v43 =	vld.idx.msk [tilespmem:v43+s5+$0x0], $0xffff;
	v44 =	vand.u32 $0xFF, v44  }
0x155: {  	v56 =	vand.u32 $0xFF, v21;
	v42 =	vand.u32 $0xFF, v42;
	v21 =	vshll.u32 v48, $0x10;
	v48 =	vld.idx.msk [tilespmem:v23+s5+$0x0], $0xffff  }
0x156: {  	v63 =	vand.u32 $0xFF, v20;
	v52 =	vld.idx.msk [tilespmem:v62+s5+$0x0], $0xffff  }
0x157: {  	v47 =	vld.idx.msk [tilespmem:v47+s5+$0x0], $0xffff  }
0x158: {  	v20 =	vshll.u32 v51, $0x10;
	v53 =	vld.idx.msk [tilespmem:v60+s5+$0x0], $0xffff  }
0x159: {  	v26 =	vshrl.u32 v26, v34;
	v46 =	vmul.f32 v46, v20;
	v43 =	vmul.f32 v43, v21;
	v44 =	vld.idx.msk [tilespmem:v44+s5+$0x0], $0xffff  }
0x15a: {  	v51 =	vand.u32 $0xFF, v26;
	v42 =	vld.idx.msk [tilespmem:v42+s5+$0x0], $0xffff  }
0x15b: {  	v23 =	vpack.i.f32.bf16 v43, v46;
	v43 =	vld.idx.msk [tilespmem:v63+s5+$0x0], $0xffff  }
0x15c: {  	[tilespmem:s13+$0xFFFFFF80] =	vst v23;
	v26 =	vmul.f32 v52, v13;
	v60 =	vmul.f32 v47, v14;
	v47 =	vld.idx.msk [tilespmem:v56+s5+$0x0], $0xffff  }
0x15d: {  	v24 =	vshll.u32 v61, $0x10;
	v23 =	vshll.u32 v45, $0x10;
	v61 =	vld [tilespmem:s14+$0xFFFFFF10]  }
0x15e: {  	v45 =	vmul.f32 v49, v23;
	v62 =	vld [tilespmem:s14+$0xFFFFFF90];
	v44 =	vmul.f32 v44, v24;
	v46 =	vpack.i.f32.bf16 v60, v26  }
0x15f: {  	v63 =	vshrl.u32 v25, v31;
	v25 =	vshll.u32 v55, $0x10;
	v26 =	vshll.u32 v50, $0x10;
	[tilespmem:s13+$0x90] =	vst v46;
	v46 =	vld.idx.msk [tilespmem:v51+s5+$0x0], $0xffff  }
0x160: {  	v42 =	vmul.f32 v42, v25;
	v50 =	vmul.f32 v53, v26;
	v44 =	vpack.i.f32.bf16 v45, v44;
	v56 =	vld [tilespmem:s14+$0x120]  }
0x161: {  	v48 =	vmul.f32 v48, v36;
	v58 =	vld [tilespmem:s14+$0x1A0];
	[tilespmem:s13+$0xFFFFFF00] =	vst v44  }
0x162: {  	v60 =	vmul.f32 v57, v35;
	v51 =	vand.u32 $0xFF, v63;
	v42 =	vpack.i.f32.bf16 v42, v50;
	v59 =	vld [tilespmem:s14+$0xFFFFFE10]  }
0x163: {  	v43 =	vmul.f32 v43, v30;
	v41 =	vshrl.u32 v61, v17;
	v49 =	vshrl.u32 v62, v16;
	[tilespmem:s13+$0x0] =	vst v42;
	v61 =	vld [tilespmem:s14+$0xFFFFFE90]  }
0x164: {  	v47 =	vmul.f32 v47, v29;
	v41 =	vand.u32 $0xFF, v41;
	v42 =	vpack.i.f32.bf16 v60, v48;
	v62 =	vld [tilespmem:s14+$0x10]  }
0x165: {  	v49 =	vand.u32 $0xFF, v49;
	v63 =	vld [tilespmem:s14+$0x90];
	[tilespmem:s2+$0xFFFFFF50] =	vst v42  }
0x166: {  	v43 =	vpack.i.f32.bf16 v47, v43;
	v54 =	vld [tilespmem:s6+$0xFFFFFEE0];
	v45 =	vshrl.u32 v56, v12  }
0x167: {  	[tilespmem:s2+$0xFFFFFFD0] =	vst v43;
	v56 =	vshrl.u32 v58, v11;
	v58 =	vld.idx.msk [tilespmem:v51+s5+$0x0], $0xffff;
	v57 =	vand.u32 $0xFF, v45  }
0x168: {  	v47 =	vld [tilespmem:s6+$0xFFFFFF60];
	v42 =	vand.u32 $0xFF, v56;
	v50 =	vshrl.u32 v59, v22  }
0x169: {  	v52 =	vshrl.u32 v61, v15;
	v41 =	vld.idx.msk [tilespmem:v41+s5+$0x0], $0xffff;
	v50 =	vand.u32 $0xFF, v50  }
0x16a: {  	v49 =	vld.idx.msk [tilespmem:v49+s5+$0x0], $0xffff;
	v52 =	vand.u32 $0xFF, v52;
	v53 =	vshrl.u32 v62, v18  }
0x16b: {  	v51 =	vld [tilespmem:s6+$0xFFFFFE60];
	v48 =	vshrl.u32 v63, v19;
	v53 =	vand.u32 $0xFF, v53  }
0x16c: {  	v48 =	vand.u32 $0xFF, v48;
	v44 =	vld.idx.msk [tilespmem:v57+s5+$0x0], $0xffff  }
0x16d: {  	v42 =	vld.idx.msk [tilespmem:v42+s5+$0x0], $0xffff  }
0x16e: {  	v50 =	vld.idx.msk [tilespmem:v50+s5+$0x0], $0xffff  }
0x16f: {  	v47 =	vshrl.u32 v47, v32;
	v41 =	vmul.f32 v41, v20;
	v59 =	vmul.f32 v49, v21;
	v52 =	vld.idx.msk [tilespmem:v52+s5+$0x0], $0xffff  }
0x170: {  	v47 =	vand.u32 $0xFF, v47;
	v60 =	vld.idx.msk [tilespmem:v53+s5+$0x0], $0xffff  }
0x171: {  	v46 =	vmul.f32 v46, v9;
	v61 =	vld.idx.msk [tilespmem:v48+s5+$0x0], $0xffff;
	v41 =	vpack.i.f32.bf16 v59, v41  }
0x172: {  	v45 =	vmul.f32 v58, v10;
	[tilespmem:s13+$0xFFFFFF90] =	vst v41;
	v62 =	vmul.f32 v44, v13;
	v44 =	vld [tilespmem:s6+$0xFFFFFFE0]  }
0x173: {  	v42 =	vmul.f32 v42, v14;
	v63 =	vld [tilespmem:s14+$0xFFFFFF20]  }
0x174: {  	v45 =	vpack.i.f32.bf16 v45, v46;
	v59 =	vld [tilespmem:s14+$0xFFFFFFA0]  }
0x175: {  	[tilespmem:s2+$0x50] =	vst v45;
	v47 =	vld.idx.msk [tilespmem:v47+s5+$0x0], $0xffff;
	v41 =	vpack.i.f32.bf16 v42, v62  }
0x176: {  	v57 =	vmul.f32 v50, v24;
	v58 =	vmul.f32 v52, v23;
	[tilespmem:s13+$0xA0] =	vst v41;
	v41 =	vld [tilespmem:s6+$0x60]  }
0x177: {  	v55 =	vmul.f32 v60, v26;
	v56 =	vld [tilespmem:s14+$0x130]  }
0x178: {  	v43 =	vmul.f32 v61, v25;
	v60 =	vshrl.u32 v51, v38;
	v45 =	vpack.i.f32.bf16 v58, v57;
	v61 =	vld [tilespmem:s14+$0x1B0]  }
0x179: {  	v49 =	vand.u32 $0xFF, v60;
	v60 =	vld [tilespmem:s6+$0xE0];
	[tilespmem:s13+$0xFFFFFF10] =	vst v45;
	v46 =	vshrl.u32 v63, v17  }
0x17a: {  	v42 =	vpack.i.f32.bf16 v43, v55;
	v50 =	vshrl.u32 v59, v16;
	v62 =	vld [tilespmem:s14+$0xFFFFFE20];
	v46 =	vand.u32 $0xFF, v46  }
0x17b: {  	v57 =	vshrl.u32 v54, v37;
	v63 =	vld [tilespmem:s14+$0xFFFFFEA0];
	[tilespmem:s13+$0x10] =	vst v42;
	v50 =	vand.u32 $0xFF, v50  }
0x17c: {  	v44 =	vshrl.u32 v44, v33;
	v42 =	vand.u32 $0xFF, v57;
	v58 =	vld [tilespmem:s14+$0x20]  }
0x17d: {  	v44 =	vand.u32 $0xFF, v44;
	v59 =	vld [tilespmem:s14+$0xA0];
	v41 =	vshrl.u32 v41, v34  }
0x17e: {  	v48 =	vshrl.u32 v56, v12;
	v49 =	vld.idx.msk [tilespmem:v49+s5+$0x0], $0xffff;
	v41 =	vand.u32 $0xFF, v41  }
0x17f: {  	v45 =	vshrl.u32 v61, v11;
	v48 =	vand.u32 $0xFF, v48;
	v46 =	vld.idx.msk [tilespmem:v46+s5+$0x0], $0xffff  }
0x180: {  	v45 =	vand.u32 $0xFF, v45;
	v51 =	vshrl.u32 v62, v22;
	v50 =	vld.idx.msk [tilespmem:v50+s5+$0x0], $0xffff  }
0x181: {  	v43 =	vshrl.u32 v63, v15;
	v42 =	vld.idx.msk [tilespmem:v42+s5+$0x0], $0xffff;
	v51 =	vand.u32 $0xFF, v51  }
0x182: {  	v44 =	vld.idx.msk [tilespmem:v44+s5+$0x0], $0xffff;
	v43 =	vand.u32 $0xFF, v43;
	v53 =	vshrl.u32 v59, v19  }
0x183: {  	v52 =	vshrl.u32 v58, v18;
	v53 =	vand.u32 $0xFF, v53;
	v41 =	vld.idx.msk [tilespmem:v41+s5+$0x0], $0xffff  }
0x184: {  	v52 =	vand.u32 $0xFF, v52;
	v48 =	vld.idx.msk [tilespmem:v48+s5+$0x0], $0xffff  }
0x185: {  	v45 =	vld.idx.msk [tilespmem:v45+s5+$0x0], $0xffff  }
0x186: {  	v46 =	vmul.f32 v46, v20;
	v50 =	vmul.f32 v50, v21;
	v51 =	vld.idx.msk [tilespmem:v51+s5+$0x0], $0xffff  }
0x187: {  	v43 =	vld.idx.msk [tilespmem:v43+s5+$0x0], $0xffff  }
0x188: {  	v49 =	vmul.f32 v49, v36;
	v42 =	vmul.f32 v42, v35;
	v53 =	vld.idx.msk [tilespmem:v53+s5+$0x0], $0xffff;
	v46 =	vpack.i.f32.bf16 v50, v46  }
0x189: {  	v52 =	vld.idx.msk [tilespmem:v52+s5+$0x0], $0xffff;
	[tilespmem:s13+$0xFFFFFFA0] =	vst v46  }
0x18a: {  	v42 =	vpack.i.f32.bf16 v42, v49;
	v61 =	vmul.f32 v48, v13;
	v45 =	vmul.f32 v45, v14;
	v48 =	vld [tilespmem:s14+$0xFFFFFF30]  }
0x18b: {  	[tilespmem:s2+$0xFFFFFF60] =	vst v42;
	v63 =	vld [tilespmem:s14+$0xFFFFFFB0]  }
0x18c: {  	v54 =	vld [tilespmem:s6+$0xFFFFFEF0];
	v62 =	vmul.f32 v51, v24;
	v43 =	vmul.f32 v43, v23;
	v45 =	vpack.i.f32.bf16 v45, v61  }
0x18d: {  	[tilespmem:s13+$0xB0] =	vst v45;
	v58 =	vmul.f32 v53, v25;
	v53 =	vld [tilespmem:s6+$0xFFFFFE70]  }
0x18e: {  	v57 =	vmul.f32 v52, v26;
	v43 =	vpack.i.f32.bf16 v43, v62;
	v59 =	vld [tilespmem:s14+$0x140]  }
0x18f: {  	v47 =	vmul.f32 v47, v30;
	v56 =	vshrl.u32 v60, v31;
	v44 =	vmul.f32 v44, v29;
	v60 =	vld [tilespmem:s14+$0x1C0];
	[tilespmem:s13+$0xFFFFFF20] =	vst v43  }
0x190: {  	v46 =	vand.u32 $0xFF, v56;
	v48 =	vshrl.u32 v48, v17;
	v45 =	vpack.i.f32.bf16 v58, v57;
	v61 =	vld [tilespmem:s14+$0xFFFFFE30]  }
0x191: {  	v51 =	vshrl.u32 v63, v16;
	v62 =	vld [tilespmem:s14+$0xFFFFFEB0];
	v48 =	vand.u32 $0xFF, v48;
	[tilespmem:s13+$0x20] =	vst v45  }
0x192: {  	v44 =	vpack.i.f32.bf16 v44, v47;
	v37 =	vshrl.u32 v54, v37;
	v63 =	vand.u32 $0xFF, v51;
	v56 =	vld [tilespmem:s14+$0x30]  }
0x193: {  	[tilespmem:s2+$0xFFFFFFE0] =	vst v44;
	v37 =	vand.u32 $0xFF, v37;
	v57 =	vld [tilespmem:s14+$0xB0];
	v52 =	vshrl.u32 v59, v12  }
0x194: {  	v47 =	vld [tilespmem:s6+$0xFFFFFF70];
	v58 =	vshrl.u32 v60, v11;
	v59 =	vand.u32 $0xFF, v52  }
0x195: {  	v46 =	vld.idx.msk [tilespmem:v46+s5+$0x0], $0xffff;
	v42 =	vand.u32 $0xFF, v58;
	v60 =	vshrl.u32 v61, v22  }
0x196: {  	v50 =	vshrl.u32 v62, v15;
	v48 =	vld.idx.msk [tilespmem:v48+s5+$0x0], $0xffff;
	v52 =	vand.u32 $0xFF, v60  }
0x197: {  	v45 =	vld.idx.msk [tilespmem:v63+s5+$0x0], $0xffff;
	v50 =	vand.u32 $0xFF, v50;
	v51 =	vshrl.u32 v56, v18  }
0x198: {  	v38 =	vshrl.u32 v53, v38;
	v53 =	vld.idx.msk [tilespmem:v37+s5+$0x0], $0xffff;
	v49 =	vshrl.u32 v57, v19;
	v51 =	vand.u32 $0xFF, v51  }
0x199: {  	v49 =	vand.u32 $0xFF, v49;
	v43 =	vld.idx.msk [tilespmem:v59+s5+$0x0], $0xffff  }
0x19a: {  	v38 =	vand.u32 $0xFF, v38;
	v42 =	vld.idx.msk [tilespmem:v42+s5+$0x0], $0xffff  }
0x19b: {  	v52 =	vld.idx.msk [tilespmem:v52+s5+$0x0], $0xffff  }
0x19c: {  	v61 =	vmul.f32 v48, v20;
	v45 =	vmul.f32 v45, v21;
	v50 =	vld.idx.msk [tilespmem:v50+s5+$0x0], $0xffff  }
0x19d: {  	v62 =	vld.idx.msk [tilespmem:v51+s5+$0x0], $0xffff  }
0x19e: {  	v63 =	vld.idx.msk [tilespmem:v49+s5+$0x0], $0xffff;
	v45 =	vpack.i.f32.bf16 v45, v61  }
0x19f: {  	v38 =	vld.idx.msk [tilespmem:v38+s5+$0x0], $0xffff;
	[tilespmem:s13+$0xFFFFFFB0] =	vst v45;
	v43 =	vmul.f32 v43, v13;
	v42 =	vmul.f32 v42, v14  }
0x1a0: {  	v41 =	vmul.f32 v41, v9;
	v46 =	vmul.f32 v46, v10;
	v55 =	vld [tilespmem:s14+$0xFFFFFF40]  }
0x1a1: {  	v58 =	vld [tilespmem:s14+$0xFFFFFFC0];
	v56 =	vmul.f32 v52, v24;
	v57 =	vmul.f32 v50, v23;
	v42 =	vpack.i.f32.bf16 v42, v43  }
0x1a2: {  	v41 =	vpack.i.f32.bf16 v46, v41;
	v45 =	vld [tilespmem:s6+$0xFFFFFFF0];
	[tilespmem:s13+$0xC0] =	vst v42  }
0x1a3: {  	[tilespmem:s2+$0x60] =	vst v41;
	v59 =	vmul.f32 v62, v26;
	v44 =	vmul.f32 v63, v25;
	v41 =	vpack.i.f32.bf16 v57, v56;
	v60 =	vld [tilespmem:s14+$0x150]  }
0x1a4: {  	v61 =	vld [tilespmem:s14+$0x1D0];
	[tilespmem:s13+$0xFFFFFF30] =	vst v41  }
0x1a5: {  	v46 =	vshrl.u32 v55, v17;
	v43 =	vpack.i.f32.bf16 v44, v59;
	v62 =	vld [tilespmem:s14+$0xFFFFFE40]  }
0x1a6: {  	v50 =	vshrl.u32 v58, v16;
	v63 =	vld [tilespmem:s14+$0xFFFFFEC0];
	v46 =	vand.u32 $0xFF, v46;
	[tilespmem:s13+$0x30] =	vst v43  }
0x1a7: {  	v32 =	vshrl.u32 v47, v32;
	v56 =	vand.u32 $0xFF, v50;
	v57 =	vld [tilespmem:s14+$0x40]  }
0x1a8: {  	v32 =	vand.u32 $0xFF, v32;
	v58 =	vld [tilespmem:s14+$0xC0];
	v48 =	vshrl.u32 v60, v12  }
0x1a9: {  	v52 =	vld [tilespmem:s6+$0xF0];
	v41 =	vshrl.u32 v61, v11;
	v48 =	vand.u32 $0xFF, v48  }
0x1aa: {  	v42 =	vld [tilespmem:s6+$0x70];
	v41 =	vand.u32 $0xFF, v41;
	v49 =	vshrl.u32 v62, v22  }
0x1ab: {  	v44 =	vshrl.u32 v63, v15;
	v46 =	vld.idx.msk [tilespmem:v46+s5+$0x0], $0xffff;
	v49 =	vand.u32 $0xFF, v49  }
0x1ac: {  	v43 =	vld.idx.msk [tilespmem:v56+s5+$0x0], $0xffff;
	v44 =	vand.u32 $0xFF, v44;
	v50 =	vshrl.u32 v57, v18  }
0x1ad: {  	v55 =	vld.idx.msk [tilespmem:v32+s5+$0x0], $0xffff;
	v51 =	vshrl.u32 v58, v19;
	v50 =	vand.u32 $0xFF, v50  }
0x1ae: {  	v33 =	vshrl.u32 v45, v33;
	v59 =	vand.u32 $0xFF, v51;
	v60 =	vld.idx.msk [tilespmem:v48+s5+$0x0], $0xffff  }
0x1af: {  	v33 =	vand.u32 $0xFF, v33;
	v41 =	vld.idx.msk [tilespmem:v41+s5+$0x0], $0xffff  }
0x1b0: {  	v45 =	vld.idx.msk [tilespmem:v49+s5+$0x0], $0xffff  }
0x1b1: {  	v34 =	vshrl.u32 v42, v34;
	v61 =	vmul.f32 v46, v20;
	v43 =	vmul.f32 v43, v21;
	v44 =	vld.idx.msk [tilespmem:v44+s5+$0x0], $0xffff  }
0x1b2: {  	v34 =	vand.u32 $0xFF, v34;
	v62 =	vld.idx.msk [tilespmem:v50+s5+$0x0], $0xffff  }
0x1b3: {  	v27 =	vmul.f32 v39, v27;
	v28 =	vmul.f32 v40, v28;
	v63 =	vld.idx.msk [tilespmem:v59+s5+$0x0], $0xffff;
	v54 =	vpack.i.f32.bf16 v43, v61  }
0x1b4: {  	v58 =	vld.idx.msk [tilespmem:v33+s5+$0x0], $0xffff;
	[tilespmem:s13+$0xFFFFFFC0] =	vst v54;
	v56 =	vmul.f32 v60, v13;
	v57 =	vmul.f32 v41, v14  }
0x1b5: {  	v28 =	vpack.i.f32.bf16 v28, v27;
	v59 =	vshrl.u32 v52, v31;
	v60 =	vld [tilespmem:s14+$0xFFFFFF50]  }
0x1b6: {  	v37 =	vld [tilespmem:s14+$0xFFFFFFD0];
	v31 =	vmul.f32 v45, v24;
	v61 =	vmul.f32 v44, v23;
	v27 =	vpack.i.f32.bf16 v57, v56  }
0x1b7: {  	v35 =	vmul.f32 v53, v35;
	v36 =	vmul.f32 v38, v36;
	[tilespmem:s13+$0xD0] =	vst v27;
	v27 =	vld.idx.msk [tilespmem:v34+s5+$0x0], $0xffff  }
0x1b8: {  	[tilespmem:s2+$0xF0] =	vst v28;
	v28 =	vmul.f32 v62, v26;
	v63 =	vmul.f32 v63, v25;
	v62 =	vpack.i.f32.bf16 v61, v31;
	v31 =	vld [tilespmem:s14+$0x160]  }
0x1b9: {  	v35 =	vpack.i.f32.bf16 v35, v36;
	v30 =	vmul.f32 v55, v30;
	v32 =	vand.u32 $0xFF, v59;
	v33 =	vld [tilespmem:s14+$0x1E0];
	[tilespmem:s13+$0xFFFFFF40] =	vst v62  }
0x1ba: {  	s9 =	simm.s32 $0x10;
	s7 =	simm.s32 $0x4;
	[tilespmem:s2+$0xFFFFFF70] =	vst v35;
	s6 =	simm.s32 $0x7F00;
	v29 =	vmul.f32 v58, v29;
	v34 =	vshrl.u32 v60, v17;
	v36 =	vpack.i.f32.bf16 v63, v28;
	v35 =	vld [tilespmem:s14+$0xFFFFFE50]  }
.LBB2_5:
0x1bb: {  	v28 =	vmov s9;
	v38 =	vor.u32 s9, v8;
	s10 =	sadd.s32 $0x2, s9;
	s17 =	sadd.s32 $0x3, s9;
	s25 =	sadd.s32 $0x6, s9;
	v39 =	vld [tilespmem:s14+$0xFFFFFED0];
	v37 =	vshrl.u32 v37, v16;
	[tilespmem:s13+$0x40] =	vst v36  }
0x1bc: {  	s28 =	sadd.s32 $0x4, s9;
	s21 =	sadd.s32 $0x5, s9;
	s26 =	sadd.s32 $0x7, s9;
	v45 =	vor.u32 s10, v8;
	v46 =	vor.u32 s17, v8;
	v40 =	vor.u32 s25, v8;
	v42 =	vld [tilespmem:s14+$0x50]  }
0x1bd: {  	s24 =	sadd.s32 $0x1, s9;
	v47 =	vor.u32 s28, v8;
	v41 =	vor.u32 s26, v8;
	v48 =	vld [tilespmem:s14+$0xD0];
	v31 =	vshrl.u32 v31, v12  }
0x1be: {  	v49 =	vor.u32 s24, v8;
	v33 =	vshrl.u32 v33, v11;
	v50 =	vand.u32 $0xFF, v31;
	v32 =	vld.idx.msk [tilespmem:v32+s5+$0x0], $0xffff  }
0x1bf: {  	v51 =	vmov s24;
	v52 =	vor.u32 s21, v8;
	v33 =	vand.u32 $0xFF, v33  }
0x1c0: {  	v44 =	vmov s17;
	v36 =	vmov s28;
	v31 =	vmov s10;
	v53 =	vld.idx.msk [tilespmem:v38+s15+$0x0], $0xffff  }
0x1c1: {  	v43 =	vmov s21;
	v35 =	vshrl.u32 v35, v22;
	v38 =	vshrl.u32 v39, v15;
	v54 =	vld.idx.msk [tilespmem:v40+s15+$0x0], $0xffff  }
0x1c2: {  	v55 =	vld.idx.msk [tilespmem:v41+s15+$0x0], $0xffff;
	v41 =	vand.u32 $0xFF, v35;
	v35 =	vshrl.u32 v42, v18;
	v48 =	vshrl.u32 v48, v19  }
0x1c3: {  	v39 =	vand.u32 $0xFF, v37;
	v40 =	vand.u32 $0xFF, v34;
	v42 =	vand.u32 $0xFF, v38;
	v50 =	vld.idx.msk [tilespmem:v50+s5+$0x0], $0xffff  }
0x1c4: {  	s7 =	sadd.s32 $0x4, s7;
	v27 =	vmul.f32 v27, v9;
	v9 =	vmovc v26;
	s14 =	sadd.s32 $0x400, s14;
	v38 =	vand.u32 $0xFF, v35;
	v37 =	vand.u32 $0xFF, v48;
	v33 =	vld.idx.msk [tilespmem:v33+s5+$0x0], $0xffff  }
0x1c5: {  	p1 =	slt.u32 s7, $0x3C;
	v29 =	vpack.i.f32.bf16 v29, v30;
	v30 =	vmul.f32 v32, v10;
	v10 =	vmov v25;
	v26 =	vld [tilespmem:s14+$0x100]  }
0x1c6: {  	v25 =	vshll.u32 v53, $0x3;
	v32 =	vld [tilespmem:s14+$0x180];
	[tilespmem:s2+$0xFFFFFFF0] =	vst v29  }
0x1c7: {  	v27 =	vpack.i.f32.bf16 v30, v27;
	v34 =	vand.u32 $0x18, v25;
	v25 =	vmov s25;
	v29 =	vld.idx.msk [tilespmem:v49+s15+$0x0], $0xffff  }
0x1c8: {  	v35 =	vmov s26;
	v48 =	vshll.u32 v55, $0x3;
	v30 =	vld.idx.msk [tilespmem:v45+s15+$0x0], $0xffff;
	v45 =	vshll.u32 v54, $0x3;
	[tilespmem:s2+$0x70] =	vst v27;
	s2 =	smov.u32 s13  }
0x1c9: {  	v27 =	vld.idx.msk [tilespmem:v46+s15+$0x0], $0xffff;
	v45 =	vand.u32 $0x18, v45;
	v46 =	vand.u32 $0x18, v48  }
0x1ca: {  	v48 =	vmul.f32 v50, v13;
	v33 =	vmul.f32 v33, v14;
	v47 =	vld.idx.msk [tilespmem:v47+s15+$0x0], $0xffff;
	v26 =	vshrl.u32 v26, v45  }
0x1cb: {  	v49 =	vld.idx.msk [tilespmem:v52+s15+$0x0], $0xffff;
	v32 =	vshrl.u32 v32, v46;
	v26 =	vand.u32 $0xFF, v26  }
0x1cc: {  	v25 =	vld.idx.msk [tilespmem:v25+s16+$0x0], $0xffff;
	v50 =	vand.u32 $0xFF, v32;
	v32 =	vpack.i.f32.bf16 v33, v48  }
0x1cd: {  	v29 =	vshll.u32 v29, $0x3;
	v48 =	vld.idx.msk [tilespmem:v35+s16+$0x0], $0xffff;
	[tilespmem:s13+$0xE0] =	vst v32  }
0x1ce: {  	v35 =	vand.u32 $0x18, v29;
	v29 =	vshll.u32 v30, $0x3;
	v52 =	vld [tilespmem:s6+$0x170]  }
0x1cf: {  	v33 =	vand.u32 $0x18, v29;
	v27 =	vshll.u32 v27, $0x3;
	v29 =	vld [tilespmem:s6+$0x1F0]  }
0x1d0: {  	v32 =	vand.u32 $0x18, v27;
	v27 =	vshll.u32 v47, $0x3;
	v26 =	vld.idx.msk [tilespmem:v26+s5+$0x0], $0xffff  }
0x1d1: {  	v30 =	vand.u32 $0x18, v27;
	v27 =	vshll.u32 v49, $0x3;
	v47 =	vld.idx.msk [tilespmem:v50+s5+$0x0], $0xffff  }
0x1d2: {  	v27 =	vand.u32 $0x18, v27;
	v49 =	vld [tilespmem:s14+$0xFFFFFE00]  }
0x1d3: {  	v50 =	vld [tilespmem:s14+$0xFFFFFE80];
	v52 =	vshrl.u32 v52, v12;
	v12 =	vmov v45  }
0x1d4: {  	v45 =	vld [tilespmem:s14+$0xFFFFFF00];
	v29 =	vshrl.u32 v29, v11;
	v52 =	vand.u32 $0xFF, v52;
	v11 =	vmov v46  }
0x1d5: {  	v46 =	vld [tilespmem:s14+$0xFFFFFF80];
	v29 =	vand.u32 $0xFF, v29  }
0x1d6: {  	v25 =	vshll.u32 v25, $0x10;
	v48 =	vshll.u32 v48, $0x10;
	v53 =	vld [tilespmem:s14+$0x0]  }
0x1d7: {  	v26 =	vmul.f32 v26, v25;
	v47 =	vmul.f32 v47, v48;
	v49 =	vshrl.u32 v49, v34;
	v54 =	vld [tilespmem:s14+$0x80]  }
0x1d8: {  	v51 =	vld.idx.msk [tilespmem:v51+s16+$0x0], $0xffff;
	v50 =	vshrl.u32 v50, v35;
	v49 =	vand.u32 $0xFF, v49  }
0x1d9: {  	s13 =	sadd.s32 $0x200, s13;
	v26 =	vpack.i.f32.bf16 v47, v26;
	v50 =	vand.u32 $0xFF, v50;
	v45 =	vshrl.u32 v45, v33;
	v47 =	vld.idx.msk [tilespmem:v52+s5+$0x0], $0xffff  }
0x1da: {  	v46 =	vshrl.u32 v46, v32;
	v45 =	vand.u32 $0xFF, v45;
	[tilespmem:s13+$0x80] =	vst v26;
	v26 =	vld.idx.msk [tilespmem:v29+s5+$0x0], $0xffff  }
0x1db: {  	v46 =	vand.u32 $0xFF, v46;
	v29 =	vshrl.u32 v53, v30;
	v52 =	vld [tilespmem:s14+$0x110]  }
0x1dc: {  	v53 =	vshrl.u32 v54, v27;
	v54 =	vand.u32 $0xFF, v29;
	v29 =	vld [tilespmem:s14+$0x190]  }
0x1dd: {  	v55 =	vld.idx.msk [tilespmem:v31+s16+$0x0], $0xffff;
	v53 =	vand.u32 $0xFF, v53  }
0x1de: {  	v31 =	vshll.u32 v51, $0x10;
	v44 =	vld.idx.msk [tilespmem:v44+s16+$0x0], $0xffff  }
0x1df: {  	v36 =	vld.idx.msk [tilespmem:v36+s16+$0x0], $0xffff  }
0x1e0: {  	v47 =	vmul.f32 v47, v13;
	v26 =	vmul.f32 v26, v14;
	v43 =	vld.idx.msk [tilespmem:v43+s16+$0x0], $0xffff;
	v51 =	vshrl.u32 v52, v12  }
0x1e1: {  	v13 =	vmovc v25;
	v14 =	vmov v48;
	v52 =	vld.idx.msk [tilespmem:v28+s16+$0x0], $0xffff;
	v28 =	vshrl.u32 v29, v11;
	v51 =	vand.u32 $0xFF, v51  }
0x1e2: {  	v25 =	vpack.i.f32.bf16 v26, v47;
	v48 =	vld.idx.msk [tilespmem:v50+s5+$0x0], $0xffff;
	v50 =	vand.u32 $0xFF, v28  }
0x1e3: {  	v29 =	vshll.u32 v55, $0x10;
	v45 =	vld.idx.msk [tilespmem:v45+s5+$0x0], $0xffff;
	[tilespmem:s2+$0xF0] =	vst v25  }
0x1e4: {  	v28 =	vshll.u32 v44, $0x10;
	v44 =	vld.idx.msk [tilespmem:v46+s5+$0x0], $0xffff  }
0x1e5: {  	v26 =	vshll.u32 v36, $0x10;
	v46 =	vld.idx.msk [tilespmem:v54+s5+$0x0], $0xffff  }
0x1e6: {  	v25 =	vshll.u32 v43, $0x10;
	v43 =	vld.idx.msk [tilespmem:v51+s5+$0x0], $0xffff  }
0x1e7: {  	v36 =	vshll.u32 v52, $0x10;
	v47 =	vld.idx.msk [tilespmem:v50+s5+$0x0], $0xffff  }
0x1e8: {  	v48 =	vmul.f32 v48, v31;
	v50 =	vld.idx.msk [tilespmem:v53+s5+$0x0], $0xffff  }
0x1e9: {  	v45 =	vmul.f32 v45, v29;
	v49 =	vld.idx.msk [tilespmem:v49+s5+$0x0], $0xffff  }
0x1ea: {  	v44 =	vmul.f32 v44, v28;
	v41 =	vld.idx.msk [tilespmem:v41+s5+$0x0], $0xffff  }
0x1eb: {  	v46 =	vmul.f32 v46, v26;
	v42 =	vld.idx.msk [tilespmem:v42+s5+$0x0], $0xffff  }
0x1ec: {  	v44 =	vpack.i.f32.bf16 v44, v45;
	v40 =	vld.idx.msk [tilespmem:v40+s5+$0x0], $0xffff  }
0x1ed: {  	v43 =	vmul.f32 v43, v13;
	[tilespmem:s13+$0xFFFFFF80] =	vst v44;
	v44 =	vmul.f32 v47, v14;
	v39 =	vld.idx.msk [tilespmem:v39+s5+$0x0], $0xffff  }
0x1ee: {  	v47 =	vmul.f32 v50, v25;
	v45 =	vld [tilespmem:s14+$0xFFFFFF10]  }
0x1ef: {  	v49 =	vmul.f32 v49, v36;
	v50 =	vld [tilespmem:s14+$0xFFFFFF90];
	v43 =	vpack.i.f32.bf16 v44, v43  }
0x1f0: {  	v44 =	vpack.i.f32.bf16 v47, v46;
	v41 =	vmul.f32 v41, v24;
	[tilespmem:s13+$0x90] =	vst v43;
	v38 =	vld.idx.msk [tilespmem:v38+s5+$0x0], $0xffff  }
0x1f1: {  	v43 =	vpack.i.f32.bf16 v48, v49;
	v42 =	vmul.f32 v42, v23;
	[tilespmem:s13+$0x0] =	vst v44;
	v44 =	vld [tilespmem:s14+$0x120]  }
0x1f2: {  	v40 =	vmul.f32 v40, v20;
	[tilespmem:s13+$0xFFFFFF00] =	vst v43;
	v43 =	vld [tilespmem:s14+$0x1A0]  }
0x1f3: {  	v41 =	vpack.i.f32.bf16 v42, v41;
	v39 =	vmul.f32 v39, v21;
	v46 =	vld [tilespmem:s14+$0xFFFFFE10];
	v45 =	vshrl.u32 v45, v33  }
0x1f4: {  	v42 =	vld [tilespmem:s14+$0xFFFFFE90];
	v47 =	vshrl.u32 v50, v32;
	v45 =	vand.u32 $0xFF, v45;
	[tilespmem:s2+$0xFFFFFF50] =	vst v41  }
0x1f5: {  	v39 =	vpack.i.f32.bf16 v39, v40;
	v41 =	vand.u32 $0xFF, v47;
	v47 =	vld [tilespmem:s14+$0x10]  }
0x1f6: {  	v38 =	vmul.f32 v38, v9;
	v40 =	vld [tilespmem:s14+$0x90];
	v44 =	vshrl.u32 v44, v12;
	[tilespmem:s2+$0xFFFFFFD0] =	vst v39  }
0x1f7: {  	v39 =	vshrl.u32 v43, v11;
	v43 =	vand.u32 $0xFF, v44;
	v37 =	vld.idx.msk [tilespmem:v37+s5+$0x0], $0xffff  }
0x1f8: {  	v44 =	vshrl.u32 v46, v34;
	v39 =	vand.u32 $0xFF, v39;
	v46 =	vld [tilespmem:s6+$0xFFFFFE60]  }
0x1f9: {  	v42 =	vshrl.u32 v42, v35;
	v44 =	vand.u32 $0xFF, v44;
	v45 =	vld.idx.msk [tilespmem:v45+s5+$0x0], $0xffff  }
0x1fa: {  	v42 =	vand.u32 $0xFF, v42;
	v41 =	vld.idx.msk [tilespmem:v41+s5+$0x0], $0xffff;
	v47 =	vshrl.u32 v47, v30  }
0x1fb: {  	v40 =	vshrl.u32 v40, v27;
	v47 =	vand.u32 $0xFF, v47;
	v48 =	vld [tilespmem:s6+$0xFFFFFEE0]  }
0x1fc: {  	v40 =	vand.u32 $0xFF, v40;
	v43 =	vld.idx.msk [tilespmem:v43+s5+$0x0], $0xffff  }
0x1fd: {  	v37 =	vmul.f32 v37, v10;
	v39 =	vld.idx.msk [tilespmem:v39+s5+$0x0], $0xffff;
	v46 =	vshrl.u32 v46, v22  }
0x1fe: {  	v44 =	vld.idx.msk [tilespmem:v44+s5+$0x0], $0xffff;
	v46 =	vand.u32 $0xFF, v46  }
0x1ff: {  	v45 =	vmul.f32 v45, v29;
	v37 =	vpack.i.f32.bf16 v37, v38;
	v42 =	vld.idx.msk [tilespmem:v42+s5+$0x0], $0xffff  }
0x200: {  	v38 =	vmul.f32 v41, v28;
	v41 =	vld.idx.msk [tilespmem:v47+s5+$0x0], $0xffff;
	v47 =	vshrl.u32 v48, v15;
	[tilespmem:s2+$0x50] =	vst v37  }
0x201: {  	v37 =	vld.idx.msk [tilespmem:v40+s5+$0x0], $0xffff;
	v40 =	vand.u32 $0xFF, v47  }
0x202: {  	v38 =	vpack.i.f32.bf16 v38, v45;
	v45 =	vld [tilespmem:s6+$0xFFFFFF60]  }
0x203: {  	v39 =	vmul.f32 v39, v14;
	[tilespmem:s13+$0xFFFFFF90] =	vst v38;
	v38 =	vmul.f32 v43, v13;
	v43 =	vld [tilespmem:s6+$0xFFFFFFE0]  }
0x204: {  	v44 =	vmul.f32 v44, v36;
	v47 =	vld [tilespmem:s14+$0xFFFFFF20]  }
0x205: {  	v42 =	vmul.f32 v42, v31;
	v48 =	vld [tilespmem:s14+$0xFFFFFFA0];
	v38 =	vpack.i.f32.bf16 v39, v38  }
0x206: {  	v39 =	vmul.f32 v41, v26;
	[tilespmem:s13+$0xA0] =	vst v38;
	v38 =	vld [tilespmem:s6+$0x60]  }
0x207: {  	v41 =	vpack.i.f32.bf16 v42, v44;
	v37 =	vmul.f32 v37, v25;
	v42 =	vld [tilespmem:s14+$0x130];
	v44 =	vshrl.u32 v45, v17  }
0x208: {  	[tilespmem:s13+$0xFFFFFF10] =	vst v41;
	v41 =	vld [tilespmem:s14+$0x1B0];
	v43 =	vshrl.u32 v43, v16;
	v44 =	vand.u32 $0xFF, v44  }
0x209: {  	v37 =	vpack.i.f32.bf16 v37, v39;
	v45 =	vld [tilespmem:s14+$0xFFFFFE20];
	v47 =	vshrl.u32 v47, v33;
	v39 =	vand.u32 $0xFF, v43  }
0x20a: {  	v43 =	vld [tilespmem:s14+$0xFFFFFEA0];
	v48 =	vshrl.u32 v48, v32;
	v47 =	vand.u32 $0xFF, v47;
	[tilespmem:s13+$0x10] =	vst v37  }
0x20b: {  	v37 =	vand.u32 $0xFF, v48;
	v48 =	vld [tilespmem:s14+$0x20];
	v38 =	vshrl.u32 v38, v18  }
0x20c: {  	v49 =	vld [tilespmem:s14+$0xA0];
	v42 =	vshrl.u32 v42, v12;
	v38 =	vand.u32 $0xFF, v38  }
0x20d: {  	v41 =	vshrl.u32 v41, v11;
	v42 =	vand.u32 $0xFF, v42;
	v50 =	vld [tilespmem:s6+$0xE0]  }
0x20e: {  	v45 =	vshrl.u32 v45, v34;
	v41 =	vand.u32 $0xFF, v41;
	v46 =	vld.idx.msk [tilespmem:v46+s5+$0x0], $0xffff  }
0x20f: {  	v43 =	vshrl.u32 v43, v35;
	v45 =	vand.u32 $0xFF, v45;
	v47 =	vld.idx.msk [tilespmem:v47+s5+$0x0], $0xffff  }
0x210: {  	v43 =	vand.u32 $0xFF, v43;
	v37 =	vld.idx.msk [tilespmem:v37+s5+$0x0], $0xffff;
	v48 =	vshrl.u32 v48, v30  }
0x211: {  	v49 =	vshrl.u32 v49, v27;
	v48 =	vand.u32 $0xFF, v48;
	v40 =	vld.idx.msk [tilespmem:v40+s5+$0x0], $0xffff  }
0x212: {  	v49 =	vand.u32 $0xFF, v49;
	v42 =	vld.idx.msk [tilespmem:v42+s5+$0x0], $0xffff;
	v50 =	vshrl.u32 v50, v19  }
0x213: {  	v41 =	vld.idx.msk [tilespmem:v41+s5+$0x0], $0xffff;
	v50 =	vand.u32 $0xFF, v50  }
0x214: {  	v46 =	vmul.f32 v46, v24;
	v45 =	vld.idx.msk [tilespmem:v45+s5+$0x0], $0xffff  }
0x215: {  	v47 =	vmul.f32 v47, v29;
	v43 =	vld.idx.msk [tilespmem:v43+s5+$0x0], $0xffff  }
0x216: {  	v37 =	vmul.f32 v37, v28;
	v48 =	vld.idx.msk [tilespmem:v48+s5+$0x0], $0xffff  }
0x217: {  	v40 =	vmul.f32 v40, v23;
	v49 =	vld.idx.msk [tilespmem:v49+s5+$0x0], $0xffff  }
0x218: {  	v37 =	vpack.i.f32.bf16 v37, v47;
	v44 =	vld.idx.msk [tilespmem:v44+s5+$0x0], $0xffff  }
0x219: {  	v41 =	vmul.f32 v41, v14;
	[tilespmem:s13+$0xFFFFFFA0] =	vst v37;
	v37 =	vmul.f32 v42, v13;
	v39 =	vld.idx.msk [tilespmem:v39+s5+$0x0], $0xffff  }
0x21a: {  	v40 =	vpack.i.f32.bf16 v40, v46;
	v42 =	vmul.f32 v45, v36;
	v45 =	vld [tilespmem:s14+$0xFFFFFF30]  }
0x21b: {  	v43 =	vmul.f32 v43, v31;
	v46 =	vld [tilespmem:s14+$0xFFFFFFB0];
	v37 =	vpack.i.f32.bf16 v41, v37;
	[tilespmem:s2+$0xFFFFFF60] =	vst v40  }
0x21c: {  	v40 =	vmul.f32 v48, v26;
	[tilespmem:s13+$0xB0] =	vst v37;
	v37 =	vld.idx.msk [tilespmem:v38+s5+$0x0], $0xffff  }
0x21d: {  	v38 =	vpack.i.f32.bf16 v43, v42;
	v41 =	vmul.f32 v49, v25;
	v42 =	vld [tilespmem:s14+$0x140]  }
0x21e: {  	v43 =	vmul.f32 v44, v20;
	[tilespmem:s13+$0xFFFFFF20] =	vst v38;
	v38 =	vld [tilespmem:s14+$0x1C0]  }
0x21f: {  	v40 =	vpack.i.f32.bf16 v41, v40;
	v39 =	vmul.f32 v39, v21;
	v44 =	vld [tilespmem:s14+$0xFFFFFE30];
	v45 =	vshrl.u32 v45, v33  }
0x220: {  	v41 =	vld [tilespmem:s14+$0xFFFFFEB0];
	v46 =	vshrl.u32 v46, v32;
	v45 =	vand.u32 $0xFF, v45;
	[tilespmem:s13+$0x20] =	vst v40  }
0x221: {  	v39 =	vpack.i.f32.bf16 v39, v43;
	v40 =	vand.u32 $0xFF, v46;
	v46 =	vld [tilespmem:s14+$0x30]  }
0x222: {  	v37 =	vmul.f32 v37, v9;
	v43 =	vld [tilespmem:s14+$0xB0];
	v42 =	vshrl.u32 v42, v12;
	[tilespmem:s2+$0xFFFFFFE0] =	vst v39  }
0x223: {  	v38 =	vshrl.u32 v38, v11;
	v39 =	vand.u32 $0xFF, v42;
	v42 =	vld.idx.msk [tilespmem:v50+s5+$0x0], $0xffff  }
0x224: {  	v44 =	vshrl.u32 v44, v34;
	v38 =	vand.u32 $0xFF, v38;
	v47 =	vld [tilespmem:s6+$0xFFFFFE70]  }
0x225: {  	v41 =	vshrl.u32 v41, v35;
	v44 =	vand.u32 $0xFF, v44;
	v45 =	vld.idx.msk [tilespmem:v45+s5+$0x0], $0xffff  }
0x226: {  	v41 =	vand.u32 $0xFF, v41;
	v40 =	vld.idx.msk [tilespmem:v40+s5+$0x0], $0xffff;
	v46 =	vshrl.u32 v46, v30  }
0x227: {  	v43 =	vshrl.u32 v43, v27;
	v46 =	vand.u32 $0xFF, v46;
	v48 =	vld [tilespmem:s6+$0xFFFFFEF0]  }
0x228: {  	v43 =	vand.u32 $0xFF, v43;
	v39 =	vld.idx.msk [tilespmem:v39+s5+$0x0], $0xffff  }
0x229: {  	v42 =	vmul.f32 v42, v10;
	v38 =	vld.idx.msk [tilespmem:v38+s5+$0x0], $0xffff;
	v47 =	vshrl.u32 v47, v22;
	v22 =	vmov v34  }
0x22a: {  	v34 =	vld.idx.msk [tilespmem:v44+s5+$0x0], $0xffff;
	v44 =	vand.u32 $0xFF, v47  }
0x22b: {  	v45 =	vmul.f32 v45, v29;
	v37 =	vpack.i.f32.bf16 v42, v37;
	v41 =	vld.idx.msk [tilespmem:v41+s5+$0x0], $0xffff  }
0x22c: {  	v40 =	vmul.f32 v40, v28;
	v42 =	vld.idx.msk [tilespmem:v46+s5+$0x0], $0xffff;
	v46 =	vshrl.u32 v48, v15;
	[tilespmem:s2+$0x60] =	vst v37;
	v15 =	vmov v35  }
0x22d: {  	v35 =	vld.idx.msk [tilespmem:v43+s5+$0x0], $0xffff;
	v37 =	vand.u32 $0xFF, v46  }
0x22e: {  	v40 =	vpack.i.f32.bf16 v40, v45;
	v43 =	vld [tilespmem:s6+$0xFFFFFF70]  }
0x22f: {  	v39 =	vmul.f32 v39, v13;
	v38 =	vmul.f32 v38, v14;
	[tilespmem:s13+$0xFFFFFFB0] =	vst v40;
	v40 =	vld [tilespmem:s6+$0xFFFFFFF0]  }
0x230: {  	v34 =	vmul.f32 v34, v36;
	v45 =	vld [tilespmem:s14+$0xFFFFFF40]  }
0x231: {  	v41 =	vmul.f32 v41, v31;
	v38 =	vpack.i.f32.bf16 v38, v39;
	v46 =	vld [tilespmem:s14+$0xFFFFFFC0]  }
0x232: {  	v39 =	vmul.f32 v42, v26;
	[tilespmem:s13+$0xC0] =	vst v38;
	v38 =	vld [tilespmem:s6+$0x70]  }
0x233: {  	v34 =	vpack.i.f32.bf16 v41, v34;
	v35 =	vmul.f32 v35, v25;
	v41 =	vld [tilespmem:s14+$0x150];
	v42 =	vshrl.u32 v43, v17;
	v17 =	vmovc v33  }
0x234: {  	[tilespmem:s13+$0xFFFFFF30] =	vst v34;
	v33 =	vld [tilespmem:s14+$0x1D0];
	v34 =	vshrl.u32 v40, v16;
	v40 =	vand.u32 $0xFF, v42;
	v16 =	vmov v32  }
0x235: {  	v35 =	vpack.i.f32.bf16 v35, v39;
	v32 =	vld [tilespmem:s14+$0xFFFFFE40];
	v42 =	vshrl.u32 v45, v17;
	v34 =	vand.u32 $0xFF, v34  }
0x236: {  	v39 =	vld [tilespmem:s14+$0xFFFFFEC0];
	v43 =	vshrl.u32 v46, v16;
	v42 =	vand.u32 $0xFF, v42;
	[tilespmem:s13+$0x30] =	vst v35  }
0x237: {  	v35 =	vand.u32 $0xFF, v43;
	v43 =	vld [tilespmem:s14+$0x40];
	v38 =	vshrl.u32 v38, v18;
	v18 =	vmov v30  }
0x238: {  	v30 =	vld [tilespmem:s14+$0xC0];
	v41 =	vshrl.u32 v41, v12;
	v38 =	vand.u32 $0xFF, v38  }
0x239: {  	v33 =	vshrl.u32 v33, v11;
	v41 =	vand.u32 $0xFF, v41;
	v45 =	vld [tilespmem:s6+$0xF0];
	s6 =	smov.u32 s14  }
0x23a: {  	v32 =	vshrl.u32 v32, v22;
	v33 =	vand.u32 $0xFF, v33;
	v44 =	vld.idx.msk [tilespmem:v44+s5+$0x0], $0xffff  }
0x23b: {  	v39 =	vshrl.u32 v39, v15;
	v46 =	vand.u32 $0xFF, v32;
	v42 =	vld.idx.msk [tilespmem:v42+s5+$0x0], $0xffff  }
0x23c: {  	v39 =	vand.u32 $0xFF, v39;
	v35 =	vld.idx.msk [tilespmem:v35+s5+$0x0], $0xffff;
	v32 =	vshrl.u32 v43, v18  }
0x23d: {  	v30 =	vshrl.u32 v30, v27;
	v43 =	vand.u32 $0xFF, v32;
	v37 =	vld.idx.msk [tilespmem:v37+s5+$0x0], $0xffff  }
0x23e: {  	v30 =	vand.u32 $0xFF, v30;
	v41 =	vld.idx.msk [tilespmem:v41+s5+$0x0], $0xffff;
	v32 =	vshrl.u32 v45, v19;
	v19 =	vmov v27  }
0x23f: {  	v27 =	vld.idx.msk [tilespmem:v33+s5+$0x0], $0xffff;
	v32 =	vand.u32 $0xFF, v32  }
0x240: {  	v44 =	vmul.f32 v44, v24;
	v24 =	vmov v36;
	v33 =	vld.idx.msk [tilespmem:v46+s5+$0x0], $0xffff  }
0x241: {  	v36 =	vld.idx.msk [tilespmem:v39+s5+$0x0], $0xffff;
	v39 =	vmul.f32 v42, v29  }
0x242: {  	v35 =	vmul.f32 v35, v28;
	v42 =	vld.idx.msk [tilespmem:v43+s5+$0x0], $0xffff  }
0x243: {  	v37 =	vmul.f32 v37, v23;
	v23 =	vmov v31;
	v30 =	vld.idx.msk [tilespmem:v30+s5+$0x0], $0xffff  }
0x244: {  	v31 =	vpack.i.f32.bf16 v35, v39;
	v35 =	vld.idx.msk [tilespmem:v40+s5+$0x0], $0xffff  }
0x245: {  	v27 =	vmul.f32 v27, v14;
	[tilespmem:s13+$0xFFFFFFC0] =	vst v31;
	v31 =	vmul.f32 v41, v13;
	v39 =	vld.idx.msk [tilespmem:v34+s5+$0x0], $0xffff  }
0x246: {  	v40 =	vpack.i.f32.bf16 v37, v44;
	v33 =	vmul.f32 v33, v24;
	v34 =	vld [tilespmem:s14+$0xFFFFFF50]  }
.Ltmp1:
0x247: {  	v36 =	vmul.f32 v36, v23;
	v37 =	vld [tilespmem:s14+$0xFFFFFFD0];
	v27 =	vpack.i.f32.bf16 v27, v31;
	[tilespmem:s2+$0xFFFFFF70] =	vst v40;
	(pc) =	sbr.rel @p1 .LBB2_5-.Ltmp1, $4  }
0x248: {  	v40 =	vmul.f32 v42, v26;
	[tilespmem:s13+$0xD0] =	vst v27;
	v27 =	vld.idx.msk [tilespmem:v38+s5+$0x0], $0xffff  }
0x249: {  	v33 =	vpack.i.f32.bf16 v36, v33;
	v36 =	vmul.f32 v30, v25;
	v31 =	vld [tilespmem:s14+$0x160]  }
0x24a: {  	v30 =	vmul.f32 v35, v20;
	v20 =	vmov v29;
	[tilespmem:s13+$0xFFFFFF40] =	vst v33;
	v33 =	vld [tilespmem:s14+$0x1E0]  }
0x24b: {  	s9 =	sadd.s32 $0x8, s9;
	v36 =	vpack.i.f32.bf16 v36, v40;
	v29 =	vmul.f32 v39, v21;
	v21 =	vmovc v28;
	v35 =	vld [tilespmem:s14+$0xFFFFFE50];
	v34 =	vshrl.u32 v34, v17  }
0x24c: {  	v8 =	vld [tilespmem:s14+$0xFFFFFED0];
	_ =	sdelay $0x1  }
0x24d: {  	[tilespmem:s13+$0x40] =	vst v36  }
0x24e: {  	v28 =	vld [tilespmem:s14+$0x50]  }
0x24f: {  	v36 =	vld [tilespmem:s14+$0xD0];
	v35 =	vshrl.u32 v35, v22  }
0x250: {  	v8 =	vshrl.u32 v8, v15;
	v35 =	vand.u32 $0xFF, v35  }
0x251: {  	v8 =	vand.u32 $0xFF, v8  }
0x252: {  	v37 =	vshrl.u32 v37, v16;
	v34 =	vand.u32 $0xFF, v34  }
0x253: {  	v37 =	vand.u32 $0xFF, v37;
	v28 =	vshrl.u32 v28, v18  }
0x254: {  	v36 =	vshrl.u32 v36, v19;
	v28 =	vand.u32 $0xFF, v28  }
0x255: {  	v36 =	vand.u32 $0xFF, v36;
	v35 =	vld.idx.msk [tilespmem:v35+s5+$0x0], $0xffff  }
0x256: {  	v8 =	vld.idx.msk [tilespmem:v8+s5+$0x0], $0xffff  }
0x257: {  	v34 =	vld.idx.msk [tilespmem:v34+s5+$0x0], $0xffff  }
0x258: {  	v37 =	vld.idx.msk [tilespmem:v37+s5+$0x0], $0xffff  }
0x259: {  	v28 =	vld.idx.msk [tilespmem:v28+s5+$0x0], $0xffff  }
0x25a: {  	v36 =	vld.idx.msk [tilespmem:v36+s5+$0x0], $0xffff  }
0x25b: {  	v35 =	vmul.f32 v35, v24;
	v8 =	vmul.f32 v8, v23;
	_ =	sdelay $0x1  }
0x25c: {  	v34 =	vmul.f32 v34, v20;
	v43 =	vmul.f32 v37, v21;
	v8 =	vpack.i.f32.bf16 v8, v35  }
0x25d: {  	[tilespmem:s13+$0xFFFFFF50] =	vst v8  }
0x25e: {  	v28 =	vmul.f32 v28, v26;
	v45 =	vmul.f32 v36, v25;
	v8 =	vpack.i.f32.bf16 v43, v34;
	v44 =	vld [tilespmem:s6+$0xFFFFFE60]  }
0x25f: {  	[tilespmem:s13+$0xFFFFFFD0] =	vst v8;
	v8 =	vld [tilespmem:s6+$0xFFFFFEE0]  }
0x260: {  	v31 =	vshrl.u32 v31, v12;
	v28 =	vpack.i.f32.bf16 v45, v28;
	v46 =	vld [tilespmem:s6+$0xFFFFFF60]  }
0x261: {  	v33 =	vshrl.u32 v33, v11;
	v31 =	vand.u32 $0xFF, v31;
	[tilespmem:s13+$0x50] =	vst v28;
	v28 =	vld [tilespmem:s6+$0xFFFFFFE0]  }
0x262: {  	v33 =	vand.u32 $0xFF, v33;
	v47 =	vld [tilespmem:s6+$0x60]  }
0x263: {  	v48 =	vld [tilespmem:s6+$0xE0];
	v34 =	vshrl.u32 v44, v22  }
0x264: {  	v8 =	vshrl.u32 v8, v15;
	v34 =	vand.u32 $0xFF, v34  }
0x265: {  	v8 =	vand.u32 $0xFF, v8;
	v35 =	vshrl.u32 v46, v17  }
0x266: {  	v31 =	vld.idx.msk [tilespmem:v31+s5+$0x0], $0xffff;
	v28 =	vshrl.u32 v28, v16;
	v35 =	vand.u32 $0xFF, v35  }
0x267: {  	v33 =	vld.idx.msk [tilespmem:v33+s5+$0x0], $0xffff;
	v36 =	vshrl.u32 v47, v18;
	v28 =	vand.u32 $0xFF, v28  }
0x268: {  	v37 =	vshrl.u32 v48, v19;
	v36 =	vand.u32 $0xFF, v36  }
0x269: {  	v37 =	vand.u32 $0xFF, v37;
	v34 =	vld.idx.msk [tilespmem:v34+s5+$0x0], $0xffff  }
0x26a: {  	v8 =	vld.idx.msk [tilespmem:v8+s5+$0x0], $0xffff  }
0x26b: {  	v35 =	vld.idx.msk [tilespmem:v35+s5+$0x0], $0xffff  }
0x26c: {  	v31 =	vmul.f32 v31, v13;
	v33 =	vmul.f32 v33, v14;
	v28 =	vld.idx.msk [tilespmem:v28+s5+$0x0], $0xffff  }
0x26d: {  	v36 =	vld.idx.msk [tilespmem:v36+s5+$0x0], $0xffff  }
0x26e: {  	v31 =	vpack.i.f32.bf16 v33, v31;
	v37 =	vld.idx.msk [tilespmem:v37+s5+$0x0], $0xffff  }
0x26f: {  	[tilespmem:s13+$0xE0] =	vst v31;
	v49 =	vmul.f32 v34, v24;
	v8 =	vmul.f32 v8, v23  }
0x270: {  	v31 =	vld [tilespmem:s6+$0x170]  }
0x271: {  	v51 =	vld [tilespmem:s6+$0x1F0];
	v50 =	vmul.f32 v35, v20;
	v28 =	vmul.f32 v28, v21;
	v8 =	vpack.i.f32.bf16 v8, v49  }
0x272: {  	[tilespmem:s13+$0xFFFFFF60] =	vst v8  }
0x273: {  	v53 =	vmul.f32 v37, v25;
	v8 =	vpack.i.f32.bf16 v28, v50;
	v28 =	vmul.f32 v36, v26;
	v52 =	vld [tilespmem:s6+$0xFFFFFE70]  }
0x274: {  	[tilespmem:s13+$0xFFFFFFE0] =	vst v8;
	v8 =	vld [tilespmem:s6+$0xFFFFFEF0]  }
0x275: {  	v12 =	vshrl.u32 v31, v12;
	v28 =	vpack.i.f32.bf16 v53, v28;
	v54 =	vld [tilespmem:s6+$0xFFFFFF70]  }
0x276: {  	v11 =	vshrl.u32 v51, v11;
	v12 =	vand.u32 $0xFF, v12;
	[tilespmem:s13+$0x60] =	vst v28;
	v28 =	vld [tilespmem:s6+$0xFFFFFFF0]  }
0x277: {  	v11 =	vand.u32 $0xFF, v11;
	v31 =	vld [tilespmem:s6+$0x70]  }
0x278: {  	v55 =	vld [tilespmem:s6+$0xF0];
	v22 =	vshrl.u32 v52, v22  }
0x279: {  	v8 =	vshrl.u32 v8, v15;
	v22 =	vand.u32 $0xFF, v22  }
0x27a: {  	v8 =	vand.u32 $0xFF, v8;
	v15 =	vshrl.u32 v54, v17  }
0x27b: {  	v12 =	vld.idx.msk [tilespmem:v12+s5+$0x0], $0xffff;
	v16 =	vshrl.u32 v28, v16;
	v15 =	vand.u32 $0xFF, v15  }
0x27c: {  	v11 =	vld.idx.msk [tilespmem:v11+s5+$0x0], $0xffff;
	v16 =	vand.u32 $0xFF, v16;
	v18 =	vshrl.u32 v31, v18  }
0x27d: {  	v17 =	vld.idx.msk [tilespmem:v32+s5+$0x0], $0xffff;
	v19 =	vshrl.u32 v55, v19;
	v18 =	vand.u32 $0xFF, v18  }
0x27e: {  	v19 =	vand.u32 $0xFF, v19;
	v22 =	vld.idx.msk [tilespmem:v22+s5+$0x0], $0xffff  }
0x27f: {  	v8 =	vld.idx.msk [tilespmem:v8+s5+$0x0], $0xffff  }
0x280: {  	v15 =	vld.idx.msk [tilespmem:v15+s5+$0x0], $0xffff  }
0x281: {  	v16 =	vld.idx.msk [tilespmem:v16+s5+$0x0], $0xffff  }
0x282: {  	v18 =	vld.idx.msk [tilespmem:v18+s5+$0x0], $0xffff  }
0x283: {  	v19 =	vld.idx.msk [tilespmem:v19+s5+$0x0], $0xffff  }
0x284: {  	v9 =	vmul.f32 v27, v9;
	v10 =	vmul.f32 v17, v10  }
0x285: {  	v12 =	vmul.f32 v12, v13;
	v11 =	vmul.f32 v11, v14;
	v17 =	vpack.i.f32.bf16 v29, v30  }
0x286: {  	[tilespmem:s2+$0xFFFFFFF0] =	vst v17;
	v9 =	vpack.i.f32.bf16 v10, v9;
	v10 =	vmul.f32 v22, v24;
	v8 =	vmul.f32 v8, v23  }
0x287: {  	[tilespmem:s2+$0x70] =	vst v9;
	v9 =	vpack.i.f32.bf16 v11, v12;
	v11 =	vmul.f32 v15, v20;
	v12 =	vmul.f32 v16, v21  }
0x288: {  	s10 =	sshll.u32 s30, $0x13;
	[tilespmem:s13+$0xF0] =	vst v9;
	v8 =	vpack.i.f32.bf16 v8, v10;
	v9 =	vmul.f32 v18, v26;
	v10 =	vmul.f32 v19, v25  }
0x289: {  	s2 =	sor.u32 s8, s10;
	[tilespmem:s13+$0xFFFFFF70] =	vst v8;
	v8 =	vpack.i.f32.bf16 v12, v11  }
0x28a: {  	s2 =	sshrl.u32 s2, $0x3;
	[tilespmem:s13+$0xFFFFFFF0] =	vst v8;
	v8 =	vpack.i.f32.bf16 v10, v9  }
0x28b: {  	p1 =	seq.s32 s30, $0x18;
	s2 =	sadd.s32 s4, s2;
	[tilespmem:s13+$0x70] =	vst v8;
	s13 =	simm.s32 $0xFA00  }
0x28c: {  	[hbm4b:s2+s5] =	stream.linear.scatter [tilespmem:s13], [sflag:$0x5], $0x2000, $0x38;
	[tilespmem:$0x13A00] =	vst v63  }
0x28d: {  	s2 =	sshll.u32 @!p1 s30, $0x8  }
0x28e: {  	s7 =	simm.s32 @!p1 $0x80;
	s9 =	simm.s32 @!p1 $0x7900;
	s6 =	sadd.s32 @!p1 $0x5E00, s2  }
0x28f: {  	[tilespmem:s9], [sflag:$0x1] =	stream.indirect.gather @!p1 [hbm4b:s3+s7], $0x80, s6, s7, $0xb8;
	[tilespmem:$0x13A00] =	vst v63  }
0x290: {  	s2 =	sadd.s32 @!p1 $0x4200, s2;
	s6 =	simm.s32 @!p1 $0xF900  }
0x291: {  	[tilespmem:s6], [sflag:$0x3] =	stream.indirect.gather @!p1 [hbm4b:s1+s7], $0x1, s2, s7, $0xb8;
	[tilespmem:$0x13A00] =	vst v63  }
0x292: {  	_ =	swait.ge [sflag:s22], $0x4000  }
0x293: {  	[sflag:s22] =	ssyncset.done $0x0  }
0x294: {  	[sflag:s22] =	ssyncadd.s32 $0xFFFFC000  }
0x295: {  	s14 =	simm.s32 $0x6;
	v8 =	vmov s0;
	_ =	swait.ge [sflag:s23], $0x80  }
0x296: {  	s17 =	simm.s32 $0x7;
	v9 =	vor.u32 s14, v8;
	[sflag:s23] =	ssyncset.done $0x0  }
0x297: {  	v10 =	vor.u32 s17, v8;
	s6 =	simm.s32 @!p0 $0x6;
	[sflag:s23] =	ssyncadd.s32 $0xFFFFFF80  }
0x298: {  	_ =	swait.ge @!p0 [sflag:s6], $0x2000  }
0x299: {  	[sflag:s6] =	ssyncset.done @!p0 $0x0  }
0x29a: {  	[sflag:s6] =	ssyncadd.s32 @!p0 $0xFFFFE000  }
0x29b: {  	v9 =	vld.idx.msk [tilespmem:v9+s15+$0x0], $0xffff  }
0x29c: {  	s6 =	simm.s32 $0xBB00;
	v10 =	vld.idx.msk [tilespmem:v10+s15+$0x0], $0xffff  }
0x29d: {  	v11 =	vld [tilespmem:s6+$0x100]  }
0x29e: {  	v12 =	vld [tilespmem:s6+$0x180]  }
0x29f: {  	s21 =	simm.s32 $0x0  }
0x2a0: {  	v15 =	vor.u32 s21, v8;
	v9 =	vshll.u32 v9, $0x3  }
0x2a1: {  	v16 =	vmov s14;
	v10 =	vshll.u32 v10, $0x3;
	v13 =	vand.u32 $0x18, v9  }
0x2a2: {  	v9 =	vmov s17;
	v14 =	vand.u32 $0x18, v10;
	v10 =	vshrl.u32 v11, v13  }
0x2a3: {  	v11 =	vshrl.u32 v12, v14;
	v10 =	vand.u32 $0xFF, v10  }
0x2a4: {  	s25 =	simm.s32 $0x2;
	v11 =	vand.u32 $0xFF, v11  }
0x2a5: {  	s10 =	simm.s32 $0x3;
	v17 =	vor.u32 s25, v8;
	v15 =	vld.idx.msk [tilespmem:v15+s15+$0x0], $0xffff  }
0x2a6: {  	s26 =	simm.s32 $0x4;
	v18 =	vor.u32 s10, v8;
	v16 =	vld.idx.msk [tilespmem:v16+s18+$0x0], $0xffff  }
0x2a7: {  	v19 =	vor.u32 s26, v8;
	v9 =	vld.idx.msk [tilespmem:v9+s18+$0x0], $0xffff  }
0x2a8: {  	v10 =	vld.idx.msk [tilespmem:v10+s5+$0x0], $0xffff  }
0x2a9: {  	s24 =	simm.s32 $0x1;
	v11 =	vld.idx.msk [tilespmem:v11+s5+$0x0], $0xffff  }
0x2aa: {  	s28 =	simm.s32 $0x5;
	v17 =	vld.idx.msk [tilespmem:v17+s15+$0x0], $0xffff;
	v12 =	vor.u32 s24, v8  }
0x2ab: {  	v20 =	vor.u32 s28, v8;
	v18 =	vld.idx.msk [tilespmem:v18+s15+$0x0], $0xffff  }
0x2ac: {  	v19 =	vld.idx.msk [tilespmem:v19+s15+$0x0], $0xffff  }
0x2ad: {  	v26 =	vld [tilespmem:s6+$0xFFFFFF80];
	v27 =	vshll.u32 v16, $0x10;
	v28 =	vshll.u32 v9, $0x10  }
0x2ae: {  	v56 =	vld [tilespmem:s6+$0x0];
	v10 =	vmul.f32 v10, v27;
	v11 =	vmul.f32 v11, v28  }
0x2af: {  	v24 =	vmov s21;
	v12 =	vld.idx.msk [tilespmem:v12+s15+$0x0], $0xffff  }
0x2b0: {  	s0 =	simm.s32 $0x11B00;
	v9 =	vld.idx.msk [tilespmem:v20+s15+$0x0], $0xffff;
	v10 =	vpack.i.f32.bf16 v11, v10  }
0x2b1: {  	v22 =	vmov s25;
	v20 =	vld [tilespmem:s6+$0xFFFFFE80];
	[tilespmem:s0+$0x80] =	vst v10  }
0x2b2: {  	v30 =	vmov s28;
	v15 =	vshll.u32 v15, $0x3;
	v21 =	vld [tilespmem:s6+$0x110]  }
0x2b3: {  	v25 =	vmov s10;
	v38 =	vand.u32 $0x18, v15;
	v15 =	vshll.u32 v17, $0x3;
	v23 =	vld [tilespmem:s6+$0x190]  }
0x2b4: {  	v24 =	vld.idx.msk [tilespmem:v24+s18+$0x0], $0xffff;
	v19 =	vshll.u32 v19, $0x3;
	v32 =	vand.u32 $0x18, v15;
	v15 =	vshll.u32 v18, $0x3  }
0x2b5: {  	v34 =	vand.u32 $0x18, v19;
	v33 =	vand.u32 $0x18, v15;
	v12 =	vshll.u32 v12, $0x3;
	v11 =	vld [tilespmem:s6+$0xFFFFFF00]  }
0x2b6: {  	v18 =	vld.idx.msk [tilespmem:v22+s18+$0x0], $0xffff;
	v22 =	vshrl.u32 v26, v33;
	v37 =	vand.u32 $0x18, v12;
	v10 =	vmov s24  }
0x2b7: {  	v16 =	vld [tilespmem:s6+$0xFFFFFE00];
	v19 =	vshrl.u32 v20, v37;
	v20 =	vand.u32 $0xFF, v22;
	v12 =	vshrl.u32 v21, v13  }
0x2b8: {  	v17 =	vld [tilespmem:s6+$0x80];
	v21 =	vshrl.u32 v23, v14;
	v12 =	vand.u32 $0xFF, v12  }
0x2b9: {  	v15 =	vld.idx.msk [tilespmem:v25+s18+$0x0], $0xffff;
	v21 =	vand.u32 $0xFF, v21  }
0x2ba: {  	v29 =	vmov s26;
	v22 =	vld.idx.msk [tilespmem:v30+s18+$0x0], $0xffff;
	v11 =	vshrl.u32 v11, v32  }
0x2bb: {  	v10 =	vld.idx.msk [tilespmem:v10+s18+$0x0], $0xffff;
	v11 =	vand.u32 $0xFF, v11  }
0x2bc: {  	v16 =	vshrl.u32 v16, v38;
	v9 =	vshll.u32 v9, $0x3;
	v19 =	vand.u32 $0xFF, v19;
	v20 =	vld.idx.msk [tilespmem:v20+s5+$0x0], $0xffff  }
0x2bd: {  	v31 =	vand.u32 $0x18, v9;
	v9 =	vand.u32 $0xFF, v16;
	v16 =	vshrl.u32 v56, v34;
	v12 =	vld.idx.msk [tilespmem:v12+s5+$0x0], $0xffff  }
0x2be: {  	v17 =	vshrl.u32 v17, v31;
	v16 =	vand.u32 $0xFF, v16;
	v21 =	vld.idx.msk [tilespmem:v21+s5+$0x0], $0xffff  }
0x2bf: {  	v17 =	vand.u32 $0xFF, v17;
	v23 =	vld.idx.msk [tilespmem:v29+s18+$0x0], $0xffff  }
0x2c0: {  	v11 =	vld.idx.msk [tilespmem:v11+s5+$0x0], $0xffff  }
0x2c1: {  	v19 =	vld.idx.msk [tilespmem:v19+s5+$0x0], $0xffff  }
0x2c2: {  	v9 =	vld.idx.msk [tilespmem:v9+s5+$0x0], $0xffff  }
0x2c3: {  	v16 =	vld.idx.msk [tilespmem:v16+s5+$0x0], $0xffff;
	v12 =	vmul.f32 v12, v27;
	v21 =	vmul.f32 v21, v28  }
0x2c4: {  	v30 =	vshll.u32 v18, $0x10;
	v29 =	vshll.u32 v15, $0x10;
	v15 =	vld.idx.msk [tilespmem:v17+s5+$0x0], $0xffff  }
0x2c5: {  	v17 =	vmul.f32 v20, v29;
	v11 =	vmul.f32 v11, v30;
	v12 =	vpack.i.f32.bf16 v21, v12  }
0x2c6: {  	v36 =	vshll.u32 v24, $0x10;
	v35 =	vshll.u32 v10, $0x10;
	[tilespmem:s0+$0x90] =	vst v12  }
0x2c7: {  	v11 =	vpack.i.f32.bf16 v17, v11;
	v17 =	vmul.f32 v9, v36;
	v12 =	vmul.f32 v19, v35;
	v18 =	vld [tilespmem:s6+$0x120]  }
0x2c8: {  	v10 =	vshll.u32 v22, $0x10;
	v9 =	vshll.u32 v23, $0x10;
	[tilespmem:s0+$0xFFFFFF80] =	vst v11;
	v11 =	vld [tilespmem:s6+$0x1A0]  }
0x2c9: {  	v15 =	vmul.f32 v15, v10;
	v16 =	vmul.f32 v16, v9;
	v19 =	vld [tilespmem:s6+$0xFFFFFF10];
	v12 =	vpack.i.f32.bf16 v12, v17  }
0x2ca: {  	v17 =	vld [tilespmem:s6+$0xFFFFFF90];
	[tilespmem:s0+$0xFFFFFF00] =	vst v12  }
0x2cb: {  	v12 =	vpack.i.f32.bf16 v15, v16;
	v15 =	vld [tilespmem:s6+$0xFFFFFE10]  }
0x2cc: {  	[tilespmem:s0+$0x0] =	vst v12;
	v12 =	vld [tilespmem:s6+$0xFFFFFE90];
	v16 =	vshrl.u32 v18, v13  }
0x2cd: {  	v20 =	vld [tilespmem:s6+$0x90];
	v11 =	vshrl.u32 v11, v14;
	v16 =	vand.u32 $0xFF, v16  }
0x2ce: {  	v19 =	vshrl.u32 v19, v32;
	v18 =	vld [tilespmem:s6+$0x10];
	v11 =	vand.u32 $0xFF, v11  }
0x2cf: {  	v19 =	vand.u32 $0xFF, v19;
	v17 =	vshrl.u32 v17, v33  }
0x2d0: {  	v17 =	vand.u32 $0xFF, v17;
	v15 =	vshrl.u32 v15, v38  }
0x2d1: {  	v12 =	vshrl.u32 v12, v37;
	v15 =	vand.u32 $0xFF, v15  }
0x2d2: {  	v12 =	vand.u32 $0xFF, v12;
	v20 =	vshrl.u32 v20, v31;
	v16 =	vld.idx.msk [tilespmem:v16+s5+$0x0], $0xffff  }
0x2d3: {  	v18 =	vshrl.u32 v18, v34;
	v20 =	vand.u32 $0xFF, v20;
	v11 =	vld.idx.msk [tilespmem:v11+s5+$0x0], $0xffff  }
0x2d4: {  	v19 =	vld.idx.msk [tilespmem:v19+s5+$0x0], $0xffff;
	v18 =	vand.u32 $0xFF, v18  }
0x2d5: {  	v17 =	vld.idx.msk [tilespmem:v17+s5+$0x0], $0xffff  }
0x2d6: {  	v15 =	vld.idx.msk [tilespmem:v15+s5+$0x0], $0xffff  }
0x2d7: {  	v12 =	vld.idx.msk [tilespmem:v12+s5+$0x0], $0xffff  }
0x2d8: {  	v20 =	vld.idx.msk [tilespmem:v20+s5+$0x0], $0xffff;
	v16 =	vmul.f32 v16, v27;
	v11 =	vmul.f32 v11, v28  }
0x2d9: {  	v18 =	vld.idx.msk [tilespmem:v18+s5+$0x0], $0xffff  }
0x2da: {  	v19 =	vmul.f32 v19, v30;
	v17 =	vmul.f32 v17, v29;
	v11 =	vpack.i.f32.bf16 v11, v16  }
0x2db: {  	[tilespmem:s0+$0xA0] =	vst v11  }
0x2dc: {  	v11 =	vpack.i.f32.bf16 v17, v19;
	v15 =	vmul.f32 v15, v36;
	v12 =	vmul.f32 v12, v35;
	v16 =	vld [tilespmem:s6+$0x130]  }
0x2dd: {  	[tilespmem:s0+$0xFFFFFF90] =	vst v11;
	v11 =	vld [tilespmem:s6+$0x1B0]  }
0x2de: {  	v17 =	vld [tilespmem:s6+$0xFFFFFF20];
	v18 =	vmul.f32 v18, v9;
	v12 =	vpack.i.f32.bf16 v12, v15;
	v15 =	vmul.f32 v20, v10  }
0x2df: {  	v19 =	vld [tilespmem:s6+$0xFFFFFFA0];
	[tilespmem:s0+$0xFFFFFF10] =	vst v12  }
0x2e0: {  	v12 =	vld [tilespmem:s6+$0xFFFFFE20];
	v15 =	vpack.i.f32.bf16 v15, v18  }
0x2e1: {  	v18 =	vld [tilespmem:s6+$0xFFFFFEA0];
	[tilespmem:s0+$0x10] =	vst v15;
	v15 =	vshrl.u32 v16, v13  }
0x2e2: {  	v16 =	vld [tilespmem:s6+$0x20];
	v11 =	vshrl.u32 v11, v14;
	v15 =	vand.u32 $0xFF, v15  }
0x2e3: {  	v20 =	vld [tilespmem:s6+$0xA0];
	v17 =	vshrl.u32 v17, v32;
	v11 =	vand.u32 $0xFF, v11  }
0x2e4: {  	v19 =	vshrl.u32 v19, v33;
	v17 =	vand.u32 $0xFF, v17  }
0x2e5: {  	v19 =	vand.u32 $0xFF, v19;
	v12 =	vshrl.u32 v12, v38  }
0x2e6: {  	v18 =	vshrl.u32 v18, v37;
	v12 =	vand.u32 $0xFF, v12  }
0x2e7: {  	v18 =	vand.u32 $0xFF, v18;
	v16 =	vshrl.u32 v16, v34;
	v15 =	vld.idx.msk [tilespmem:v15+s5+$0x0], $0xffff  }
0x2e8: {  	v20 =	vshrl.u32 v20, v31;
	v16 =	vand.u32 $0xFF, v16;
	v11 =	vld.idx.msk [tilespmem:v11+s5+$0x0], $0xffff  }
0x2e9: {  	v20 =	vand.u32 $0xFF, v20;
	v17 =	vld.idx.msk [tilespmem:v17+s5+$0x0], $0xffff  }
0x2ea: {  	v19 =	vld.idx.msk [tilespmem:v19+s5+$0x0], $0xffff  }
0x2eb: {  	v12 =	vld.idx.msk [tilespmem:v12+s5+$0x0], $0xffff  }
0x2ec: {  	v18 =	vld.idx.msk [tilespmem:v18+s5+$0x0], $0xffff  }
0x2ed: {  	v16 =	vld.idx.msk [tilespmem:v16+s5+$0x0], $0xffff;
	v15 =	vmul.f32 v15, v27;
	v11 =	vmul.f32 v11, v28  }
0x2ee: {  	v20 =	vld.idx.msk [tilespmem:v20+s5+$0x0], $0xffff  }
0x2ef: {  	v17 =	vmul.f32 v17, v30;
	v19 =	vmul.f32 v19, v29;
	v11 =	vpack.i.f32.bf16 v11, v15  }
0x2f0: {  	[tilespmem:s0+$0xB0] =	vst v11  }
0x2f1: {  	v11 =	vpack.i.f32.bf16 v19, v17;
	v12 =	vmul.f32 v12, v36;
	v15 =	vmul.f32 v18, v35;
	v17 =	vld [tilespmem:s6+$0x140]  }
0x2f2: {  	[tilespmem:s0+$0xFFFFFFA0] =	vst v11;
	v11 =	vld [tilespmem:s6+$0x1C0]  }
0x2f3: {  	v18 =	vld [tilespmem:s6+$0xFFFFFF30];
	v16 =	vmul.f32 v16, v9;
	v12 =	vpack.i.f32.bf16 v15, v12;
	v15 =	vmul.f32 v20, v10  }
0x2f4: {  	v19 =	vld [tilespmem:s6+$0xFFFFFFB0];
	[tilespmem:s0+$0xFFFFFF20] =	vst v12  }
0x2f5: {  	v12 =	vld [tilespmem:s6+$0xFFFFFE30];
	v15 =	vpack.i.f32.bf16 v15, v16  }
0x2f6: {  	v16 =	vld [tilespmem:s6+$0xFFFFFEB0];
	[tilespmem:s0+$0x20] =	vst v15;
	v15 =	vshrl.u32 v17, v13  }
0x2f7: {  	v17 =	vld [tilespmem:s6+$0x30];
	v11 =	vshrl.u32 v11, v14;
	v15 =	vand.u32 $0xFF, v15  }
0x2f8: {  	v20 =	vld [tilespmem:s6+$0xB0];
	v18 =	vshrl.u32 v18, v32;
	v11 =	vand.u32 $0xFF, v11  }
0x2f9: {  	v19 =	vshrl.u32 v19, v33;
	v18 =	vand.u32 $0xFF, v18  }
0x2fa: {  	v19 =	vand.u32 $0xFF, v19;
	v12 =	vshrl.u32 v12, v38  }
0x2fb: {  	v16 =	vshrl.u32 v16, v37;
	v12 =	vand.u32 $0xFF, v12  }
0x2fc: {  	v16 =	vand.u32 $0xFF, v16;
	v17 =	vshrl.u32 v17, v34;
	v15 =	vld.idx.msk [tilespmem:v15+s5+$0x0], $0xffff  }
0x2fd: {  	v20 =	vshrl.u32 v20, v31;
	v17 =	vand.u32 $0xFF, v17;
	v11 =	vld.idx.msk [tilespmem:v11+s5+$0x0], $0xffff  }
0x2fe: {  	v20 =	vand.u32 $0xFF, v20;
	v18 =	vld.idx.msk [tilespmem:v18+s5+$0x0], $0xffff  }
0x2ff: {  	v19 =	vld.idx.msk [tilespmem:v19+s5+$0x0], $0xffff  }
0x300: {  	v12 =	vld.idx.msk [tilespmem:v12+s5+$0x0], $0xffff  }
0x301: {  	v16 =	vld.idx.msk [tilespmem:v16+s5+$0x0], $0xffff  }
0x302: {  	v17 =	vld.idx.msk [tilespmem:v17+s5+$0x0], $0xffff;
	v15 =	vmul.f32 v15, v27;
	v11 =	vmul.f32 v11, v28  }
0x303: {  	v20 =	vld.idx.msk [tilespmem:v20+s5+$0x0], $0xffff  }
0x304: {  	v18 =	vmul.f32 v18, v30;
	v19 =	vmul.f32 v19, v29;
	v11 =	vpack.i.f32.bf16 v11, v15  }
0x305: {  	[tilespmem:s0+$0xC0] =	vst v11  }
0x306: {  	v11 =	vpack.i.f32.bf16 v19, v18;
	v12 =	vmul.f32 v12, v36;
	v15 =	vmul.f32 v16, v35;
	v16 =	vld [tilespmem:s6+$0x150]  }
0x307: {  	[tilespmem:s0+$0xFFFFFFB0] =	vst v11;
	v11 =	vld [tilespmem:s6+$0x1D0]  }
0x308: {  	v18 =	vld [tilespmem:s6+$0xFFFFFF40];
	v17 =	vmul.f32 v17, v9;
	v12 =	vpack.i.f32.bf16 v15, v12;
	v15 =	vmul.f32 v20, v10  }
0x309: {  	v19 =	vld [tilespmem:s6+$0xFFFFFFC0];
	[tilespmem:s0+$0xFFFFFF30] =	vst v12  }
0x30a: {  	v12 =	vld [tilespmem:s6+$0xFFFFFE40];
	v15 =	vpack.i.f32.bf16 v15, v17  }
0x30b: {  	v17 =	vld [tilespmem:s6+$0xFFFFFEC0];
	[tilespmem:s0+$0x30] =	vst v15;
	v15 =	vshrl.u32 v16, v13  }
0x30c: {  	v16 =	vld [tilespmem:s6+$0x40];
	v11 =	vshrl.u32 v11, v14;
	v15 =	vand.u32 $0xFF, v15  }
0x30d: {  	v20 =	vld [tilespmem:s6+$0xC0];
	v18 =	vshrl.u32 v18, v32;
	v11 =	vand.u32 $0xFF, v11  }
0x30e: {  	v19 =	vshrl.u32 v19, v33;
	v18 =	vand.u32 $0xFF, v18  }
0x30f: {  	s13 =	simm.s32 $0xBF00;
	v19 =	vand.u32 $0xFF, v19;
	v12 =	vshrl.u32 v12, v38  }
0x310: {  	v41 =	vld [tilespmem:s13+$0x100];
	v17 =	vshrl.u32 v17, v37;
	v12 =	vand.u32 $0xFF, v12  }
0x311: {  	v17 =	vand.u32 $0xFF, v17;
	v16 =	vshrl.u32 v16, v34;
	v15 =	vld.idx.msk [tilespmem:v15+s5+$0x0], $0xffff  }
0x312: {  	v20 =	vshrl.u32 v20, v31;
	v16 =	vand.u32 $0xFF, v16;
	v11 =	vld.idx.msk [tilespmem:v11+s5+$0x0], $0xffff  }
0x313: {  	v20 =	vand.u32 $0xFF, v20;
	v18 =	vld.idx.msk [tilespmem:v18+s5+$0x0], $0xffff  }
0x314: {  	s21 =	simm.s32 $0xC;
	v19 =	vld.idx.msk [tilespmem:v19+s5+$0x0], $0xffff  }
0x315: {  	v40 =	vor.u32 s21, v8;
	v12 =	vld.idx.msk [tilespmem:v12+s5+$0x0], $0xffff  }
0x316: {  	v17 =	vld.idx.msk [tilespmem:v17+s5+$0x0], $0xffff  }
0x317: {  	s14 =	simm.s32 $0xE;
	s25 =	simm.s32 $0xF;
	v16 =	vld.idx.msk [tilespmem:v16+s5+$0x0], $0xffff;
	v15 =	vmul.f32 v15, v27;
	v11 =	vmul.f32 v11, v28  }
0x318: {  	v44 =	vmov s14;
	v45 =	vmov s25;
	v21 =	vld.idx.msk [tilespmem:v20+s5+$0x0], $0xffff  }
0x319: {  	v43 =	vld [tilespmem:s13+$0x180];
	v18 =	vmul.f32 v18, v30;
	v19 =	vmul.f32 v19, v29;
	v11 =	vpack.i.f32.bf16 v11, v15  }
0x31a: {  	v46 =	vld.idx.msk [tilespmem:v40+s15+$0x0], $0xffff;
	[tilespmem:s0+$0xD0] =	vst v11  }
0x31b: {  	v11 =	vpack.i.f32.bf16 v19, v18;
	v12 =	vmul.f32 v12, v36;
	v15 =	vmul.f32 v17, v35;
	v17 =	vld [tilespmem:s6+$0x160]  }
0x31c: {  	[tilespmem:s0+$0xFFFFFFC0] =	vst v11;
	v11 =	vld [tilespmem:s6+$0x1E0]  }
0x31d: {  	s2 =	simm.s32 $0x8;
	v58 =	vld.idx.msk [tilespmem:v44+s18+$0x0], $0xffff;
	v16 =	vmul.f32 v16, v9;
	v12 =	vpack.i.f32.bf16 v15, v12;
	v15 =	vmul.f32 v21, v10  }
0x31e: {  	v59 =	vld.idx.msk [tilespmem:v45+s18+$0x0], $0xffff;
	[tilespmem:s0+$0xFFFFFF40] =	vst v12;
	v12 =	vor.u32 s2, v8  }
0x31f: {  	v44 =	vld [tilespmem:s13+$0xFFFFFE00];
	v15 =	vpack.i.f32.bf16 v15, v16;
	v16 =	vor.u32 s14, v8  }
0x320: {  	v47 =	vld [tilespmem:s13+$0xFFFFFE80];
	[tilespmem:s0+$0x40] =	vst v15;
	v15 =	vor.u32 s25, v8;
	v17 =	vshrl.u32 v17, v13  }
0x321: {  	v48 =	vld [tilespmem:s13+$0xFFFFFF00];
	v11 =	vshrl.u32 v11, v14;
	v17 =	vand.u32 $0xFF, v17  }
0x322: {  	v62 =	vld [tilespmem:s13+$0xFFFFFF80];
	v11 =	vand.u32 $0xFF, v11  }
0x323: {  	s26 =	simm.s32 $0x9;
	v19 =	vld.idx.msk [tilespmem:v12+s15+$0x0], $0xffff  }
0x324: {  	s28 =	simm.s32 $0xA;
	v61 =	vmov s26;
	v12 =	vld.idx.msk [tilespmem:v16+s15+$0x0], $0xffff  }
0x325: {  	v51 =	vmov s28;
	v15 =	vld.idx.msk [tilespmem:v15+s15+$0x0], $0xffff  }
0x326: {  	v52 =	vmov s2;
	s24 =	simm.s32 $0xD;
	v17 =	vld.idx.msk [tilespmem:v17+s5+$0x0], $0xffff  }
0x327: {  	s17 =	simm.s32 $0xB;
	v55 =	vmov s24;
	v39 =	vld.idx.msk [tilespmem:v11+s5+$0x0], $0xffff  }
0x328: {  	v50 =	vld [tilespmem:s13+$0x0];
	v22 =	vor.u32 s17, v8  }
0x329: {  	v45 =	vld.idx.msk [tilespmem:v61+s18+$0x0], $0xffff  }
0x32a: {  	v51 =	vld.idx.msk [tilespmem:v51+s18+$0x0], $0xffff;
	v11 =	vshll.u32 v12, $0x3;
	v15 =	vshll.u32 v15, $0x3  }
0x32b: {  	v61 =	vld.idx.msk [tilespmem:v52+s18+$0x0], $0xffff;
	v12 =	vand.u32 $0x18, v11;
	v11 =	vand.u32 $0x18, v15  }
0x32c: {  	v55 =	vld.idx.msk [tilespmem:v55+s18+$0x0], $0xffff;
	v15 =	vshrl.u32 v41, v12;
	v17 =	vmul.f32 v17, v27;
	v39 =	vmul.f32 v39, v28  }
0x32d: {  	v22 =	vld.idx.msk [tilespmem:v22+s15+$0x0], $0xffff;
	v57 =	vshrl.u32 v43, v11;
	v15 =	vand.u32 $0xFF, v15  }
0x32e: {  	v20 =	vld [tilespmem:s6+$0xFFFFFF50];
	v40 =	vand.u32 $0xFF, v57;
	v17 =	vpack.i.f32.bf16 v39, v17  }
0x32f: {  	v21 =	vld [tilespmem:s6+$0xFFFFFFD0];
	[tilespmem:s0+$0xE0] =	vst v17  }
0x330: {  	v16 =	vor.u32 s26, v8;
	v17 =	vld [tilespmem:s6+$0x170]  }
0x331: {  	v18 =	vor.u32 s28, v8;
	v60 =	vld [tilespmem:s6+$0x1F0]  }
0x332: {  	v15 =	vld.idx.msk [tilespmem:v15+s5+$0x0], $0xffff  }
0x333: {  	v40 =	vld.idx.msk [tilespmem:v40+s5+$0x0], $0xffff  }
0x334: {  	v23 =	vld [tilespmem:s6+$0xFFFFFE50]  }
0x335: {  	v42 =	vor.u32 s24, v8;
	v16 =	vld.idx.msk [tilespmem:v16+s15+$0x0], $0xffff;
	v13 =	vshrl.u32 v17, v13  }
0x336: {  	v18 =	vld.idx.msk [tilespmem:v18+s15+$0x0], $0xffff;
	v14 =	vshrl.u32 v60, v14;
	v17 =	vand.u32 $0xFF, v13  }
0x337: {  	v24 =	vld [tilespmem:s6+$0xFFFFFED0];
	v49 =	vand.u32 $0xFF, v14;
	v13 =	vshll.u32 v58, $0x10;
	v14 =	vshll.u32 v59, $0x10  }
0x338: {  	v26 =	vld [tilespmem:s6+$0x50];
	v15 =	vmul.f32 v15, v13;
	v39 =	vmul.f32 v40, v14  }
0x339: {  	v54 =	vmov s21;
	v25 =	vld [tilespmem:s6+$0xD0]  }
0x33a: {  	v53 =	vmov s17;
	s2 =	simm.s32 $0x11D00;
	v41 =	vld.idx.msk [tilespmem:v42+s15+$0x0], $0xffff;
	v16 =	vshll.u32 v16, $0x3;
	v15 =	vpack.i.f32.bf16 v39, v15  }
0x33b: {  	[tilespmem:s2+$0x80] =	vst v15;
	v15 =	vand.u32 $0x18, v16;
	v16 =	vshll.u32 v18, $0x3;
	v18 =	vshll.u32 v22, $0x3;
	v39 =	vld.idx.msk [tilespmem:v17+s5+$0x0], $0xffff  }
0x33c: {  	v22 =	vld [tilespmem:s13+$0x110];
	v17 =	vand.u32 $0x18, v16;
	v16 =	vand.u32 $0x18, v18;
	v18 =	vshrl.u32 v47, v15  }
0x33d: {  	v24 =	vshrl.u32 v24, v37;
	v63 =	vld [tilespmem:s13+$0x190];
	v57 =	vand.u32 $0xFF, v18  }
0x33e: {  	v46 =	vshll.u32 v46, $0x3;
	v24 =	vand.u32 $0xFF, v24;
	v42 =	vld [tilespmem:s13+$0x80];
	v48 =	vshrl.u32 v48, v17  }
0x33f: {  	v23 =	vshrl.u32 v23, v38;
	v40 =	vld.idx.msk [tilespmem:v49+s5+$0x0], $0xffff;
	v43 =	vshrl.u32 v62, v16;
	v58 =	vand.u32 $0xFF, v48  }
0x340: {  	v23 =	vand.u32 $0xFF, v23;
	v18 =	vand.u32 $0x18, v46;
	v48 =	vld.idx.msk [tilespmem:v53+s18+$0x0], $0xffff;
	v43 =	vand.u32 $0xFF, v43  }
0x341: {  	v59 =	vshll.u32 v19, $0x3;
	v19 =	vshrl.u32 v50, v18;
	v50 =	vld.idx.msk [tilespmem:v54+s18+$0x0], $0xffff;
	v22 =	vshrl.u32 v22, v12  }
0x342: {  	v20 =	vshrl.u32 v20, v32;
	v47 =	vshrl.u32 v63, v11;
	v62 =	vand.u32 $0xFF, v22;
	v49 =	vld.idx.msk [tilespmem:v57+s5+$0x0], $0xffff  }
0x343: {  	v41 =	vshll.u32 v41, $0x3;
	v22 =	vand.u32 $0x18, v59;
	v47 =	vand.u32 $0xFF, v47;
	v57 =	vld.idx.msk [tilespmem:v24+s5+$0x0], $0xffff  }
0x344: {  	v60 =	vand.u32 $0xFF, v19;
	v19 =	vand.u32 $0x18, v41;
	v44 =	vshrl.u32 v44, v22;
	v46 =	vld.idx.msk [tilespmem:v58+s5+$0x0], $0xffff  }
0x345: {  	v21 =	vshrl.u32 v21, v33;
	v42 =	vshrl.u32 v42, v19;
	v43 =	vld.idx.msk [tilespmem:v43+s5+$0x0], $0xffff;
	v44 =	vand.u32 $0xFF, v44  }
0x346: {  	v56 =	vand.u32 $0xFF, v21;
	v42 =	vand.u32 $0xFF, v42;
	v21 =	vshll.u32 v48, $0x10;
	v48 =	vld.idx.msk [tilespmem:v23+s5+$0x0], $0xffff  }
0x347: {  	v63 =	vand.u32 $0xFF, v20;
	v52 =	vld.idx.msk [tilespmem:v62+s5+$0x0], $0xffff  }
0x348: {  	v47 =	vld.idx.msk [tilespmem:v47+s5+$0x0], $0xffff  }
0x349: {  	v20 =	vshll.u32 v51, $0x10;
	v53 =	vld.idx.msk [tilespmem:v60+s5+$0x0], $0xffff  }
0x34a: {  	v26 =	vshrl.u32 v26, v34;
	v46 =	vmul.f32 v46, v20;
	v43 =	vmul.f32 v43, v21;
	v44 =	vld.idx.msk [tilespmem:v44+s5+$0x0], $0xffff  }
0x34b: {  	v51 =	vand.u32 $0xFF, v26;
	v42 =	vld.idx.msk [tilespmem:v42+s5+$0x0], $0xffff  }
0x34c: {  	v23 =	vpack.i.f32.bf16 v43, v46;
	v43 =	vld.idx.msk [tilespmem:v63+s5+$0x0], $0xffff  }
0x34d: {  	[tilespmem:s2+$0xFFFFFF80] =	vst v23;
	v26 =	vmul.f32 v52, v13;
	v60 =	vmul.f32 v47, v14;
	v47 =	vld.idx.msk [tilespmem:v56+s5+$0x0], $0xffff  }
0x34e: {  	v24 =	vshll.u32 v61, $0x10;
	v23 =	vshll.u32 v45, $0x10;
	v61 =	vld [tilespmem:s13+$0xFFFFFF10]  }
0x34f: {  	v45 =	vmul.f32 v49, v23;
	v62 =	vld [tilespmem:s13+$0xFFFFFF90];
	v44 =	vmul.f32 v44, v24;
	v46 =	vpack.i.f32.bf16 v60, v26  }
0x350: {  	v63 =	vshrl.u32 v25, v31;
	v25 =	vshll.u32 v55, $0x10;
	v26 =	vshll.u32 v50, $0x10;
	[tilespmem:s2+$0x90] =	vst v46;
	v46 =	vld.idx.msk [tilespmem:v51+s5+$0x0], $0xffff  }
0x351: {  	v42 =	vmul.f32 v42, v25;
	v50 =	vmul.f32 v53, v26;
	v44 =	vpack.i.f32.bf16 v45, v44;
	v56 =	vld [tilespmem:s13+$0x120]  }
0x352: {  	v48 =	vmul.f32 v48, v36;
	v58 =	vld [tilespmem:s13+$0x1A0];
	[tilespmem:s2+$0xFFFFFF00] =	vst v44  }
0x353: {  	v60 =	vmul.f32 v57, v35;
	v51 =	vand.u32 $0xFF, v63;
	v42 =	vpack.i.f32.bf16 v42, v50;
	v59 =	vld [tilespmem:s13+$0xFFFFFE10]  }
0x354: {  	v43 =	vmul.f32 v43, v30;
	v41 =	vshrl.u32 v61, v17;
	v49 =	vshrl.u32 v62, v16;
	[tilespmem:s2+$0x0] =	vst v42;
	v61 =	vld [tilespmem:s13+$0xFFFFFE90]  }
0x355: {  	v47 =	vmul.f32 v47, v29;
	v41 =	vand.u32 $0xFF, v41;
	v42 =	vpack.i.f32.bf16 v60, v48;
	v62 =	vld [tilespmem:s13+$0x10]  }
0x356: {  	v49 =	vand.u32 $0xFF, v49;
	v63 =	vld [tilespmem:s13+$0x90];
	[tilespmem:s0+$0xFFFFFF50] =	vst v42  }
0x357: {  	v43 =	vpack.i.f32.bf16 v47, v43;
	v54 =	vld [tilespmem:s6+$0xFFFFFEE0];
	v45 =	vshrl.u32 v56, v12  }
0x358: {  	[tilespmem:s0+$0xFFFFFFD0] =	vst v43;
	v56 =	vshrl.u32 v58, v11;
	v58 =	vld.idx.msk [tilespmem:v51+s5+$0x0], $0xffff;
	v57 =	vand.u32 $0xFF, v45  }
0x359: {  	v47 =	vld [tilespmem:s6+$0xFFFFFF60];
	v42 =	vand.u32 $0xFF, v56;
	v50 =	vshrl.u32 v59, v22  }
0x35a: {  	v52 =	vshrl.u32 v61, v15;
	v41 =	vld.idx.msk [tilespmem:v41+s5+$0x0], $0xffff;
	v50 =	vand.u32 $0xFF, v50  }
0x35b: {  	v49 =	vld.idx.msk [tilespmem:v49+s5+$0x0], $0xffff;
	v52 =	vand.u32 $0xFF, v52;
	v53 =	vshrl.u32 v62, v18  }
0x35c: {  	v51 =	vld [tilespmem:s6+$0xFFFFFE60];
	v48 =	vshrl.u32 v63, v19;
	v53 =	vand.u32 $0xFF, v53  }
0x35d: {  	v48 =	vand.u32 $0xFF, v48;
	v44 =	vld.idx.msk [tilespmem:v57+s5+$0x0], $0xffff  }
0x35e: {  	v42 =	vld.idx.msk [tilespmem:v42+s5+$0x0], $0xffff  }
0x35f: {  	v50 =	vld.idx.msk [tilespmem:v50+s5+$0x0], $0xffff  }
0x360: {  	v47 =	vshrl.u32 v47, v32;
	v41 =	vmul.f32 v41, v20;
	v59 =	vmul.f32 v49, v21;
	v52 =	vld.idx.msk [tilespmem:v52+s5+$0x0], $0xffff  }
0x361: {  	v47 =	vand.u32 $0xFF, v47;
	v60 =	vld.idx.msk [tilespmem:v53+s5+$0x0], $0xffff  }
0x362: {  	v46 =	vmul.f32 v46, v9;
	v61 =	vld.idx.msk [tilespmem:v48+s5+$0x0], $0xffff;
	v41 =	vpack.i.f32.bf16 v59, v41  }
0x363: {  	v45 =	vmul.f32 v58, v10;
	[tilespmem:s2+$0xFFFFFF90] =	vst v41;
	v62 =	vmul.f32 v44, v13;
	v44 =	vld [tilespmem:s6+$0xFFFFFFE0]  }
0x364: {  	v42 =	vmul.f32 v42, v14;
	v63 =	vld [tilespmem:s13+$0xFFFFFF20]  }
0x365: {  	v45 =	vpack.i.f32.bf16 v45, v46;
	v59 =	vld [tilespmem:s13+$0xFFFFFFA0]  }
0x366: {  	[tilespmem:s0+$0x50] =	vst v45;
	v47 =	vld.idx.msk [tilespmem:v47+s5+$0x0], $0xffff;
	v41 =	vpack.i.f32.bf16 v42, v62  }
0x367: {  	v57 =	vmul.f32 v50, v24;
	v58 =	vmul.f32 v52, v23;
	[tilespmem:s2+$0xA0] =	vst v41;
	v41 =	vld [tilespmem:s6+$0x60]  }
0x368: {  	v55 =	vmul.f32 v60, v26;
	v56 =	vld [tilespmem:s13+$0x130]  }
0x369: {  	v43 =	vmul.f32 v61, v25;
	v60 =	vshrl.u32 v51, v38;
	v45 =	vpack.i.f32.bf16 v58, v57;
	v61 =	vld [tilespmem:s13+$0x1B0]  }
0x36a: {  	v49 =	vand.u32 $0xFF, v60;
	v60 =	vld [tilespmem:s6+$0xE0];
	[tilespmem:s2+$0xFFFFFF10] =	vst v45;
	v46 =	vshrl.u32 v63, v17  }
0x36b: {  	v42 =	vpack.i.f32.bf16 v43, v55;
	v50 =	vshrl.u32 v59, v16;
	v62 =	vld [tilespmem:s13+$0xFFFFFE20];
	v46 =	vand.u32 $0xFF, v46  }
0x36c: {  	v57 =	vshrl.u32 v54, v37;
	v63 =	vld [tilespmem:s13+$0xFFFFFEA0];
	[tilespmem:s2+$0x10] =	vst v42;
	v50 =	vand.u32 $0xFF, v50  }
0x36d: {  	v44 =	vshrl.u32 v44, v33;
	v42 =	vand.u32 $0xFF, v57;
	v58 =	vld [tilespmem:s13+$0x20]  }
0x36e: {  	v44 =	vand.u32 $0xFF, v44;
	v59 =	vld [tilespmem:s13+$0xA0];
	v41 =	vshrl.u32 v41, v34  }
0x36f: {  	v48 =	vshrl.u32 v56, v12;
	v49 =	vld.idx.msk [tilespmem:v49+s5+$0x0], $0xffff;
	v41 =	vand.u32 $0xFF, v41  }
0x370: {  	v45 =	vshrl.u32 v61, v11;
	v48 =	vand.u32 $0xFF, v48;
	v46 =	vld.idx.msk [tilespmem:v46+s5+$0x0], $0xffff  }
0x371: {  	v45 =	vand.u32 $0xFF, v45;
	v51 =	vshrl.u32 v62, v22;
	v50 =	vld.idx.msk [tilespmem:v50+s5+$0x0], $0xffff  }
0x372: {  	v43 =	vshrl.u32 v63, v15;
	v42 =	vld.idx.msk [tilespmem:v42+s5+$0x0], $0xffff;
	v51 =	vand.u32 $0xFF, v51  }
0x373: {  	v44 =	vld.idx.msk [tilespmem:v44+s5+$0x0], $0xffff;
	v43 =	vand.u32 $0xFF, v43;
	v53 =	vshrl.u32 v59, v19  }
0x374: {  	v52 =	vshrl.u32 v58, v18;
	v53 =	vand.u32 $0xFF, v53;
	v41 =	vld.idx.msk [tilespmem:v41+s5+$0x0], $0xffff  }
0x375: {  	v52 =	vand.u32 $0xFF, v52;
	v48 =	vld.idx.msk [tilespmem:v48+s5+$0x0], $0xffff  }
0x376: {  	v45 =	vld.idx.msk [tilespmem:v45+s5+$0x0], $0xffff  }
0x377: {  	v46 =	vmul.f32 v46, v20;
	v50 =	vmul.f32 v50, v21;
	v51 =	vld.idx.msk [tilespmem:v51+s5+$0x0], $0xffff  }
0x378: {  	v43 =	vld.idx.msk [tilespmem:v43+s5+$0x0], $0xffff  }
0x379: {  	v49 =	vmul.f32 v49, v36;
	v42 =	vmul.f32 v42, v35;
	v53 =	vld.idx.msk [tilespmem:v53+s5+$0x0], $0xffff;
	v46 =	vpack.i.f32.bf16 v50, v46  }
0x37a: {  	v52 =	vld.idx.msk [tilespmem:v52+s5+$0x0], $0xffff;
	[tilespmem:s2+$0xFFFFFFA0] =	vst v46  }
0x37b: {  	v42 =	vpack.i.f32.bf16 v42, v49;
	v61 =	vmul.f32 v48, v13;
	v45 =	vmul.f32 v45, v14;
	v48 =	vld [tilespmem:s13+$0xFFFFFF30]  }
0x37c: {  	[tilespmem:s0+$0xFFFFFF60] =	vst v42;
	v63 =	vld [tilespmem:s13+$0xFFFFFFB0]  }
0x37d: {  	v54 =	vld [tilespmem:s6+$0xFFFFFEF0];
	v62 =	vmul.f32 v51, v24;
	v43 =	vmul.f32 v43, v23;
	v45 =	vpack.i.f32.bf16 v45, v61  }
0x37e: {  	[tilespmem:s2+$0xB0] =	vst v45;
	v58 =	vmul.f32 v53, v25;
	v53 =	vld [tilespmem:s6+$0xFFFFFE70]  }
0x37f: {  	v57 =	vmul.f32 v52, v26;
	v43 =	vpack.i.f32.bf16 v43, v62;
	v59 =	vld [tilespmem:s13+$0x140]  }
0x380: {  	v47 =	vmul.f32 v47, v30;
	v56 =	vshrl.u32 v60, v31;
	v44 =	vmul.f32 v44, v29;
	v60 =	vld [tilespmem:s13+$0x1C0];
	[tilespmem:s2+$0xFFFFFF20] =	vst v43  }
0x381: {  	v46 =	vand.u32 $0xFF, v56;
	v48 =	vshrl.u32 v48, v17;
	v45 =	vpack.i.f32.bf16 v58, v57;
	v61 =	vld [tilespmem:s13+$0xFFFFFE30]  }
0x382: {  	v51 =	vshrl.u32 v63, v16;
	v62 =	vld [tilespmem:s13+$0xFFFFFEB0];
	v48 =	vand.u32 $0xFF, v48;
	[tilespmem:s2+$0x20] =	vst v45  }
0x383: {  	v44 =	vpack.i.f32.bf16 v44, v47;
	v37 =	vshrl.u32 v54, v37;
	v63 =	vand.u32 $0xFF, v51;
	v56 =	vld [tilespmem:s13+$0x30]  }
0x384: {  	[tilespmem:s0+$0xFFFFFFE0] =	vst v44;
	v37 =	vand.u32 $0xFF, v37;
	v57 =	vld [tilespmem:s13+$0xB0];
	v52 =	vshrl.u32 v59, v12  }
0x385: {  	v47 =	vld [tilespmem:s6+$0xFFFFFF70];
	v58 =	vshrl.u32 v60, v11;
	v59 =	vand.u32 $0xFF, v52  }
0x386: {  	v46 =	vld.idx.msk [tilespmem:v46+s5+$0x0], $0xffff;
	v42 =	vand.u32 $0xFF, v58;
	v60 =	vshrl.u32 v61, v22  }
0x387: {  	v50 =	vshrl.u32 v62, v15;
	v48 =	vld.idx.msk [tilespmem:v48+s5+$0x0], $0xffff;
	v52 =	vand.u32 $0xFF, v60  }
0x388: {  	v45 =	vld.idx.msk [tilespmem:v63+s5+$0x0], $0xffff;
	v50 =	vand.u32 $0xFF, v50;
	v51 =	vshrl.u32 v56, v18  }
0x389: {  	v38 =	vshrl.u32 v53, v38;
	v53 =	vld.idx.msk [tilespmem:v37+s5+$0x0], $0xffff;
	v49 =	vshrl.u32 v57, v19;
	v51 =	vand.u32 $0xFF, v51  }
0x38a: {  	v49 =	vand.u32 $0xFF, v49;
	v43 =	vld.idx.msk [tilespmem:v59+s5+$0x0], $0xffff  }
0x38b: {  	v38 =	vand.u32 $0xFF, v38;
	v42 =	vld.idx.msk [tilespmem:v42+s5+$0x0], $0xffff  }
0x38c: {  	v52 =	vld.idx.msk [tilespmem:v52+s5+$0x0], $0xffff  }
0x38d: {  	v61 =	vmul.f32 v48, v20;
	v45 =	vmul.f32 v45, v21;
	v50 =	vld.idx.msk [tilespmem:v50+s5+$0x0], $0xffff  }
0x38e: {  	v62 =	vld.idx.msk [tilespmem:v51+s5+$0x0], $0xffff  }
0x38f: {  	v63 =	vld.idx.msk [tilespmem:v49+s5+$0x0], $0xffff;
	v45 =	vpack.i.f32.bf16 v45, v61  }
0x390: {  	v38 =	vld.idx.msk [tilespmem:v38+s5+$0x0], $0xffff;
	[tilespmem:s2+$0xFFFFFFB0] =	vst v45;
	v43 =	vmul.f32 v43, v13;
	v42 =	vmul.f32 v42, v14  }
0x391: {  	v41 =	vmul.f32 v41, v9;
	v46 =	vmul.f32 v46, v10;
	v55 =	vld [tilespmem:s13+$0xFFFFFF40]  }
0x392: {  	v58 =	vld [tilespmem:s13+$0xFFFFFFC0];
	v56 =	vmul.f32 v52, v24;
	v57 =	vmul.f32 v50, v23;
	v42 =	vpack.i.f32.bf16 v42, v43  }
0x393: {  	v41 =	vpack.i.f32.bf16 v46, v41;
	v45 =	vld [tilespmem:s6+$0xFFFFFFF0];
	[tilespmem:s2+$0xC0] =	vst v42  }
0x394: {  	[tilespmem:s0+$0x60] =	vst v41;
	v59 =	vmul.f32 v62, v26;
	v44 =	vmul.f32 v63, v25;
	v41 =	vpack.i.f32.bf16 v57, v56;
	v60 =	vld [tilespmem:s13+$0x150]  }
0x395: {  	v61 =	vld [tilespmem:s13+$0x1D0];
	[tilespmem:s2+$0xFFFFFF30] =	vst v41  }
0x396: {  	v46 =	vshrl.u32 v55, v17;
	v43 =	vpack.i.f32.bf16 v44, v59;
	v62 =	vld [tilespmem:s13+$0xFFFFFE40]  }
0x397: {  	v50 =	vshrl.u32 v58, v16;
	v63 =	vld [tilespmem:s13+$0xFFFFFEC0];
	v46 =	vand.u32 $0xFF, v46;
	[tilespmem:s2+$0x30] =	vst v43  }
0x398: {  	v32 =	vshrl.u32 v47, v32;
	v56 =	vand.u32 $0xFF, v50;
	v57 =	vld [tilespmem:s13+$0x40]  }
0x399: {  	v32 =	vand.u32 $0xFF, v32;
	v58 =	vld [tilespmem:s13+$0xC0];
	v48 =	vshrl.u32 v60, v12  }
0x39a: {  	v52 =	vld [tilespmem:s6+$0xF0];
	v41 =	vshrl.u32 v61, v11;
	v48 =	vand.u32 $0xFF, v48  }
0x39b: {  	v42 =	vld [tilespmem:s6+$0x70];
	v41 =	vand.u32 $0xFF, v41;
	v49 =	vshrl.u32 v62, v22  }
0x39c: {  	v44 =	vshrl.u32 v63, v15;
	v46 =	vld.idx.msk [tilespmem:v46+s5+$0x0], $0xffff;
	v49 =	vand.u32 $0xFF, v49  }
0x39d: {  	v43 =	vld.idx.msk [tilespmem:v56+s5+$0x0], $0xffff;
	v44 =	vand.u32 $0xFF, v44;
	v50 =	vshrl.u32 v57, v18  }
0x39e: {  	v55 =	vld.idx.msk [tilespmem:v32+s5+$0x0], $0xffff;
	v51 =	vshrl.u32 v58, v19;
	v50 =	vand.u32 $0xFF, v50  }
0x39f: {  	v33 =	vshrl.u32 v45, v33;
	v59 =	vand.u32 $0xFF, v51;
	v60 =	vld.idx.msk [tilespmem:v48+s5+$0x0], $0xffff  }
0x3a0: {  	v33 =	vand.u32 $0xFF, v33;
	v41 =	vld.idx.msk [tilespmem:v41+s5+$0x0], $0xffff  }
0x3a1: {  	v45 =	vld.idx.msk [tilespmem:v49+s5+$0x0], $0xffff  }
0x3a2: {  	v34 =	vshrl.u32 v42, v34;
	v61 =	vmul.f32 v46, v20;
	v43 =	vmul.f32 v43, v21;
	v44 =	vld.idx.msk [tilespmem:v44+s5+$0x0], $0xffff  }
0x3a3: {  	v34 =	vand.u32 $0xFF, v34;
	v62 =	vld.idx.msk [tilespmem:v50+s5+$0x0], $0xffff  }
0x3a4: {  	v27 =	vmul.f32 v39, v27;
	v28 =	vmul.f32 v40, v28;
	v63 =	vld.idx.msk [tilespmem:v59+s5+$0x0], $0xffff;
	v54 =	vpack.i.f32.bf16 v43, v61  }
0x3a5: {  	v58 =	vld.idx.msk [tilespmem:v33+s5+$0x0], $0xffff;
	[tilespmem:s2+$0xFFFFFFC0] =	vst v54;
	v56 =	vmul.f32 v60, v13;
	v57 =	vmul.f32 v41, v14  }
0x3a6: {  	v28 =	vpack.i.f32.bf16 v28, v27;
	v59 =	vshrl.u32 v52, v31;
	v60 =	vld [tilespmem:s13+$0xFFFFFF50]  }
0x3a7: {  	v37 =	vld [tilespmem:s13+$0xFFFFFFD0];
	v31 =	vmul.f32 v45, v24;
	v61 =	vmul.f32 v44, v23;
	v27 =	vpack.i.f32.bf16 v57, v56  }
0x3a8: {  	v35 =	vmul.f32 v53, v35;
	v36 =	vmul.f32 v38, v36;
	[tilespmem:s2+$0xD0] =	vst v27;
	v27 =	vld.idx.msk [tilespmem:v34+s5+$0x0], $0xffff  }
0x3a9: {  	[tilespmem:s0+$0xF0] =	vst v28;
	v28 =	vmul.f32 v62, v26;
	v63 =	vmul.f32 v63, v25;
	v62 =	vpack.i.f32.bf16 v61, v31;
	v31 =	vld [tilespmem:s13+$0x160]  }
0x3aa: {  	v35 =	vpack.i.f32.bf16 v35, v36;
	v30 =	vmul.f32 v55, v30;
	v32 =	vand.u32 $0xFF, v59;
	v33 =	vld [tilespmem:s13+$0x1E0];
	[tilespmem:s2+$0xFFFFFF40] =	vst v62  }
0x3ab: {  	s9 =	simm.s32 $0x10;
	s7 =	simm.s32 $0x4;
	[tilespmem:s0+$0xFFFFFF70] =	vst v35;
	s6 =	simm.s32 $0xBF00;
	v29 =	vmul.f32 v58, v29;
	v34 =	vshrl.u32 v60, v17;
	v36 =	vpack.i.f32.bf16 v63, v28;
	v35 =	vld [tilespmem:s13+$0xFFFFFE50]  }
.LBB2_7:
0x3ac: {  	v28 =	vmov s9;
	v38 =	vor.u32 s9, v8;
	s10 =	sadd.s32 $0x2, s9;
	s17 =	sadd.s32 $0x3, s9;
	s14 =	sadd.s32 $0x6, s9;
	v39 =	vld [tilespmem:s13+$0xFFFFFED0];
	v37 =	vshrl.u32 v37, v16;
	[tilespmem:s2+$0x40] =	vst v36  }
0x3ad: {  	s21 =	sadd.s32 $0x4, s9;
	s24 =	sadd.s32 $0x5, s9;
	s25 =	sadd.s32 $0x7, s9;
	v45 =	vor.u32 s10, v8;
	v46 =	vor.u32 s17, v8;
	v40 =	vor.u32 s14, v8;
	v42 =	vld [tilespmem:s13+$0x50]  }
0x3ae: {  	s26 =	sadd.s32 $0x1, s9;
	v47 =	vor.u32 s21, v8;
	v41 =	vor.u32 s25, v8;
	v48 =	vld [tilespmem:s13+$0xD0];
	v31 =	vshrl.u32 v31, v12  }
0x3af: {  	v49 =	vor.u32 s26, v8;
	v33 =	vshrl.u32 v33, v11;
	v50 =	vand.u32 $0xFF, v31;
	v32 =	vld.idx.msk [tilespmem:v32+s5+$0x0], $0xffff  }
0x3b0: {  	v51 =	vmov s26;
	v52 =	vor.u32 s24, v8;
	v33 =	vand.u32 $0xFF, v33  }
0x3b1: {  	v44 =	vmov s17;
	v36 =	vmov s21;
	v31 =	vmov s10;
	v53 =	vld.idx.msk [tilespmem:v38+s15+$0x0], $0xffff  }
0x3b2: {  	v43 =	vmov s24;
	v35 =	vshrl.u32 v35, v22;
	v38 =	vshrl.u32 v39, v15;
	v54 =	vld.idx.msk [tilespmem:v40+s15+$0x0], $0xffff  }
0x3b3: {  	v55 =	vld.idx.msk [tilespmem:v41+s15+$0x0], $0xffff;
	v41 =	vand.u32 $0xFF, v35;
	v35 =	vshrl.u32 v42, v18;
	v48 =	vshrl.u32 v48, v19  }
0x3b4: {  	v39 =	vand.u32 $0xFF, v37;
	v40 =	vand.u32 $0xFF, v34;
	v42 =	vand.u32 $0xFF, v38;
	v50 =	vld.idx.msk [tilespmem:v50+s5+$0x0], $0xffff  }
0x3b5: {  	s7 =	sadd.s32 $0x4, s7;
	v27 =	vmul.f32 v27, v9;
	v9 =	vmovc v26;
	s13 =	sadd.s32 $0x400, s13;
	v38 =	vand.u32 $0xFF, v35;
	v37 =	vand.u32 $0xFF, v48;
	v33 =	vld.idx.msk [tilespmem:v33+s5+$0x0], $0xffff  }
0x3b6: {  	p0 =	slt.u32 s7, $0x3C;
	v29 =	vpack.i.f32.bf16 v29, v30;
	v30 =	vmul.f32 v32, v10;
	v10 =	vmov v25;
	v26 =	vld [tilespmem:s13+$0x100]  }
0x3b7: {  	v25 =	vshll.u32 v53, $0x3;
	v32 =	vld [tilespmem:s13+$0x180];
	[tilespmem:s0+$0xFFFFFFF0] =	vst v29  }
0x3b8: {  	v27 =	vpack.i.f32.bf16 v30, v27;
	v34 =	vand.u32 $0x18, v25;
	v25 =	vmov s14;
	v29 =	vld.idx.msk [tilespmem:v49+s15+$0x0], $0xffff  }
0x3b9: {  	v35 =	vmov s25;
	v48 =	vshll.u32 v55, $0x3;
	v30 =	vld.idx.msk [tilespmem:v45+s15+$0x0], $0xffff;
	v45 =	vshll.u32 v54, $0x3;
	[tilespmem:s0+$0x70] =	vst v27;
	s0 =	smov.u32 s2  }
0x3ba: {  	v27 =	vld.idx.msk [tilespmem:v46+s15+$0x0], $0xffff;
	v45 =	vand.u32 $0x18, v45;
	v46 =	vand.u32 $0x18, v48  }
0x3bb: {  	v48 =	vmul.f32 v50, v13;
	v33 =	vmul.f32 v33, v14;
	v47 =	vld.idx.msk [tilespmem:v47+s15+$0x0], $0xffff;
	v26 =	vshrl.u32 v26, v45  }
0x3bc: {  	v49 =	vld.idx.msk [tilespmem:v52+s15+$0x0], $0xffff;
	v32 =	vshrl.u32 v32, v46;
	v26 =	vand.u32 $0xFF, v26  }
0x3bd: {  	v25 =	vld.idx.msk [tilespmem:v25+s18+$0x0], $0xffff;
	v50 =	vand.u32 $0xFF, v32;
	v32 =	vpack.i.f32.bf16 v33, v48  }
0x3be: {  	v29 =	vshll.u32 v29, $0x3;
	v48 =	vld.idx.msk [tilespmem:v35+s18+$0x0], $0xffff;
	[tilespmem:s2+$0xE0] =	vst v32  }
0x3bf: {  	v35 =	vand.u32 $0x18, v29;
	v29 =	vshll.u32 v30, $0x3;
	v52 =	vld [tilespmem:s6+$0x170]  }
0x3c0: {  	v33 =	vand.u32 $0x18, v29;
	v27 =	vshll.u32 v27, $0x3;
	v29 =	vld [tilespmem:s6+$0x1F0]  }
0x3c1: {  	v32 =	vand.u32 $0x18, v27;
	v27 =	vshll.u32 v47, $0x3;
	v26 =	vld.idx.msk [tilespmem:v26+s5+$0x0], $0xffff  }
0x3c2: {  	v30 =	vand.u32 $0x18, v27;
	v27 =	vshll.u32 v49, $0x3;
	v47 =	vld.idx.msk [tilespmem:v50+s5+$0x0], $0xffff  }
0x3c3: {  	v27 =	vand.u32 $0x18, v27;
	v49 =	vld [tilespmem:s13+$0xFFFFFE00]  }
0x3c4: {  	v50 =	vld [tilespmem:s13+$0xFFFFFE80];
	v52 =	vshrl.u32 v52, v12;
	v12 =	vmov v45  }
0x3c5: {  	v45 =	vld [tilespmem:s13+$0xFFFFFF00];
	v29 =	vshrl.u32 v29, v11;
	v52 =	vand.u32 $0xFF, v52;
	v11 =	vmov v46  }
0x3c6: {  	v46 =	vld [tilespmem:s13+$0xFFFFFF80];
	v29 =	vand.u32 $0xFF, v29  }
0x3c7: {  	v25 =	vshll.u32 v25, $0x10;
	v48 =	vshll.u32 v48, $0x10;
	v53 =	vld [tilespmem:s13+$0x0]  }
0x3c8: {  	v26 =	vmul.f32 v26, v25;
	v47 =	vmul.f32 v47, v48;
	v49 =	vshrl.u32 v49, v34;
	v54 =	vld [tilespmem:s13+$0x80]  }
0x3c9: {  	v51 =	vld.idx.msk [tilespmem:v51+s18+$0x0], $0xffff;
	v50 =	vshrl.u32 v50, v35;
	v49 =	vand.u32 $0xFF, v49  }
0x3ca: {  	s2 =	sadd.s32 $0x200, s2;
	v26 =	vpack.i.f32.bf16 v47, v26;
	v50 =	vand.u32 $0xFF, v50;
	v45 =	vshrl.u32 v45, v33;
	v47 =	vld.idx.msk [tilespmem:v52+s5+$0x0], $0xffff  }
0x3cb: {  	v46 =	vshrl.u32 v46, v32;
	v45 =	vand.u32 $0xFF, v45;
	[tilespmem:s2+$0x80] =	vst v26;
	v26 =	vld.idx.msk [tilespmem:v29+s5+$0x0], $0xffff  }
0x3cc: {  	v46 =	vand.u32 $0xFF, v46;
	v29 =	vshrl.u32 v53, v30;
	v52 =	vld [tilespmem:s13+$0x110]  }
0x3cd: {  	v53 =	vshrl.u32 v54, v27;
	v54 =	vand.u32 $0xFF, v29;
	v29 =	vld [tilespmem:s13+$0x190]  }
0x3ce: {  	v55 =	vld.idx.msk [tilespmem:v31+s18+$0x0], $0xffff;
	v53 =	vand.u32 $0xFF, v53  }
0x3cf: {  	v31 =	vshll.u32 v51, $0x10;
	v44 =	vld.idx.msk [tilespmem:v44+s18+$0x0], $0xffff  }
0x3d0: {  	v36 =	vld.idx.msk [tilespmem:v36+s18+$0x0], $0xffff  }
0x3d1: {  	v47 =	vmul.f32 v47, v13;
	v26 =	vmul.f32 v26, v14;
	v43 =	vld.idx.msk [tilespmem:v43+s18+$0x0], $0xffff;
	v51 =	vshrl.u32 v52, v12  }
0x3d2: {  	v13 =	vmovc v25;
	v14 =	vmov v48;
	v52 =	vld.idx.msk [tilespmem:v28+s18+$0x0], $0xffff;
	v28 =	vshrl.u32 v29, v11;
	v51 =	vand.u32 $0xFF, v51  }
0x3d3: {  	v25 =	vpack.i.f32.bf16 v26, v47;
	v48 =	vld.idx.msk [tilespmem:v50+s5+$0x0], $0xffff;
	v50 =	vand.u32 $0xFF, v28  }
0x3d4: {  	v29 =	vshll.u32 v55, $0x10;
	v45 =	vld.idx.msk [tilespmem:v45+s5+$0x0], $0xffff;
	[tilespmem:s0+$0xF0] =	vst v25  }
0x3d5: {  	v28 =	vshll.u32 v44, $0x10;
	v44 =	vld.idx.msk [tilespmem:v46+s5+$0x0], $0xffff  }
0x3d6: {  	v26 =	vshll.u32 v36, $0x10;
	v46 =	vld.idx.msk [tilespmem:v54+s5+$0x0], $0xffff  }
0x3d7: {  	v25 =	vshll.u32 v43, $0x10;
	v43 =	vld.idx.msk [tilespmem:v51+s5+$0x0], $0xffff  }
0x3d8: {  	v36 =	vshll.u32 v52, $0x10;
	v47 =	vld.idx.msk [tilespmem:v50+s5+$0x0], $0xffff  }
0x3d9: {  	v48 =	vmul.f32 v48, v31;
	v50 =	vld.idx.msk [tilespmem:v53+s5+$0x0], $0xffff  }
0x3da: {  	v45 =	vmul.f32 v45, v29;
	v49 =	vld.idx.msk [tilespmem:v49+s5+$0x0], $0xffff  }
0x3db: {  	v44 =	vmul.f32 v44, v28;
	v41 =	vld.idx.msk [tilespmem:v41+s5+$0x0], $0xffff  }
0x3dc: {  	v46 =	vmul.f32 v46, v26;
	v42 =	vld.idx.msk [tilespmem:v42+s5+$0x0], $0xffff  }
0x3dd: {  	v44 =	vpack.i.f32.bf16 v44, v45;
	v40 =	vld.idx.msk [tilespmem:v40+s5+$0x0], $0xffff  }
0x3de: {  	v43 =	vmul.f32 v43, v13;
	[tilespmem:s2+$0xFFFFFF80] =	vst v44;
	v44 =	vmul.f32 v47, v14;
	v39 =	vld.idx.msk [tilespmem:v39+s5+$0x0], $0xffff  }
0x3df: {  	v47 =	vmul.f32 v50, v25;
	v45 =	vld [tilespmem:s13+$0xFFFFFF10]  }
0x3e0: {  	v49 =	vmul.f32 v49, v36;
	v50 =	vld [tilespmem:s13+$0xFFFFFF90];
	v43 =	vpack.i.f32.bf16 v44, v43  }
0x3e1: {  	v44 =	vpack.i.f32.bf16 v47, v46;
	v41 =	vmul.f32 v41, v24;
	[tilespmem:s2+$0x90] =	vst v43;
	v38 =	vld.idx.msk [tilespmem:v38+s5+$0x0], $0xffff  }
0x3e2: {  	v43 =	vpack.i.f32.bf16 v48, v49;
	v42 =	vmul.f32 v42, v23;
	[tilespmem:s2+$0x0] =	vst v44;
	v44 =	vld [tilespmem:s13+$0x120]  }
0x3e3: {  	v40 =	vmul.f32 v40, v20;
	[tilespmem:s2+$0xFFFFFF00] =	vst v43;
	v43 =	vld [tilespmem:s13+$0x1A0]  }
0x3e4: {  	v41 =	vpack.i.f32.bf16 v42, v41;
	v39 =	vmul.f32 v39, v21;
	v46 =	vld [tilespmem:s13+$0xFFFFFE10];
	v45 =	vshrl.u32 v45, v33  }
0x3e5: {  	v42 =	vld [tilespmem:s13+$0xFFFFFE90];
	v47 =	vshrl.u32 v50, v32;
	v45 =	vand.u32 $0xFF, v45;
	[tilespmem:s0+$0xFFFFFF50] =	vst v41  }
0x3e6: {  	v39 =	vpack.i.f32.bf16 v39, v40;
	v41 =	vand.u32 $0xFF, v47;
	v47 =	vld [tilespmem:s13+$0x10]  }
0x3e7: {  	v38 =	vmul.f32 v38, v9;
	v40 =	vld [tilespmem:s13+$0x90];
	v44 =	vshrl.u32 v44, v12;
	[tilespmem:s0+$0xFFFFFFD0] =	vst v39  }
0x3e8: {  	v39 =	vshrl.u32 v43, v11;
	v43 =	vand.u32 $0xFF, v44;
	v37 =	vld.idx.msk [tilespmem:v37+s5+$0x0], $0xffff  }
0x3e9: {  	v44 =	vshrl.u32 v46, v34;
	v39 =	vand.u32 $0xFF, v39;
	v46 =	vld [tilespmem:s6+$0xFFFFFE60]  }
0x3ea: {  	v42 =	vshrl.u32 v42, v35;
	v44 =	vand.u32 $0xFF, v44;
	v45 =	vld.idx.msk [tilespmem:v45+s5+$0x0], $0xffff  }
0x3eb: {  	v42 =	vand.u32 $0xFF, v42;
	v41 =	vld.idx.msk [tilespmem:v41+s5+$0x0], $0xffff;
	v47 =	vshrl.u32 v47, v30  }
0x3ec: {  	v40 =	vshrl.u32 v40, v27;
	v47 =	vand.u32 $0xFF, v47;
	v48 =	vld [tilespmem:s6+$0xFFFFFEE0]  }
0x3ed: {  	v40 =	vand.u32 $0xFF, v40;
	v43 =	vld.idx.msk [tilespmem:v43+s5+$0x0], $0xffff  }
0x3ee: {  	v37 =	vmul.f32 v37, v10;
	v39 =	vld.idx.msk [tilespmem:v39+s5+$0x0], $0xffff;
	v46 =	vshrl.u32 v46, v22  }
0x3ef: {  	v44 =	vld.idx.msk [tilespmem:v44+s5+$0x0], $0xffff;
	v46 =	vand.u32 $0xFF, v46  }
0x3f0: {  	v45 =	vmul.f32 v45, v29;
	v37 =	vpack.i.f32.bf16 v37, v38;
	v42 =	vld.idx.msk [tilespmem:v42+s5+$0x0], $0xffff  }
0x3f1: {  	v38 =	vmul.f32 v41, v28;
	v41 =	vld.idx.msk [tilespmem:v47+s5+$0x0], $0xffff;
	v47 =	vshrl.u32 v48, v15;
	[tilespmem:s0+$0x50] =	vst v37  }
0x3f2: {  	v37 =	vld.idx.msk [tilespmem:v40+s5+$0x0], $0xffff;
	v40 =	vand.u32 $0xFF, v47  }
0x3f3: {  	v38 =	vpack.i.f32.bf16 v38, v45;
	v45 =	vld [tilespmem:s6+$0xFFFFFF60]  }
0x3f4: {  	v39 =	vmul.f32 v39, v14;
	[tilespmem:s2+$0xFFFFFF90] =	vst v38;
	v38 =	vmul.f32 v43, v13;
	v43 =	vld [tilespmem:s6+$0xFFFFFFE0]  }
0x3f5: {  	v44 =	vmul.f32 v44, v36;
	v47 =	vld [tilespmem:s13+$0xFFFFFF20]  }
0x3f6: {  	v42 =	vmul.f32 v42, v31;
	v48 =	vld [tilespmem:s13+$0xFFFFFFA0];
	v38 =	vpack.i.f32.bf16 v39, v38  }
0x3f7: {  	v39 =	vmul.f32 v41, v26;
	[tilespmem:s2+$0xA0] =	vst v38;
	v38 =	vld [tilespmem:s6+$0x60]  }
0x3f8: {  	v41 =	vpack.i.f32.bf16 v42, v44;
	v37 =	vmul.f32 v37, v25;
	v42 =	vld [tilespmem:s13+$0x130];
	v44 =	vshrl.u32 v45, v17  }
0x3f9: {  	[tilespmem:s2+$0xFFFFFF10] =	vst v41;
	v41 =	vld [tilespmem:s13+$0x1B0];
	v43 =	vshrl.u32 v43, v16;
	v44 =	vand.u32 $0xFF, v44  }
0x3fa: {  	v37 =	vpack.i.f32.bf16 v37, v39;
	v45 =	vld [tilespmem:s13+$0xFFFFFE20];
	v47 =	vshrl.u32 v47, v33;
	v39 =	vand.u32 $0xFF, v43  }
0x3fb: {  	v43 =	vld [tilespmem:s13+$0xFFFFFEA0];
	v48 =	vshrl.u32 v48, v32;
	v47 =	vand.u32 $0xFF, v47;
	[tilespmem:s2+$0x10] =	vst v37  }
0x3fc: {  	v37 =	vand.u32 $0xFF, v48;
	v48 =	vld [tilespmem:s13+$0x20];
	v38 =	vshrl.u32 v38, v18  }
0x3fd: {  	v49 =	vld [tilespmem:s13+$0xA0];
	v42 =	vshrl.u32 v42, v12;
	v38 =	vand.u32 $0xFF, v38  }
0x3fe: {  	v41 =	vshrl.u32 v41, v11;
	v42 =	vand.u32 $0xFF, v42;
	v50 =	vld [tilespmem:s6+$0xE0]  }
0x3ff: {  	v45 =	vshrl.u32 v45, v34;
	v41 =	vand.u32 $0xFF, v41;
	v46 =	vld.idx.msk [tilespmem:v46+s5+$0x0], $0xffff  }
0x400: {  	v43 =	vshrl.u32 v43, v35;
	v45 =	vand.u32 $0xFF, v45;
	v47 =	vld.idx.msk [tilespmem:v47+s5+$0x0], $0xffff  }
0x401: {  	v43 =	vand.u32 $0xFF, v43;
	v37 =	vld.idx.msk [tilespmem:v37+s5+$0x0], $0xffff;
	v48 =	vshrl.u32 v48, v30  }
0x402: {  	v49 =	vshrl.u32 v49, v27;
	v48 =	vand.u32 $0xFF, v48;
	v40 =	vld.idx.msk [tilespmem:v40+s5+$0x0], $0xffff  }
0x403: {  	v49 =	vand.u32 $0xFF, v49;
	v42 =	vld.idx.msk [tilespmem:v42+s5+$0x0], $0xffff;
	v50 =	vshrl.u32 v50, v19  }
0x404: {  	v41 =	vld.idx.msk [tilespmem:v41+s5+$0x0], $0xffff;
	v50 =	vand.u32 $0xFF, v50  }
0x405: {  	v46 =	vmul.f32 v46, v24;
	v45 =	vld.idx.msk [tilespmem:v45+s5+$0x0], $0xffff  }
0x406: {  	v47 =	vmul.f32 v47, v29;
	v43 =	vld.idx.msk [tilespmem:v43+s5+$0x0], $0xffff  }
0x407: {  	v37 =	vmul.f32 v37, v28;
	v48 =	vld.idx.msk [tilespmem:v48+s5+$0x0], $0xffff  }
0x408: {  	v40 =	vmul.f32 v40, v23;
	v49 =	vld.idx.msk [tilespmem:v49+s5+$0x0], $0xffff  }
0x409: {  	v37 =	vpack.i.f32.bf16 v37, v47;
	v44 =	vld.idx.msk [tilespmem:v44+s5+$0x0], $0xffff  }
0x40a: {  	v41 =	vmul.f32 v41, v14;
	[tilespmem:s2+$0xFFFFFFA0] =	vst v37;
	v37 =	vmul.f32 v42, v13;
	v39 =	vld.idx.msk [tilespmem:v39+s5+$0x0], $0xffff  }
0x40b: {  	v40 =	vpack.i.f32.bf16 v40, v46;
	v42 =	vmul.f32 v45, v36;
	v45 =	vld [tilespmem:s13+$0xFFFFFF30]  }
0x40c: {  	v43 =	vmul.f32 v43, v31;
	v46 =	vld [tilespmem:s13+$0xFFFFFFB0];
	v37 =	vpack.i.f32.bf16 v41, v37;
	[tilespmem:s0+$0xFFFFFF60] =	vst v40  }
0x40d: {  	v40 =	vmul.f32 v48, v26;
	[tilespmem:s2+$0xB0] =	vst v37;
	v37 =	vld.idx.msk [tilespmem:v38+s5+$0x0], $0xffff  }
0x40e: {  	v38 =	vpack.i.f32.bf16 v43, v42;
	v41 =	vmul.f32 v49, v25;
	v42 =	vld [tilespmem:s13+$0x140]  }
0x40f: {  	v43 =	vmul.f32 v44, v20;
	[tilespmem:s2+$0xFFFFFF20] =	vst v38;
	v38 =	vld [tilespmem:s13+$0x1C0]  }
0x410: {  	v40 =	vpack.i.f32.bf16 v41, v40;
	v39 =	vmul.f32 v39, v21;
	v44 =	vld [tilespmem:s13+$0xFFFFFE30];
	v45 =	vshrl.u32 v45, v33  }
0x411: {  	v41 =	vld [tilespmem:s13+$0xFFFFFEB0];
	v46 =	vshrl.u32 v46, v32;
	v45 =	vand.u32 $0xFF, v45;
	[tilespmem:s2+$0x20] =	vst v40  }
0x412: {  	v39 =	vpack.i.f32.bf16 v39, v43;
	v40 =	vand.u32 $0xFF, v46;
	v46 =	vld [tilespmem:s13+$0x30]  }
0x413: {  	v37 =	vmul.f32 v37, v9;
	v43 =	vld [tilespmem:s13+$0xB0];
	v42 =	vshrl.u32 v42, v12;
	[tilespmem:s0+$0xFFFFFFE0] =	vst v39  }
0x414: {  	v38 =	vshrl.u32 v38, v11;
	v39 =	vand.u32 $0xFF, v42;
	v42 =	vld.idx.msk [tilespmem:v50+s5+$0x0], $0xffff  }
0x415: {  	v44 =	vshrl.u32 v44, v34;
	v38 =	vand.u32 $0xFF, v38;
	v47 =	vld [tilespmem:s6+$0xFFFFFE70]  }
0x416: {  	v41 =	vshrl.u32 v41, v35;
	v44 =	vand.u32 $0xFF, v44;
	v45 =	vld.idx.msk [tilespmem:v45+s5+$0x0], $0xffff  }
0x417: {  	v41 =	vand.u32 $0xFF, v41;
	v40 =	vld.idx.msk [tilespmem:v40+s5+$0x0], $0xffff;
	v46 =	vshrl.u32 v46, v30  }
0x418: {  	v43 =	vshrl.u32 v43, v27;
	v46 =	vand.u32 $0xFF, v46;
	v48 =	vld [tilespmem:s6+$0xFFFFFEF0]  }
0x419: {  	v43 =	vand.u32 $0xFF, v43;
	v39 =	vld.idx.msk [tilespmem:v39+s5+$0x0], $0xffff  }
0x41a: {  	v42 =	vmul.f32 v42, v10;
	v38 =	vld.idx.msk [tilespmem:v38+s5+$0x0], $0xffff;
	v47 =	vshrl.u32 v47, v22;
	v22 =	vmov v34  }
0x41b: {  	v34 =	vld.idx.msk [tilespmem:v44+s5+$0x0], $0xffff;
	v44 =	vand.u32 $0xFF, v47  }
0x41c: {  	v45 =	vmul.f32 v45, v29;
	v37 =	vpack.i.f32.bf16 v42, v37;
	v41 =	vld.idx.msk [tilespmem:v41+s5+$0x0], $0xffff  }
0x41d: {  	v40 =	vmul.f32 v40, v28;
	v42 =	vld.idx.msk [tilespmem:v46+s5+$0x0], $0xffff;
	v46 =	vshrl.u32 v48, v15;
	[tilespmem:s0+$0x60] =	vst v37;
	v15 =	vmov v35  }
0x41e: {  	v35 =	vld.idx.msk [tilespmem:v43+s5+$0x0], $0xffff;
	v37 =	vand.u32 $0xFF, v46  }
0x41f: {  	v40 =	vpack.i.f32.bf16 v40, v45;
	v43 =	vld [tilespmem:s6+$0xFFFFFF70]  }
0x420: {  	v39 =	vmul.f32 v39, v13;
	v38 =	vmul.f32 v38, v14;
	[tilespmem:s2+$0xFFFFFFB0] =	vst v40;
	v40 =	vld [tilespmem:s6+$0xFFFFFFF0]  }
0x421: {  	v34 =	vmul.f32 v34, v36;
	v45 =	vld [tilespmem:s13+$0xFFFFFF40]  }
0x422: {  	v41 =	vmul.f32 v41, v31;
	v38 =	vpack.i.f32.bf16 v38, v39;
	v46 =	vld [tilespmem:s13+$0xFFFFFFC0]  }
0x423: {  	v39 =	vmul.f32 v42, v26;
	[tilespmem:s2+$0xC0] =	vst v38;
	v38 =	vld [tilespmem:s6+$0x70]  }
0x424: {  	v34 =	vpack.i.f32.bf16 v41, v34;
	v35 =	vmul.f32 v35, v25;
	v41 =	vld [tilespmem:s13+$0x150];
	v42 =	vshrl.u32 v43, v17;
	v17 =	vmovc v33  }
0x425: {  	[tilespmem:s2+$0xFFFFFF30] =	vst v34;
	v33 =	vld [tilespmem:s13+$0x1D0];
	v34 =	vshrl.u32 v40, v16;
	v40 =	vand.u32 $0xFF, v42;
	v16 =	vmov v32  }
0x426: {  	v35 =	vpack.i.f32.bf16 v35, v39;
	v32 =	vld [tilespmem:s13+$0xFFFFFE40];
	v42 =	vshrl.u32 v45, v17;
	v34 =	vand.u32 $0xFF, v34  }
0x427: {  	v39 =	vld [tilespmem:s13+$0xFFFFFEC0];
	v43 =	vshrl.u32 v46, v16;
	v42 =	vand.u32 $0xFF, v42;
	[tilespmem:s2+$0x30] =	vst v35  }
0x428: {  	v35 =	vand.u32 $0xFF, v43;
	v43 =	vld [tilespmem:s13+$0x40];
	v38 =	vshrl.u32 v38, v18;
	v18 =	vmov v30  }
0x429: {  	v30 =	vld [tilespmem:s13+$0xC0];
	v41 =	vshrl.u32 v41, v12;
	v38 =	vand.u32 $0xFF, v38  }
0x42a: {  	v33 =	vshrl.u32 v33, v11;
	v41 =	vand.u32 $0xFF, v41;
	v45 =	vld [tilespmem:s6+$0xF0];
	s6 =	smov.u32 s13  }
0x42b: {  	v32 =	vshrl.u32 v32, v22;
	v33 =	vand.u32 $0xFF, v33;
	v44 =	vld.idx.msk [tilespmem:v44+s5+$0x0], $0xffff  }
0x42c: {  	v39 =	vshrl.u32 v39, v15;
	v46 =	vand.u32 $0xFF, v32;
	v42 =	vld.idx.msk [tilespmem:v42+s5+$0x0], $0xffff  }
0x42d: {  	v39 =	vand.u32 $0xFF, v39;
	v35 =	vld.idx.msk [tilespmem:v35+s5+$0x0], $0xffff;
	v32 =	vshrl.u32 v43, v18  }
0x42e: {  	v30 =	vshrl.u32 v30, v27;
	v43 =	vand.u32 $0xFF, v32;
	v37 =	vld.idx.msk [tilespmem:v37+s5+$0x0], $0xffff  }
0x42f: {  	v30 =	vand.u32 $0xFF, v30;
	v41 =	vld.idx.msk [tilespmem:v41+s5+$0x0], $0xffff;
	v32 =	vshrl.u32 v45, v19;
	v19 =	vmov v27  }
0x430: {  	v27 =	vld.idx.msk [tilespmem:v33+s5+$0x0], $0xffff;
	v32 =	vand.u32 $0xFF, v32  }
0x431: {  	v44 =	vmul.f32 v44, v24;
	v24 =	vmov v36;
	v33 =	vld.idx.msk [tilespmem:v46+s5+$0x0], $0xffff  }
0x432: {  	v36 =	vld.idx.msk [tilespmem:v39+s5+$0x0], $0xffff;
	v39 =	vmul.f32 v42, v29  }
0x433: {  	v35 =	vmul.f32 v35, v28;
	v42 =	vld.idx.msk [tilespmem:v43+s5+$0x0], $0xffff  }
0x434: {  	v37 =	vmul.f32 v37, v23;
	v23 =	vmov v31;
	v30 =	vld.idx.msk [tilespmem:v30+s5+$0x0], $0xffff  }
0x435: {  	v31 =	vpack.i.f32.bf16 v35, v39;
	v35 =	vld.idx.msk [tilespmem:v40+s5+$0x0], $0xffff  }
0x436: {  	v27 =	vmul.f32 v27, v14;
	[tilespmem:s2+$0xFFFFFFC0] =	vst v31;
	v31 =	vmul.f32 v41, v13;
	v39 =	vld.idx.msk [tilespmem:v34+s5+$0x0], $0xffff  }
0x437: {  	v40 =	vpack.i.f32.bf16 v37, v44;
	v33 =	vmul.f32 v33, v24;
	v34 =	vld [tilespmem:s13+$0xFFFFFF50]  }
.Ltmp2:
0x438: {  	v36 =	vmul.f32 v36, v23;
	v37 =	vld [tilespmem:s13+$0xFFFFFFD0];
	v27 =	vpack.i.f32.bf16 v27, v31;
	[tilespmem:s0+$0xFFFFFF70] =	vst v40;
	(pc) =	sbr.rel @p0 .LBB2_7-.Ltmp2, $4  }
0x439: {  	v40 =	vmul.f32 v42, v26;
	[tilespmem:s2+$0xD0] =	vst v27;
	v27 =	vld.idx.msk [tilespmem:v38+s5+$0x0], $0xffff  }
0x43a: {  	v33 =	vpack.i.f32.bf16 v36, v33;
	v36 =	vmul.f32 v30, v25;
	v31 =	vld [tilespmem:s13+$0x160]  }
0x43b: {  	v30 =	vmul.f32 v35, v20;
	v20 =	vmov v29;
	[tilespmem:s2+$0xFFFFFF40] =	vst v33;
	v33 =	vld [tilespmem:s13+$0x1E0]  }
0x43c: {  	s9 =	sadd.s32 $0x8, s9;
	v36 =	vpack.i.f32.bf16 v36, v40;
	v29 =	vmul.f32 v39, v21;
	v21 =	vmovc v28;
	v35 =	vld [tilespmem:s13+$0xFFFFFE50];
	v34 =	vshrl.u32 v34, v17  }
0x43d: {  	v8 =	vld [tilespmem:s13+$0xFFFFFED0];
	_ =	sdelay $0x1  }
0x43e: {  	[tilespmem:s2+$0x40] =	vst v36  }
0x43f: {  	v28 =	vld [tilespmem:s13+$0x50]  }
0x440: {  	v36 =	vld [tilespmem:s13+$0xD0];
	v35 =	vshrl.u32 v35, v22  }
0x441: {  	v8 =	vshrl.u32 v8, v15;
	v35 =	vand.u32 $0xFF, v35  }
0x442: {  	v8 =	vand.u32 $0xFF, v8  }
0x443: {  	v37 =	vshrl.u32 v37, v16;
	v34 =	vand.u32 $0xFF, v34  }
0x444: {  	v37 =	vand.u32 $0xFF, v37;
	v28 =	vshrl.u32 v28, v18  }
0x445: {  	v36 =	vshrl.u32 v36, v19;
	v28 =	vand.u32 $0xFF, v28  }
0x446: {  	v36 =	vand.u32 $0xFF, v36;
	v35 =	vld.idx.msk [tilespmem:v35+s5+$0x0], $0xffff  }
0x447: {  	v8 =	vld.idx.msk [tilespmem:v8+s5+$0x0], $0xffff  }
0x448: {  	v34 =	vld.idx.msk [tilespmem:v34+s5+$0x0], $0xffff  }
0x449: {  	v37 =	vld.idx.msk [tilespmem:v37+s5+$0x0], $0xffff  }
0x44a: {  	v28 =	vld.idx.msk [tilespmem:v28+s5+$0x0], $0xffff  }
0x44b: {  	v36 =	vld.idx.msk [tilespmem:v36+s5+$0x0], $0xffff  }
0x44c: {  	v35 =	vmul.f32 v35, v24;
	v8 =	vmul.f32 v8, v23;
	_ =	sdelay $0x1  }
0x44d: {  	v34 =	vmul.f32 v34, v20;
	v57 =	vmul.f32 v37, v21;
	v8 =	vpack.i.f32.bf16 v8, v35  }
0x44e: {  	[tilespmem:s2+$0xFFFFFF50] =	vst v8  }
0x44f: {  	v28 =	vmul.f32 v28, v26;
	v59 =	vmul.f32 v36, v25;
	v8 =	vpack.i.f32.bf16 v57, v34;
	v58 =	vld [tilespmem:s6+$0xFFFFFE60]  }
0x450: {  	[tilespmem:s2+$0xFFFFFFD0] =	vst v8;
	v8 =	vld [tilespmem:s6+$0xFFFFFEE0]  }
0x451: {  	v28 =	vpack.i.f32.bf16 v59, v28;
	v60 =	vld [tilespmem:s6+$0xFFFFFF60]  }
0x452: {  	v31 =	vshrl.u32 v31, v12;
	[tilespmem:s2+$0x50] =	vst v28;
	v61 =	vld [tilespmem:s6+$0xFFFFFFE0]  }
0x453: {  	v33 =	vshrl.u32 v33, v11;
	v31 =	vand.u32 $0xFF, v31;
	v62 =	vld [tilespmem:s6+$0x60]  }
0x454: {  	v33 =	vand.u32 $0xFF, v33;
	v63 =	vld [tilespmem:s6+$0xE0];
	v34 =	vshrl.u32 v58, v22  }
0x455: {  	v8 =	vshrl.u32 v8, v15;
	v34 =	vand.u32 $0xFF, v34  }
0x456: {  	v8 =	vand.u32 $0xFF, v8;
	v35 =	vshrl.u32 v60, v17  }
0x457: {  	v28 =	vshrl.u32 v61, v16;
	v35 =	vand.u32 $0xFF, v35  }
0x458: {  	v31 =	vld.idx.msk [tilespmem:v31+s5+$0x0], $0xffff;
	v36 =	vshrl.u32 v62, v18;
	v28 =	vand.u32 $0xFF, v28  }
0x459: {  	v33 =	vld.idx.msk [tilespmem:v33+s5+$0x0], $0xffff;
	v37 =	vshrl.u32 v63, v19;
	v36 =	vand.u32 $0xFF, v36  }
0x45a: {  	v37 =	vand.u32 $0xFF, v37;
	v34 =	vld.idx.msk [tilespmem:v34+s5+$0x0], $0xffff  }
0x45b: {  	v8 =	vld.idx.msk [tilespmem:v8+s5+$0x0], $0xffff  }
0x45c: {  	v35 =	vld.idx.msk [tilespmem:v35+s5+$0x0], $0xffff  }
0x45d: {  	v28 =	vld.idx.msk [tilespmem:v28+s5+$0x0], $0xffff  }
0x45e: {  	v31 =	vmul.f32 v31, v13;
	v33 =	vmul.f32 v33, v14;
	v36 =	vld.idx.msk [tilespmem:v36+s5+$0x0], $0xffff  }
0x45f: {  	v37 =	vld.idx.msk [tilespmem:v37+s5+$0x0], $0xffff  }
0x460: {  	v31 =	vpack.i.f32.bf16 v33, v31;
	v39 =	vmul.f32 v34, v24;
	v8 =	vmul.f32 v8, v23  }
0x461: {  	[tilespmem:s2+$0xE0] =	vst v31  }
0x462: {  	v31 =	vld [tilespmem:s6+$0x170];
	v40 =	vmul.f32 v35, v20;
	v28 =	vmul.f32 v28, v21;
	v8 =	vpack.i.f32.bf16 v8, v39  }
0x463: {  	v41 =	vld [tilespmem:s6+$0x1F0];
	[tilespmem:s2+$0xFFFFFF60] =	vst v8  }
0x464: {  	v42 =	vmul.f32 v36, v26;
	v44 =	vmul.f32 v37, v25;
	v8 =	vpack.i.f32.bf16 v28, v40;
	v43 =	vld [tilespmem:s6+$0xFFFFFE70]  }
0x465: {  	[tilespmem:s2+$0xFFFFFFE0] =	vst v8;
	v8 =	vld [tilespmem:s6+$0xFFFFFEF0]  }
0x466: {  	v28 =	vpack.i.f32.bf16 v44, v42;
	v45 =	vld [tilespmem:s6+$0xFFFFFF70]  }
0x467: {  	v46 =	vshrl.u32 v31, v12;
	[tilespmem:s2+$0x60] =	vst v28;
	v47 =	vld [tilespmem:s6+$0xFFFFFFF0]  }
0x468: {  	v48 =	vshrl.u32 v41, v11;
	v12 =	vand.u32 $0xFF, v46;
	v49 =	vld [tilespmem:s6+$0x70]  }
0x469: {  	v11 =	vand.u32 $0xFF, v48;
	v51 =	vld [tilespmem:s6+$0xF0];
	v50 =	vshrl.u32 v43, v22  }
0x46a: {  	v8 =	vshrl.u32 v8, v15;
	v22 =	vand.u32 $0xFF, v50  }
0x46b: {  	v8 =	vand.u32 $0xFF, v8;
	v52 =	vshrl.u32 v45, v17  }
0x46c: {  	v53 =	vld.idx.msk [tilespmem:v32+s5+$0x0], $0xffff;
	v54 =	vshrl.u32 v47, v16;
	v15 =	vand.u32 $0xFF, v52  }
0x46d: {  	v12 =	vld.idx.msk [tilespmem:v12+s5+$0x0], $0xffff;
	v55 =	vshrl.u32 v49, v18;
	v16 =	vand.u32 $0xFF, v54  }
0x46e: {  	v11 =	vld.idx.msk [tilespmem:v11+s5+$0x0], $0xffff;
	v56 =	vshrl.u32 v51, v19;
	v18 =	vand.u32 $0xFF, v55  }
0x46f: {  	v19 =	vand.u32 $0xFF, v56;
	v22 =	vld.idx.msk [tilespmem:v22+s5+$0x0], $0xffff  }
0x470: {  	v8 =	vld.idx.msk [tilespmem:v8+s5+$0x0], $0xffff  }
0x471: {  	v15 =	vld.idx.msk [tilespmem:v15+s5+$0x0], $0xffff  }
0x472: {  	v16 =	vld.idx.msk [tilespmem:v16+s5+$0x0], $0xffff  }
0x473: {  	v18 =	vld.idx.msk [tilespmem:v18+s5+$0x0], $0xffff  }
0x474: {  	v9 =	vmul.f32 v27, v9;
	v10 =	vmul.f32 v53, v10;
	v19 =	vld.idx.msk [tilespmem:v19+s5+$0x0], $0xffff;
	_ =	sdelay $0x1  }
0x475: {  	v9 =	vpack.i.f32.bf16 v10, v9;
	v12 =	vmul.f32 v12, v13;
	v11 =	vmul.f32 v11, v14  }
0x476: {  	s30 =	sadd.s32 $0x1, s30;
	[tilespmem:s0+$0x70] =	vst v9;
	v57 =	vpack.i.f32.bf16 v29, v30;
	v58 =	vmul.f32 v22, v24;
	v8 =	vmul.f32 v8, v23  }
0x477: {  	p0 =	sne.s32 s30, $0x19;
	[tilespmem:s0+$0xFFFFFFF0] =	vst v57;
	v59 =	vpack.i.f32.bf16 v11, v12;
	v60 =	vmul.f32 v15, v20;
	v61 =	vmul.f32 v16, v21  }
.Ltmp3:
0x478: {  	s28 =	sshll.u32 s31, $0x12;
	[tilespmem:s2+$0xF0] =	vst v59;
	v62 =	vmul.f32 v18, v26;
	v63 =	vmul.f32 v19, v25;
	v8 =	vpack.i.f32.bf16 v8, v58;
	(pc) =	sbr.rel @p0 .LBB2_4-.Ltmp3, $4  }
0x479: {  	s0 =	sor.u32 s8, s28;
	[tilespmem:s2+$0xFFFFFF70] =	vst v8;
	v8 =	vpack.i.f32.bf16 v61, v60  }
0x47a: {  	s0 =	sshrl.u32 s0, $0x3;
	[tilespmem:s2+$0xFFFFFFF0] =	vst v8;
	v8 =	vpack.i.f32.bf16 v63, v62  }
0x47b: {  	s31 =	simm.s32 $0x11A00;
	s0 =	sadd.s32 s4, s0;
	[tilespmem:s2+$0x70] =	vst v8  }
0x47c: {  	[hbm4b:s0+s5] =	stream.linear.scatter [tilespmem:s31], [sflag:$0x6], $0x2000, $0x38;
	[tilespmem:$0x13A00] =	vst v63  }
0x47d: {  	s0 =	simm.s32 $0x5  }
0x47e: {  	_ =	swait.ge [sflag:s0], $0x2000  }
0x47f: {  	[sflag:s0] =	ssyncset.done $0x0  }
0x480: {  	s2 =	simm.s32 $0x6;
	[sflag:s0] =	ssyncadd.s32 $0xFFFFE000  }
0x481: {  	_ =	swait.ge [sflag:s2], $0x2000  }
0x482: {  	s6 =	rddreg [dreg:$0x7]  }
0x483: {  	s31 =	rddreg [dreg:$0x6];
	s6 =	sadd.s32 $0x1, s6  }
0x484: {  	p0 =	sne.s32 s6, s31  }
.Ltmp4:
0x485: {  	_ = 	snop;
	(pc) =	sbr.rel @p0 .LBB2_1-.Ltmp4, $3  }
0x486: {  	_ =	sdelay $0x1  }
0x487: {  	[sflag:s2] =	ssyncset.done $0x0  }
0x488: {  	[sflag:s2] =	ssyncadd.s32 $0xFFFFE000  }
0x489: {  	_ =	sfence.sel $0x180000  }
0x48a: {  	[bflag:$0x0] =	sbarrier.arrive $0xFFFF  }
0x48b: {  	_ =	strace $0x90000047  }
0x48c: {  	s0 =	stileid.u32;
	[bflag:$0x2] =	sbarrier.arrive $0xFFFF  }
0x48d: {  	p0 =	sne.s32 s0, $0x0;
	s0 =	rddreg [dreg:$0x3]  }
0x48e: {  	s0 =	sadd.s32 @!p0 $0x100000, s0  }
0x48f: {  	[sflag:s0] =	ssyncadd.tile.s32 @!p0 $0x1;
	_ =	shalt  }
.Lfunc_end2:
_tile_overlayer_lowered:
.L_overlay_start_2:
0x490: {  	(tag) =	ssettag $0x2  }
0x491: {  	s0 =	rddreg [dreg:$0x0];
	s2 =	stileid.u32  }
0x492: {  	s1 =	rddreg [dreg:$0x1];
	p0 =	sne.s32 s2, $0x0  }
0x493: {  	s3 =	rddreg [dreg:$0x2];
	[bflag:$0x3] =	sbarrier.arrive $0xFFFF;
	s2 =	simm.s32 @!p0 $0x1C07  }
0x494: {  	[timem:s3], [sflag:s2] =	dma.local @!p0 [hbm:s0], s1  }
0x495: {  	s0 =	simm.s32 @!p0 $0x7  }
0x496: {  	_ =	swait.ge @!p0 [sflag:s0], s1  }
0x497: {  	s1 =	ssub.s32 @!p0 $0x0, s1;
	[sflag:s0] =	ssyncset.done @!p0 $0x0  }
0x498: {  	[sflag:s0] =	ssyncadd.s32 @!p0 s1  }
0x499: {  	[bflag:$0x3] =	sbarrier.arrive $0xFFFF  }
0x49a: {  	_ =	shalt  }

</sc_bundles>
